<compile_context>
chip_gen: v7x
topology: tpu7x:2x2x1
jax: 0.10.2.dev20260603
libtpu: 0.0.44.dev20260713+nightly
codegen_flags: <defaults>
</compile_context>

<pallas_src>
import functools

import numpy as np
import jax
import jax.numpy as jnp
from jax import lax
from jax.experimental import pallas as pl
from jax.experimental.pallas import tpu as pltpu
from jax.experimental.pallas import tpu_sc as plsc

_N = 10000
_D = 128
_H = 64
_HG = 16
_SZ = 6
_MS = 3
_NC = 2
_G = 128

_TM = 400
_HP = 128
_CHUNK = 128
_NFULL = _N // _CHUNK
_TAILROWS = _N - _NFULL * _CHUNK
_B = _HG * _SZ



def _in_mlp_body(f_ref, w1_ref, b1_ref, w2_ref, b2_ref, wc_ref, h_ref, hw_ref):
    t = jnp.dot(f_ref[...], w1_ref[...], preferred_element_type=jnp.float32)
    t = jnp.maximum(t + b1_ref[...], 0.0)
    h = jnp.dot(t, w2_ref[...], preferred_element_type=jnp.float32) + b2_ref[...]
    h_ref[...] = jnp.concatenate([h, jnp.zeros_like(h)], axis=1)
    hw_ref[...] = jnp.dot(h, wc_ref[...], preferred_element_type=jnp.float32)


def _in_mlp(features, p):
    tm = 1000
    return pl.pallas_call(
        _in_mlp_body,
        grid=(_N // tm,),
        in_specs=[
            pl.BlockSpec((tm, _D), lambda i: (i, 0)),
            pl.BlockSpec((_D, 32), lambda i: (0, 0)),
            pl.BlockSpec((1, 32), lambda i: (0, 0)),
            pl.BlockSpec((32, _H), lambda i: (0, 0)),
            pl.BlockSpec((1, _H), lambda i: (0, 0)),
            pl.BlockSpec((_H, _H), lambda i: (0, 0)),
        ],
        out_specs=[
            pl.BlockSpec((tm, _HP), lambda i: (i, 0)),
            pl.BlockSpec((tm, _H), lambda i: (i, 0)),
        ],
        out_shape=[jax.ShapeDtypeStruct((_N, _HP), jnp.float32),
                   jax.ShapeDtypeStruct((_N, _H), jnp.float32)],
    )(
        features,
        p["W_in1"],
        p["b_in1"].reshape(1, -1),
        p["W_in2"],
        p["b_in2"].reshape(1, -1),
        p["W_conv"],
    )



@functools.lru_cache(maxsize=2)
def _build_seg_sums(with_counts):
  mesh = plsc.VectorSubcoreMesh(core_axis_name="c", subcore_axis_name="s")
  n_out = 4 if with_counts else 2
  scratch = [
      pltpu.VMEM((_CHUNK, _HP), jnp.float32),
      pltpu.VMEM((_CHUNK,), jnp.int32),
      pltpu.VMEM((_TAILROWS, _HP), jnp.float32),
      pltpu.VMEM((_TAILROWS,), jnp.int32),
      pltpu.VMEM_SHARED((_G, _HP), jnp.float32),
  ]
  if with_counts:
    scratch += [
        pltpu.VMEM((_CHUNK, _HP), jnp.float32),
        pltpu.VMEM((_TAILROWS, _HP), jnp.float32),
        pltpu.VMEM_SHARED((_G, _HP), jnp.float32),
    ]

  @functools.partial(
      pl.kernel,
      out_type=[jax.ShapeDtypeStruct((_G, _HP), jnp.float32)] * n_out,
      mesh=mesh,
      scratch_types=scratch,
  )
  def seg_sums(h_hbm, gi_hbm, z_hbm, o_hbm, *rest):
      if with_counts:
          (sa, sb, ca, cb,
           rowbuf, idxbuf, row_t, idx_t, acc_s,
           onesbuf, ones_t, acc_c) = rest
      else:
          sa, sb, rowbuf, idxbuf, row_t, idx_t, acc_s = rest
      cid = lax.axis_index("c")
      sid = lax.axis_index("s")
      wid = cid * 16 + sid

      @pl.when(sid == 0)
      def _():
          pltpu.sync_copy(z_hbm, acc_s)
          if with_counts:
              pltpu.sync_copy(z_hbm, acc_c)

      if with_counts:
          pltpu.sync_copy(o_hbm, onesbuf)
      plsc.subcore_barrier()

      for t in range(3):
          chunk = wid + t * 32

          @pl.when(chunk < _NFULL)
          def _():
              base = chunk * _CHUNK
              pltpu.sync_copy(gi_hbm.at[pl.ds(base, _CHUNK)], idxbuf)
              pltpu.sync_copy(h_hbm.at[pl.ds(base, _CHUNK)], rowbuf)
              pltpu.sync_copy(rowbuf, acc_s.at[idxbuf], add=True)
              if with_counts:
                  pltpu.sync_copy(onesbuf, acc_c.at[idxbuf], add=True)

      @pl.when(wid == 31)
      def _():
          base = _NFULL * _CHUNK
          pltpu.sync_copy(gi_hbm.at[pl.ds(base, _TAILROWS)], idx_t)
          pltpu.sync_copy(h_hbm.at[pl.ds(base, _TAILROWS)], row_t)
          pltpu.sync_copy(row_t, acc_s.at[idx_t], add=True)
          if with_counts:
              pltpu.sync_copy(o_hbm.at[pl.ds(0, _TAILROWS)], ones_t)
              pltpu.sync_copy(ones_t, acc_c.at[idx_t], add=True)

      plsc.subcore_barrier()

      @pl.when(sid == 0)
      def _():
          @pl.when(cid == 0)
          def _():
              pltpu.sync_copy(acc_s, sa)
              if with_counts:
                  pltpu.sync_copy(acc_c, ca)

          @pl.when(cid == 1)
          def _():
              pltpu.sync_copy(acc_s, sb)
              if with_counts:
                  pltpu.sync_copy(acc_c, cb)

  return seg_sums


def _seg_sums(h, gi, zeros, ones, with_counts=False):
    return _build_seg_sums(with_counts)(h, gi, zeros, ones)



def _conv_next_body(adj_ref, hw_ref, b_ref, wc_ref, h_ref, hwn_ref):
    t = jnp.dot(adj_ref[...], hw_ref[...], preferred_element_type=jnp.float32)
    h = jnp.maximum(t + b_ref[...], 0.0)
    h_ref[...] = jnp.concatenate([h, jnp.zeros_like(h)], axis=1)
    hwn_ref[...] = jnp.dot(h, wc_ref[...], preferred_element_type=jnp.float32)


def _conv_seg_body(adj_ref, hw_ref, b_ref, gi_ref, seg_ref):
    t = jnp.dot(adj_ref[...], hw_ref[...], preferred_element_type=jnp.float32)
    h = jnp.maximum(t + b_ref[...], 0.0)
    lanes = jax.lax.broadcasted_iota(jnp.int32, (_TM, _G), 1)
    oh = (gi_ref[...] == lanes).astype(jnp.float32)
    part = lax.dot_general(oh, h, (((0,), (0,)), ((), ())),
                           preferred_element_type=jnp.float32)

    @pl.when(pl.program_id(0) == 0)
    def _():
        seg_ref[...] = jnp.zeros_like(seg_ref)

    seg_ref[...] += part


def _conv_next(adj, hw, b, wc):
    return pl.pallas_call(
        _conv_next_body,
        grid=(_N // _TM,),
        in_specs=[
            pl.BlockSpec((_TM, _N), lambda i: (i, 0)),
            pl.BlockSpec((_N, _H), lambda i: (0, 0)),
            pl.BlockSpec((1, _H), lambda i: (0, 0)),
            pl.BlockSpec((_H, _H), lambda i: (0, 0)),
        ],
        out_specs=[
            pl.BlockSpec((_TM, _HP), lambda i: (i, 0)),
            pl.BlockSpec((_TM, _H), lambda i: (i, 0)),
        ],
        out_shape=[jax.ShapeDtypeStruct((_N, _HP), jnp.float32),
                   jax.ShapeDtypeStruct((_N, _H), jnp.float32)],
        compiler_params=pltpu.CompilerParams(
            dimension_semantics=("arbitrary",),
        ),
    )(adj, hw, b, wc)


def _conv_seg(adj, hw, b, gi2):
    return pl.pallas_call(
        _conv_seg_body,
        grid=(_N // _TM,),
        in_specs=[
            pl.BlockSpec((_TM, _N), lambda i: (i, 0)),
            pl.BlockSpec((_N, _H), lambda i: (0, 0)),
            pl.BlockSpec((1, _H), lambda i: (0, 0)),
            pl.BlockSpec((_TM, 1), lambda i: (i, 0)),
        ],
        out_specs=pl.BlockSpec((_G, _H), lambda i: (0, 0)),
        out_shape=jax.ShapeDtypeStruct((_G, _H), jnp.float32),
        compiler_params=pltpu.CompilerParams(
            dimension_semantics=("arbitrary",),
        ),
    )(adj, hw, b, gi2)



@functools.lru_cache(maxsize=1)
def _tail_consts():
    iu0, iu1 = np.triu_indices(_SZ, 1)
    nk = len(iu0)
    e = np.zeros((_B, _HG), np.float32)
    for r in range(_B):
        e[r, r // _SZ] = 1.0
    pk = np.zeros((nk, _SZ, _SZ), np.float32)
    for k in range(nk):
        pk[k, iu0[k], iu1[k]] = 1.0
        pk[k, iu1[k], iu0[k]] = 1.0
    pt = np.zeros((nk * _B, _SZ), np.float32)
    for k in range(nk):
        for r in range(_B):
            pt[k * _B + r] = pk[k, r % _SZ]
    mc = np.zeros((_SZ * _B, _B), np.float32)
    for j in range(_SZ):
        for r in range(_B):
            for c in range(_B):
                if c % _SZ == j and c // _SZ == r // _SZ:
                    mc[j * _B + r, c] = 1.0
    return jnp.asarray(e), jnp.asarray(pt), jnp.asarray(mc)


def _tail_body(s0a, s0b, ca, cb, s1a, s1b, s2,
               ah0, z20, ah1, z21,
               watt, batt, vatt, wib1, bib1, wib2, bib2,
               w10, b10, w20, b20, w11, b11, w21, b21, w12, b12, w22, b22,
               e_ref, pt_ref, mc_ref,
               score_ref, loss_ref):
    f32 = jnp.float32

    def dot(a, b):
        return lax.dot_general(a, b, (((1,), (0,)), ((), ())),
                               preferred_element_type=f32)

    def dott(a, b):
        return lax.dot_general(a, b, (((1,), (1,)), ((), ())),
                               preferred_element_type=f32)

    cnt = jnp.maximum(ca[:, :_H] + cb[:, :_H], 1.0)
    hg0 = (s0a[:, :_H] + s0b[:, :_H]) / cnt
    hg1 = (s1a[:, :_H] + s1b[:, :_H]) / cnt
    hg2 = s2[...] / cnt
    e_mat = e_ref[...]

    score = dot(jnp.maximum(dot(hg0, w10[...]) + b10[...], 0.0),
                w20[...]) + b20[...]
    loss = f32(0.0)

    for ah_ref, z2_ref, hg, w1r, b1r, w2r, b2r in (
        (ah0, z20, hg1, w11, b11, w21, b21),
        (ah1, z21, hg2, w12, b12, w22, b22),
    ):
        ahexp = dot(e_mat, jnp.maximum(ah_ref[...], 0.0))
        a2 = jnp.zeros((_B, _SZ), f32)
        for k in range(15):
            a2 = a2 + ahexp[:, k:k + 1] * pt_ref[k * _B:(k + 1) * _B, :]
        bd = jnp.zeros((_B, _B), f32)
        for j in range(_SZ):
            bd = bd + a2[:, j:j + 1] * mc_ref[j * _B:(j + 1) * _B, :]

        x = jax.nn.sigmoid(hg)
        z = z2_ref[...]
        zxt = dott(x, z)
        outs = []
        for _ in range(_MS):
            z = dot(bd, z)
            outs.append(dot(zxt * dott(x, z), e_mat))
        h1cat = jnp.concatenate(outs, axis=1)

        es = [dot(jnp.tanh(dot(o, watt[...]) + batt[...]), vatt[...])
              for o in outs]
        e_att = jnp.concatenate(es, axis=1)
        emax = jnp.max(e_att, axis=1, keepdims=True)
        ee = jnp.exp(e_att - emax)
        w_att = ee / jnp.sum(ee, axis=1, keepdims=True)
        ha = jnp.zeros_like(outs[0])
        for m in range(_MS):
            ha = ha + w_att[:, m:m + 1] * outs[m]

        def ib(u):
            t = jnp.maximum(dot(u, wib1[...]) + bib1[...], 0.0)
            return dot(t, wib2[...]) + bib2[...]

        pos = ib(jnp.concatenate([hg, ha], axis=1))
        ha_roll = jnp.concatenate([ha[_G - 1:_G, :], ha[:_G - 1, :]], axis=0)
        neg = ib(jnp.concatenate([hg, ha_roll], axis=1))
        loss = loss + jnp.mean(pos) - jnp.log(jnp.mean(jnp.exp(neg)) + 1e-8)

        score = score + dot(jnp.maximum(dot(h1cat, w1r[...]) + b1r[...], 0.0),
                            w2r[...]) + b2r[...]

    score_ref[...] = score
    loss_ref[...] = jnp.reshape(loss, (1, 1))


def _tail(seg, p):
    e_mat, pt, mc = _tail_consts()
    (s0a, s0b, ca, cb), (s1a, s1b), (s2,) = seg
    ker = p["ker"]
    pred = p["pred"]
    args = [
        s0a, s0b, ca, cb, s1a, s1b, s2,
        ker[0]["adj_hidden"], ker[0]["feat_hidden"].reshape(_B, _H),
        ker[1]["adj_hidden"], ker[1]["feat_hidden"].reshape(_B, _H),
        p["W_att"], p["b_att"].reshape(1, -1), p["v_att"].reshape(-1, 1),
        p["W_ib1"], p["b_ib1"].reshape(1, -1),
        p["W_ib2"], p["b_ib2"].reshape(1, -1),
        pred[0]["W1"], pred[0]["b1"].reshape(1, -1),
        pred[0]["W2"], pred[0]["b2"].reshape(1, -1),
        pred[1]["W1"], pred[1]["b1"].reshape(1, -1),
        pred[1]["W2"], pred[1]["b2"].reshape(1, -1),
        pred[2]["W1"], pred[2]["b1"].reshape(1, -1),
        pred[2]["W2"], pred[2]["b2"].reshape(1, -1),
        e_mat, pt, mc,
    ]
    return pl.pallas_call(
        _tail_body,
        out_shape=[
            jax.ShapeDtypeStruct((_G, _NC), jnp.float32),
            jax.ShapeDtypeStruct((1, 1), jnp.float32),
        ],
    )(*args)



def kernel(adj, features, graph_indicator, params):
    p = params
    gi = graph_indicator.astype(jnp.int32)
    gi2 = gi.reshape(_N, 1)
    zeros = jnp.zeros((_G, _HP), jnp.float32)
    ones = jnp.ones((_CHUNK, _HP), jnp.float32)
    b_conv = p["b_conv"].reshape(1, -1)

    h0, hw0 = _in_mlp(features, p)
    sa0, sb0, ca, cb = _seg_sums(h0, gi, zeros, ones, with_counts=True)
    h1, hw1 = _conv_next(adj, hw0, b_conv, p["W_conv"])
    sa1, sb1 = _seg_sums(h1, gi, zeros, ones)
    s2 = _conv_seg(adj, hw1, b_conv, gi2)

    score, loss = _tail(((sa0, sb0, ca, cb), (sa1, sb1), (s2,)), p)
    return score, loss[0, 0]

# --- scband reference (transcript-rebuilt; emitter-appended) ---
"""Pipeline reference for scband-kgib-37349035606677 (READ-ONLY COPY).

The authoritative reference and input builder live on the scoring server;
editing this copy changes nothing except your own understanding.
"""

import jax, jax.numpy as jnp
import numpy as np

N = 10000; D = 128; H = 64; HG = 16; SZ = 6; MS = 3; NL = 2; NC = 2; G = 128


def setup_inputs(seed: int = 0) -> dict:
    key = jax.random.key(seed)
    ks = jax.random.split(key, 40)
    features = jax.random.normal(ks[0], (N, D), dtype=jnp.float32)
    adj = jax.random.uniform(ks[1], (N, N), dtype=jnp.float32)
    graph_indicator = jnp.sort(jax.random.randint(ks[2], (N,), 0, G))
    def lin(k, i, o, scale=0.05):
        return scale * jax.random.normal(k, (i, o), dtype=jnp.float32)
    params = {
        "W_in1": lin(ks[3], D, 32), "b_in1": jnp.zeros((32,), jnp.float32),
        "W_in2": lin(ks[4], 32, H), "b_in2": jnp.zeros((H,), jnp.float32),
        "W_conv": lin(ks[5], H, H), "b_conv": jnp.zeros((H,), jnp.float32),
        "ker": [{"adj_hidden": 0.3 * jax.random.normal(ks[6 + l], (HG, SZ * (SZ - 1) // 2), dtype=jnp.float32),
                 "feat_hidden": 0.3 * jax.random.normal(ks[8 + l], (HG, SZ, H), dtype=jnp.float32)} for l in range(NL)],
        "W_att": lin(ks[10], HG, HG), "b_att": jnp.zeros((HG,), jnp.float32),
        "v_att": 0.1 * jax.random.normal(ks[11], (HG,), dtype=jnp.float32),
        "W_ib1": lin(ks[12], H + HG, 16), "b_ib1": jnp.zeros((16,), jnp.float32),
        "W_ib2": lin(ks[13], 16, 1), "b_ib2": jnp.zeros((1,), jnp.float32),
        "pred": [{"W1": lin(ks[14 + 2 * l], (H if l == 0 else HG * MS), H), "b1": jnp.zeros((H,), jnp.float32),
                  "W2": lin(ks[15 + 2 * l], H, NC), "b2": jnp.zeros((NC,), jnp.float32)} for l in range(NL + 1)],
    }
    return {"adj": adj, "features": features, "graph_indicator": graph_indicator, "params": params}


def _forward(adj, features, graph_indicator, params):
    def gmp(h, gi):
        s = jax.ops.segment_sum(h, gi, num_segments=G)
        c = jax.ops.segment_sum(jnp.ones((h.shape[0],), h.dtype), gi, num_segments=G)
        return s / jnp.maximum(c, 1.0)[:, None]
    # linear_transform_in
    h = jax.nn.relu(features @ params["W_in1"] + params["b_in1"])
    h = h @ params["W_in2"] + params["b_in2"]
    graph_embs = gmp(h, graph_indicator)
    hidden_rep = [graph_embs]
    loss_mi = jnp.float32(0.0)
    iu0, iu1 = np.triu_indices(SZ, 1)
    for layer in range(NL):
        # graph_convolution (weights shared across layers, as in original: conv list reuses one module)
        h = jax.nn.relu(adj @ (h @ params["W_conv"]) + params["b_conv"])
        h_g = gmp(h, graph_indicator)
        # KerRW random-walk kernel against learned hidden graphs
        kp = params["ker"][layer]
        A = jnp.zeros((HG, SZ, SZ), h.dtype).at[:, iu0, iu1].set(jax.nn.relu(kp["adj_hidden"]))
        A = A + jnp.transpose(A, (0, 2, 1))
        z = kp["feat_hidden"]
        x = jax.nn.sigmoid(h_g)
        zx = jnp.einsum('abc,dc->abd', z, x)
        outs = []
        for _ in range(MS):
            z = jnp.einsum('abc,acd->abd', A, z)
            t = jnp.einsum('abc,dc->abd', z, x)
            t = zx * t
            outs.append(jnp.sum(t, axis=1).T)
        h1 = jnp.concatenate(outs, axis=1)          # [G, HG*MS]
        h_att = jnp.stack(outs, axis=1)             # [G, MS, HG]
        # Attention over walk steps
        e = jnp.tanh(h_att @ params["W_att"] + params["b_att"]) @ params["v_att"]
        w = jax.nn.softmax(e, axis=1)
        h_a = jnp.sum(w[:, :, None] * h_att, axis=1)
        # MI estimator (MINE / Donsker-Varadhan), deterministic negative via roll
        def ib(u):
            u = jax.nn.relu(u @ params["W_ib1"] + params["b_ib1"])
            return u @ params["W_ib2"] + params["b_ib2"]
        pos = ib(jnp.concatenate([h_g, h_a], axis=1))
        neg = ib(jnp.concatenate([h_g, jnp.roll(h_a, 1, axis=0)], axis=1))
        loss_mi = loss_mi + (jnp.mean(pos) - jnp.log(jnp.mean(jnp.exp(neg)) + 1e-8))
        hidden_rep.append(h1)
    score = jnp.zeros((G, NC), jnp.float32)
    for layer, hr in enumerate(hidden_rep):
        p = params["pred"][layer]
        score = score + (jax.nn.relu(hr @ p["W1"] + p["b1"]) @ p["W2"] + p["b2"])
    return score, loss_mi


def reference(adj, features, graph_indicator, params):
    return _forward(adj, features, graph_indicator, params)

if __name__ == "__main__":
    import jax
    _d = setup_inputs()
    print(jax.jit(kernel)(*tuple(_d.values())))

</pallas_src>

<mosaic_0001>
#map = affine_map<(d0, d1) -> (0, 0)>
#map1 = affine_map<(d0, d1) -> (0)>
module attributes {stable_mosaic.version = 14 : i64} {
  func.func @seg_sums(%arg0: i32, %arg1: i32, %arg2: memref<10000x128xf32, #tpu.memory_space<hbm>>, %arg3: memref<10000xi32, #tpu.memory_space<hbm>>, %arg4: memref<128x128xf32, #tpu.memory_space<hbm>>, %arg5: memref<128x128xf32, #tpu.memory_space<hbm>>, %arg6: memref<128x128xf32, #tpu.memory_space<hbm>>, %arg7: memref<128x128xf32, #tpu.memory_space<hbm>>, %arg8: memref<128x128xf32, #tpu.memory_space<hbm>>, %arg9: memref<128x128xf32, #tpu.memory_space<hbm>>, %arg10: memref<128x128xf32, #tpu.memory_space<vmem>>, %arg11: memref<128xi32, #tpu.memory_space<vmem>>, %arg12: memref<16x128xf32, #tpu.memory_space<vmem>>, %arg13: memref<16xi32, #tpu.memory_space<vmem>>, %arg14: memref<128x128xf32, #tpu.memory_space<vmem_shared>>, %arg15: memref<128x128xf32, #tpu.memory_space<vmem>>, %arg16: memref<16x128xf32, #tpu.memory_space<vmem>>, %arg17: memref<128x128xf32, #tpu.memory_space<vmem_shared>>) attributes {dimension_semantics = [#tpu.dimension_semantics<core_parallel>, #tpu.dimension_semantics<subcore_parallel>], iteration_bounds = array<i64: 2, 16>, scalar_prefetch = 0 : i64, scratch_operands = 8 : i64, tpu.core_type = #tpu.core_type<sc_vector_subcore>, window_params = [{transform_indices = #map}, {transform_indices = #map1}, {transform_indices = #map}, {transform_indices = #map}, {transform_indices = #map}, {transform_indices = #map}, {transform_indices = #map}, {transform_indices = #map}]} {
    %mul3A = arith.constant 16 : i32
    %mul3A_0 = arith.muli %arg0, %mul3A : i32
    %add3A = arith.addi %mul3A_0, %arg1 : i32
    %eq3A = arith.constant 0 : i32
    %eq3A_1 = arith.cmpi eq, %arg1, %eq3A : i32
    %convert_element_type3A = arith.extui %eq3A_1 : i1 to i32
    %cond3A = arith.constant 0 : i32
    %cond3A_2 = arith.cmpi ne, %convert_element_type3A, %cond3A : i32
    scf.if %cond3A_2 {
      "tpu.region"() ({
        %run_scoped3A = tpu.sem_alloc : memref<!tpu.dma_semaphore, #tpu.memory_space<semaphore_mem>>
        tpu.enqueue_dma source(%arg4 : memref<128x128xf32, #tpu.memory_space<hbm>>) target(%arg14 : memref<128x128xf32, #tpu.memory_space<vmem_shared>>) target_semaphore(%run_scoped3A : memref<!tpu.dma_semaphore, #tpu.memory_space<semaphore_mem>>)
        tpu.wait_dma2 semaphore(%run_scoped3A : memref<!tpu.dma_semaphore, #tpu.memory_space<semaphore_mem>>) src(%arg4 : memref<128x128xf32, #tpu.memory_space<hbm>>) dst(%arg14 : memref<128x128xf32, #tpu.memory_space<vmem_shared>>)
        tpu.yield
      }) : () -> ()
      "tpu.region"() ({
        %run_scoped3A = tpu.sem_alloc : memref<!tpu.dma_semaphore, #tpu.memory_space<semaphore_mem>>
        tpu.enqueue_dma source(%arg4 : memref<128x128xf32, #tpu.memory_space<hbm>>) target(%arg17 : memref<128x128xf32, #tpu.memory_space<vmem_shared>>) target_semaphore(%run_scoped3A : memref<!tpu.dma_semaphore, #tpu.memory_space<semaphore_mem>>)
        tpu.wait_dma2 semaphore(%run_scoped3A : memref<!tpu.dma_semaphore, #tpu.memory_space<semaphore_mem>>) src(%arg4 : memref<128x128xf32, #tpu.memory_space<hbm>>) dst(%arg17 : memref<128x128xf32, #tpu.memory_space<vmem_shared>>)
        tpu.yield
      }) : () -> ()
    } else {
    }
    "tpu.region"() ({
      %run_scoped3A = tpu.sem_alloc : memref<!tpu.dma_semaphore, #tpu.memory_space<semaphore_mem>>
      tpu.enqueue_dma source(%arg5 : memref<128x128xf32, #tpu.memory_space<hbm>>) target(%arg15 : memref<128x128xf32, #tpu.memory_space<vmem>>) target_semaphore(%run_scoped3A : memref<!tpu.dma_semaphore, #tpu.memory_space<semaphore_mem>>)
      tpu.wait_dma2 semaphore(%run_scoped3A : memref<!tpu.dma_semaphore, #tpu.memory_space<semaphore_mem>>) src(%arg5 : memref<128x128xf32, #tpu.memory_space<hbm>>) dst(%arg15 : memref<128x128xf32, #tpu.memory_space<vmem>>)
      tpu.yield
    }) : () -> ()
    %barrier3A = arith.constant 0 : index
    tpu.barrier barrier_id(%barrier3A)
    %add3A_3 = arith.constant 0 : i32
    %add3A_4 = arith.addi %add3A, %add3A_3 : i32
    %lt3A = arith.constant 78 : i32
    %lt3A_5 = arith.cmpi slt, %add3A_4, %lt3A : i32
    %convert_element_type3A_6 = arith.extui %lt3A_5 : i1 to i32
    %cond3A_7 = arith.constant 0 : i32
    %cond3A_8 = arith.cmpi ne, %convert_element_type3A_6, %cond3A_7 : i32
    scf.if %cond3A_8 {
      %mul3A_34 = arith.constant 128 : i32
      %mul3A_35 = arith.muli %add3A_4, %mul3A_34 : i32
      "tpu.region"() ({
        %run_scoped3A = tpu.sem_alloc : memref<!tpu.dma_semaphore, #tpu.memory_space<semaphore_mem>>
        %dma_start3A = tpu.memref_slice %arg3[%mul3A_35] : memref<10000xi32, #tpu.memory_space<hbm>> -> memref<128xi32, #tpu.memory_space<hbm>>
        %dma_start3A_36 = tpu.memref_slice %arg3[%mul3A_35] : memref<10000xi32, #tpu.memory_space<hbm>> -> memref<128xi32, #tpu.memory_space<hbm>>
        tpu.enqueue_dma source(%dma_start3A_36 : memref<128xi32, #tpu.memory_space<hbm>>) target(%arg11 : memref<128xi32, #tpu.memory_space<vmem>>) target_semaphore(%run_scoped3A : memref<!tpu.dma_semaphore, #tpu.memory_space<semaphore_mem>>)
        %dma_wait3A = tpu.memref_slice %arg3[%mul3A_35] : memref<10000xi32, #tpu.memory_space<hbm>> -> memref<128xi32, #tpu.memory_space<hbm>>
        %dma_wait3A_37 = tpu.memref_slice %arg3[%mul3A_35] : memref<10000xi32, #tpu.memory_space<hbm>> -> memref<128xi32, #tpu.memory_space<hbm>>
        tpu.wait_dma2 semaphore(%run_scoped3A : memref<!tpu.dma_semaphore, #tpu.memory_space<semaphore_mem>>) src(%dma_wait3A_37 : memref<128xi32, #tpu.memory_space<hbm>>) dst(%arg11 : memref<128xi32, #tpu.memory_space<vmem>>)
        tpu.yield
      }) : () -> ()
      "tpu.region"() ({
        %run_scoped3A = tpu.sem_alloc : memref<!tpu.dma_semaphore, #tpu.memory_space<semaphore_mem>>
        %dma_start3A = arith.constant 0 : i32
        %dma_start3A_36 = tpu.memref_slice %arg2[%mul3A_35, %dma_start3A] : memref<10000x128xf32, #tpu.memory_space<hbm>> -> memref<128x128xf32, #tpu.memory_space<hbm>>
        %dma_start3A_37 = arith.constant 0 : i32
        %dma_start3A_38 = tpu.memref_slice %arg2[%mul3A_35, %dma_start3A_37] : memref<10000x128xf32, #tpu.memory_space<hbm>> -> memref<128x128xf32, #tpu.memory_space<hbm>>
        tpu.enqueue_dma source(%dma_start3A_38 : memref<128x128xf32, #tpu.memory_space<hbm>>) target(%arg10 : memref<128x128xf32, #tpu.memory_space<vmem>>) target_semaphore(%run_scoped3A : memref<!tpu.dma_semaphore, #tpu.memory_space<semaphore_mem>>)
        %dma_wait3A = arith.constant 0 : i32
        %dma_wait3A_39 = tpu.memref_slice %arg2[%mul3A_35, %dma_wait3A] : memref<10000x128xf32, #tpu.memory_space<hbm>> -> memref<128x128xf32, #tpu.memory_space<hbm>>
        %dma_wait3A_40 = arith.constant 0 : i32
        %dma_wait3A_41 = tpu.memref_slice %arg2[%mul3A_35, %dma_wait3A_40] : memref<10000x128xf32, #tpu.memory_space<hbm>> -> memref<128x128xf32, #tpu.memory_space<hbm>>
        tpu.wait_dma2 semaphore(%run_scoped3A : memref<!tpu.dma_semaphore, #tpu.memory_space<semaphore_mem>>) src(%dma_wait3A_41 : memref<128x128xf32, #tpu.memory_space<hbm>>) dst(%arg10 : memref<128x128xf32, #tpu.memory_space<vmem>>)
        tpu.yield
      }) : () -> ()
      "tpu.region"() ({
        %run_scoped3A = tpu.sem_alloc : memref<!tpu.dma_semaphore, #tpu.memory_space<semaphore_mem>>
        %dma_start3A = arith.constant 0 : i32
        %dma_start3A_36 = arith.constant 0 : i32
        %dma_start3A_37 = tpu.memref_slice %arg14[%dma_start3A, %dma_start3A_36] : memref<128x128xf32, #tpu.memory_space<vmem_shared>> -> memref<128x128xf32, #tpu.memory_space<vmem_shared>>
        tpu.enqueue_indirect_dma source(%arg10 : memref<128x128xf32, #tpu.memory_space<vmem>>) target(%dma_start3A_37 : memref<128x128xf32, #tpu.memory_space<vmem_shared>>) offsets(%arg11 : memref<128xi32, #tpu.memory_space<vmem>>) semaphore(%run_scoped3A : memref<!tpu.dma_semaphore, #tpu.memory_space<semaphore_mem>>) {add = true}
        %dma_wait3A = arith.constant 0 : i32
        %dma_wait3A_38 = arith.constant 0 : i32
        %dma_wait3A_39 = tpu.memref_slice %arg14[%dma_wait3A, %dma_wait3A_38] : memref<128x128xf32, #tpu.memory_space<vmem_shared>> -> memref<128x128xf32, #tpu.memory_space<vmem_shared>>
        tpu.wait_indirect_dma semaphore(%run_scoped3A : memref<!tpu.dma_semaphore, #tpu.memory_space<semaphore_mem>>) src(%arg10 : memref<128x128xf32, #tpu.memory_space<vmem>>) dst(%dma_wait3A_39 : memref<128x128xf32, #tpu.memory_space<vmem_shared>>)
        tpu.yield
      }) : () -> ()
      "tpu.region"() ({
        %run_scoped3A = tpu.sem_alloc : memref<!tpu.dma_semaphore, #tpu.memory_space<semaphore_mem>>
        %dma_start3A = arith.constant 0 : i32
        %dma_start3A_36 = arith.constant 0 : i32
        %dma_start3A_37 = tpu.memref_slice %arg17[%dma_start3A, %dma_start3A_36] : memref<128x128xf32, #tpu.memory_space<vmem_shared>> -> memref<128x128xf32, #tpu.memory_space<vmem_shared>>
        tpu.enqueue_indirect_dma source(%arg15 : memref<128x128xf32, #tpu.memory_space<vmem>>) target(%dma_start3A_37 : memref<128x128xf32, #tpu.memory_space<vmem_shared>>) offsets(%arg11 : memref<128xi32, #tpu.memory_space<vmem>>) semaphore(%run_scoped3A : memref<!tpu.dma_semaphore, #tpu.memory_space<semaphore_mem>>) {add = true}
        %dma_wait3A = arith.constant 0 : i32
        %dma_wait3A_38 = arith.constant 0 : i32
        %dma_wait3A_39 = tpu.memref_slice %arg17[%dma_wait3A, %dma_wait3A_38] : memref<128x128xf32, #tpu.memory_space<vmem_shared>> -> memref<128x128xf32, #tpu.memory_space<vmem_shared>>
        tpu.wait_indirect_dma semaphore(%run_scoped3A : memref<!tpu.dma_semaphore, #tpu.memory_space<semaphore_mem>>) src(%arg15 : memref<128x128xf32, #tpu.memory_space<vmem>>) dst(%dma_wait3A_39 : memref<128x128xf32, #tpu.memory_space<vmem_shared>>)
        tpu.yield
      }) : () -> ()
    } else {
    }
    %add3A_9 = arith.constant 32 : i32
    %add3A_10 = arith.addi %add3A, %add3A_9 : i32
    %lt3A_11 = arith.constant 78 : i32
    %lt3A_12 = arith.cmpi slt, %add3A_10, %lt3A_11 : i32
    %convert_element_type3A_13 = arith.extui %lt3A_12 : i1 to i32
    %cond3A_14 = arith.constant 0 : i32
    %cond3A_15 = arith.cmpi ne, %convert_element_type3A_13, %cond3A_14 : i32
    scf.if %cond3A_15 {
      %mul3A_34 = arith.constant 128 : i32
      %mul3A_35 = arith.muli %add3A_10, %mul3A_34 : i32
      "tpu.region"() ({
        %run_scoped3A = tpu.sem_alloc : memref<!tpu.dma_semaphore, #tpu.memory_space<semaphore_mem>>
        %dma_start3A = tpu.memref_slice %arg3[%mul3A_35] : memref<10000xi32, #tpu.memory_space<hbm>> -> memref<128xi32, #tpu.memory_space<hbm>>
        %dma_start3A_36 = tpu.memref_slice %arg3[%mul3A_35] : memref<10000xi32, #tpu.memory_space<hbm>> -> memref<128xi32, #tpu.memory_space<hbm>>
        tpu.enqueue_dma source(%dma_start3A_36 : memref<128xi32, #tpu.memory_space<hbm>>) target(%arg11 : memref<128xi32, #tpu.memory_space<vmem>>) target_semaphore(%run_scoped3A : memref<!tpu.dma_semaphore, #tpu.memory_space<semaphore_mem>>)
        %dma_wait3A = tpu.memref_slice %arg3[%mul3A_35] : memref<10000xi32, #tpu.memory_space<hbm>> -> memref<128xi32, #tpu.memory_space<hbm>>
        %dma_wait3A_37 = tpu.memref_slice %arg3[%mul3A_35] : memref<10000xi32, #tpu.memory_space<hbm>> -> memref<128xi32, #tpu.memory_space<hbm>>
        tpu.wait_dma2 semaphore(%run_scoped3A : memref<!tpu.dma_semaphore, #tpu.memory_space<semaphore_mem>>) src(%dma_wait3A_37 : memref<128xi32, #tpu.memory_space<hbm>>) dst(%arg11 : memref<128xi32, #tpu.memory_space<vmem>>)
        tpu.yield
      }) : () -> ()
      "tpu.region"() ({
        %run_scoped3A = tpu.sem_alloc : memref<!tpu.dma_semaphore, #tpu.memory_space<semaphore_mem>>
        %dma_start3A = arith.constant 0 : i32
        %dma_start3A_36 = tpu.memref_slice %arg2[%mul3A_35, %dma_start3A] : memref<10000x128xf32, #tpu.memory_space<hbm>> -> memref<128x128xf32, #tpu.memory_space<hbm>>
        %dma_start3A_37 = arith.constant 0 : i32
        %dma_start3A_38 = tpu.memref_slice %arg2[%mul3A_35, %dma_start3A_37] : memref<10000x128xf32, #tpu.memory_space<hbm>> -> memref<128x128xf32, #tpu.memory_space<hbm>>
        tpu.enqueue_dma source(%dma_start3A_38 : memref<128x128xf32, #tpu.memory_space<hbm>>) target(%arg10 : memref<128x128xf32, #tpu.memory_space<vmem>>) target_semaphore(%run_scoped3A : memref<!tpu.dma_semaphore, #tpu.memory_space<semaphore_mem>>)
        %dma_wait3A = arith.constant 0 : i32
        %dma_wait3A_39 = tpu.memref_slice %arg2[%mul3A_35, %dma_wait3A] : memref<10000x128xf32, #tpu.memory_space<hbm>> -> memref<128x128xf32, #tpu.memory_space<hbm>>
        %dma_wait3A_40 = arith.constant 0 : i32
        %dma_wait3A_41 = tpu.memref_slice %arg2[%mul3A_35, %dma_wait3A_40] : memref<10000x128xf32, #tpu.memory_space<hbm>> -> memref<128x128xf32, #tpu.memory_space<hbm>>
        tpu.wait_dma2 semaphore(%run_scoped3A : memref<!tpu.dma_semaphore, #tpu.memory_space<semaphore_mem>>) src(%dma_wait3A_41 : memref<128x128xf32, #tpu.memory_space<hbm>>) dst(%arg10 : memref<128x128xf32, #tpu.memory_space<vmem>>)
        tpu.yield
      }) : () -> ()
      "tpu.region"() ({
        %run_scoped3A = tpu.sem_alloc : memref<!tpu.dma_semaphore, #tpu.memory_space<semaphore_mem>>
        %dma_start3A = arith.constant 0 : i32
        %dma_start3A_36 = arith.constant 0 : i32
        %dma_start3A_37 = tpu.memref_slice %arg14[%dma_start3A, %dma_start3A_36] : memref<128x128xf32, #tpu.memory_space<vmem_shared>> -> memref<128x128xf32, #tpu.memory_space<vmem_shared>>
        tpu.enqueue_indirect_dma source(%arg10 : memref<128x128xf32, #tpu.memory_space<vmem>>) target(%dma_start3A_37 : memref<128x128xf32, #tpu.memory_space<vmem_shared>>) offsets(%arg11 : memref<128xi32, #tpu.memory_space<vmem>>) semaphore(%run_scoped3A : memref<!tpu.dma_semaphore, #tpu.memory_space<semaphore_mem>>) {add = true}
        %dma_wait3A = arith.constant 0 : i32
        %dma_wait3A_38 = arith.constant 0 : i32
        %dma_wait3A_39 = tpu.memref_slice %arg14[%dma_wait3A, %dma_wait3A_38] : memref<128x128xf32, #tpu.memory_space<vmem_shared>> -> memref<128x128xf32, #tpu.memory_space<vmem_shared>>
        tpu.wait_indirect_dma semaphore(%run_scoped3A : memref<!tpu.dma_semaphore, #tpu.memory_space<semaphore_mem>>) src(%arg10 : memref<128x128xf32, #tpu.memory_space<vmem>>) dst(%dma_wait3A_39 : memref<128x128xf32, #tpu.memory_space<vmem_shared>>)
        tpu.yield
      }) : () -> ()
      "tpu.region"() ({
        %run_scoped3A = tpu.sem_alloc : memref<!tpu.dma_semaphore, #tpu.memory_space<semaphore_mem>>
        %dma_start3A = arith.constant 0 : i32
        %dma_start3A_36 = arith.constant 0 : i32
        %dma_start3A_37 = tpu.memref_slice %arg17[%dma_start3A, %dma_start3A_36] : memref<128x128xf32, #tpu.memory_space<vmem_shared>> -> memref<128x128xf32, #tpu.memory_space<vmem_shared>>
        tpu.enqueue_indirect_dma source(%arg15 : memref<128x128xf32, #tpu.memory_space<vmem>>) target(%dma_start3A_37 : memref<128x128xf32, #tpu.memory_space<vmem_shared>>) offsets(%arg11 : memref<128xi32, #tpu.memory_space<vmem>>) semaphore(%run_scoped3A : memref<!tpu.dma_semaphore, #tpu.memory_space<semaphore_mem>>) {add = true}
        %dma_wait3A = arith.constant 0 : i32
        %dma_wait3A_38 = arith.constant 0 : i32
        %dma_wait3A_39 = tpu.memref_slice %arg17[%dma_wait3A, %dma_wait3A_38] : memref<128x128xf32, #tpu.memory_space<vmem_shared>> -> memref<128x128xf32, #tpu.memory_space<vmem_shared>>
        tpu.wait_indirect_dma semaphore(%run_scoped3A : memref<!tpu.dma_semaphore, #tpu.memory_space<semaphore_mem>>) src(%arg15 : memref<128x128xf32, #tpu.memory_space<vmem>>) dst(%dma_wait3A_39 : memref<128x128xf32, #tpu.memory_space<vmem_shared>>)
        tpu.yield
      }) : () -> ()
    } else {
    }
    %add3A_16 = arith.constant 64 : i32
    %add3A_17 = arith.addi %add3A, %add3A_16 : i32
    %lt3A_18 = arith.constant 78 : i32
    %lt3A_19 = arith.cmpi slt, %add3A_17, %lt3A_18 : i32
    %convert_element_type3A_20 = arith.extui %lt3A_19 : i1 to i32
    %cond3A_21 = arith.constant 0 : i32
    %cond3A_22 = arith.cmpi ne, %convert_element_type3A_20, %cond3A_21 : i32
    scf.if %cond3A_22 {
      %mul3A_34 = arith.constant 128 : i32
      %mul3A_35 = arith.muli %add3A_17, %mul3A_34 : i32
      "tpu.region"() ({
        %run_scoped3A = tpu.sem_alloc : memref<!tpu.dma_semaphore, #tpu.memory_space<semaphore_mem>>
        %dma_start3A = tpu.memref_slice %arg3[%mul3A_35] : memref<10000xi32, #tpu.memory_space<hbm>> -> memref<128xi32, #tpu.memory_space<hbm>>
        %dma_start3A_36 = tpu.memref_slice %arg3[%mul3A_35] : memref<10000xi32, #tpu.memory_space<hbm>> -> memref<128xi32, #tpu.memory_space<hbm>>
        tpu.enqueue_dma source(%dma_start3A_36 : memref<128xi32, #tpu.memory_space<hbm>>) target(%arg11 : memref<128xi32, #tpu.memory_space<vmem>>) target_semaphore(%run_scoped3A : memref<!tpu.dma_semaphore, #tpu.memory_space<semaphore_mem>>)
        %dma_wait3A = tpu.memref_slice %arg3[%mul3A_35] : memref<10000xi32, #tpu.memory_space<hbm>> -> memref<128xi32, #tpu.memory_space<hbm>>
        %dma_wait3A_37 = tpu.memref_slice %arg3[%mul3A_35] : memref<10000xi32, #tpu.memory_space<hbm>> -> memref<128xi32, #tpu.memory_space<hbm>>
        tpu.wait_dma2 semaphore(%run_scoped3A : memref<!tpu.dma_semaphore, #tpu.memory_space<semaphore_mem>>) src(%dma_wait3A_37 : memref<128xi32, #tpu.memory_space<hbm>>) dst(%arg11 : memref<128xi32, #tpu.memory_space<vmem>>)
        tpu.yield
      }) : () -> ()
      "tpu.region"() ({
        %run_scoped3A = tpu.sem_alloc : memref<!tpu.dma_semaphore, #tpu.memory_space<semaphore_mem>>
        %dma_start3A = arith.constant 0 : i32
        %dma_start3A_36 = tpu.memref_slice %arg2[%mul3A_35, %dma_start3A] : memref<10000x128xf32, #tpu.memory_space<hbm>> -> memref<128x128xf32, #tpu.memory_space<hbm>>
        %dma_start3A_37 = arith.constant 0 : i32
        %dma_start3A_38 = tpu.memref_slice %arg2[%mul3A_35, %dma_start3A_37] : memref<10000x128xf32, #tpu.memory_space<hbm>> -> memref<128x128xf32, #tpu.memory_space<hbm>>
        tpu.enqueue_dma source(%dma_start3A_38 : memref<128x128xf32, #tpu.memory_space<hbm>>) target(%arg10 : memref<128x128xf32, #tpu.memory_space<vmem>>) target_semaphore(%run_scoped3A : memref<!tpu.dma_semaphore, #tpu.memory_space<semaphore_mem>>)
        %dma_wait3A = arith.constant 0 : i32
        %dma_wait3A_39 = tpu.memref_slice %arg2[%mul3A_35, %dma_wait3A] : memref<10000x128xf32, #tpu.memory_space<hbm>> -> memref<128x128xf32, #tpu.memory_space<hbm>>
        %dma_wait3A_40 = arith.constant 0 : i32
        %dma_wait3A_41 = tpu.memref_slice %arg2[%mul3A_35, %dma_wait3A_40] : memref<10000x128xf32, #tpu.memory_space<hbm>> -> memref<128x128xf32, #tpu.memory_space<hbm>>
        tpu.wait_dma2 semaphore(%run_scoped3A : memref<!tpu.dma_semaphore, #tpu.memory_space<semaphore_mem>>) src(%dma_wait3A_41 : memref<128x128xf32, #tpu.memory_space<hbm>>) dst(%arg10 : memref<128x128xf32, #tpu.memory_space<vmem>>)
        tpu.yield
      }) : () -> ()
      "tpu.region"() ({
        %run_scoped3A = tpu.sem_alloc : memref<!tpu.dma_semaphore, #tpu.memory_space<semaphore_mem>>
        %dma_start3A = arith.constant 0 : i32
        %dma_start3A_36 = arith.constant 0 : i32
        %dma_start3A_37 = tpu.memref_slice %arg14[%dma_start3A, %dma_start3A_36] : memref<128x128xf32, #tpu.memory_space<vmem_shared>> -> memref<128x128xf32, #tpu.memory_space<vmem_shared>>
        tpu.enqueue_indirect_dma source(%arg10 : memref<128x128xf32, #tpu.memory_space<vmem>>) target(%dma_start3A_37 : memref<128x128xf32, #tpu.memory_space<vmem_shared>>) offsets(%arg11 : memref<128xi32, #tpu.memory_space<vmem>>) semaphore(%run_scoped3A : memref<!tpu.dma_semaphore, #tpu.memory_space<semaphore_mem>>) {add = true}
        %dma_wait3A = arith.constant 0 : i32
        %dma_wait3A_38 = arith.constant 0 : i32
        %dma_wait3A_39 = tpu.memref_slice %arg14[%dma_wait3A, %dma_wait3A_38] : memref<128x128xf32, #tpu.memory_space<vmem_shared>> -> memref<128x128xf32, #tpu.memory_space<vmem_shared>>
        tpu.wait_indirect_dma semaphore(%run_scoped3A : memref<!tpu.dma_semaphore, #tpu.memory_space<semaphore_mem>>) src(%arg10 : memref<128x128xf32, #tpu.memory_space<vmem>>) dst(%dma_wait3A_39 : memref<128x128xf32, #tpu.memory_space<vmem_shared>>)
        tpu.yield
      }) : () -> ()
      "tpu.region"() ({
        %run_scoped3A = tpu.sem_alloc : memref<!tpu.dma_semaphore, #tpu.memory_space<semaphore_mem>>
        %dma_start3A = arith.constant 0 : i32
        %dma_start3A_36 = arith.constant 0 : i32
        %dma_start3A_37 = tpu.memref_slice %arg17[%dma_start3A, %dma_start3A_36] : memref<128x128xf32, #tpu.memory_space<vmem_shared>> -> memref<128x128xf32, #tpu.memory_space<vmem_shared>>
        tpu.enqueue_indirect_dma source(%arg15 : memref<128x128xf32, #tpu.memory_space<vmem>>) target(%dma_start3A_37 : memref<128x128xf32, #tpu.memory_space<vmem_shared>>) offsets(%arg11 : memref<128xi32, #tpu.memory_space<vmem>>) semaphore(%run_scoped3A : memref<!tpu.dma_semaphore, #tpu.memory_space<semaphore_mem>>) {add = true}
        %dma_wait3A = arith.constant 0 : i32
        %dma_wait3A_38 = arith.constant 0 : i32
        %dma_wait3A_39 = tpu.memref_slice %arg17[%dma_wait3A, %dma_wait3A_38] : memref<128x128xf32, #tpu.memory_space<vmem_shared>> -> memref<128x128xf32, #tpu.memory_space<vmem_shared>>
        tpu.wait_indirect_dma semaphore(%run_scoped3A : memref<!tpu.dma_semaphore, #tpu.memory_space<semaphore_mem>>) src(%arg15 : memref<128x128xf32, #tpu.memory_space<vmem>>) dst(%dma_wait3A_39 : memref<128x128xf32, #tpu.memory_space<vmem_shared>>)
        tpu.yield
      }) : () -> ()
    } else {
    }
    %eq3A_23 = arith.constant 31 : i32
    %eq3A_24 = arith.cmpi eq, %add3A, %eq3A_23 : i32
    %convert_element_type3A_25 = arith.extui %eq3A_24 : i1 to i32
    %cond3A_26 = arith.constant 0 : i32
    %cond3A_27 = arith.cmpi ne, %convert_element_type3A_25, %cond3A_26 : i32
    scf.if %cond3A_27 {
      "tpu.region"() ({
        %run_scoped3A = tpu.sem_alloc : memref<!tpu.dma_semaphore, #tpu.memory_space<semaphore_mem>>
        %dma_start3A = arith.constant 9984 : i32
        %dma_start3A_34 = tpu.memref_slice %arg3[%dma_start3A] : memref<10000xi32, #tpu.memory_space<hbm>> -> memref<16xi32, #tpu.memory_space<hbm>>
        %dma_start3A_35 = arith.constant 9984 : i32
        %dma_start3A_36 = tpu.memref_slice %arg3[%dma_start3A_35] : memref<10000xi32, #tpu.memory_space<hbm>> -> memref<16xi32, #tpu.memory_space<hbm>>
        tpu.enqueue_dma source(%dma_start3A_36 : memref<16xi32, #tpu.memory_space<hbm>>) target(%arg13 : memref<16xi32, #tpu.memory_space<vmem>>) target_semaphore(%run_scoped3A : memref<!tpu.dma_semaphore, #tpu.memory_space<semaphore_mem>>)
        %dma_wait3A = arith.constant 9984 : i32
        %dma_wait3A_37 = tpu.memref_slice %arg3[%dma_wait3A] : memref<10000xi32, #tpu.memory_space<hbm>> -> memref<16xi32, #tpu.memory_space<hbm>>
        %dma_wait3A_38 = arith.constant 9984 : i32
        %dma_wait3A_39 = tpu.memref_slice %arg3[%dma_wait3A_38] : memref<10000xi32, #tpu.memory_space<hbm>> -> memref<16xi32, #tpu.memory_space<hbm>>
        tpu.wait_dma2 semaphore(%run_scoped3A : memref<!tpu.dma_semaphore, #tpu.memory_space<semaphore_mem>>) src(%dma_wait3A_39 : memref<16xi32, #tpu.memory_space<hbm>>) dst(%arg13 : memref<16xi32, #tpu.memory_space<vmem>>)
        tpu.yield
      }) : () -> ()
      "tpu.region"() ({
        %run_scoped3A = tpu.sem_alloc : memref<!tpu.dma_semaphore, #tpu.memory_space<semaphore_mem>>
        %dma_start3A = arith.constant 9984 : i32
        %dma_start3A_34 = arith.constant 0 : i32
        %dma_start3A_35 = tpu.memref_slice %arg2[%dma_start3A, %dma_start3A_34] : memref<10000x128xf32, #tpu.memory_space<hbm>> -> memref<16x128xf32, #tpu.memory_space<hbm>>
        %dma_start3A_36 = arith.constant 9984 : i32
        %dma_start3A_37 = arith.constant 0 : i32
        %dma_start3A_38 = tpu.memref_slice %arg2[%dma_start3A_36, %dma_start3A_37] : memref<10000x128xf32, #tpu.memory_space<hbm>> -> memref<16x128xf32, #tpu.memory_space<hbm>>
        tpu.enqueue_dma source(%dma_start3A_38 : memref<16x128xf32, #tpu.memory_space<hbm>>) target(%arg12 : memref<16x128xf32, #tpu.memory_space<vmem>>) target_semaphore(%run_scoped3A : memref<!tpu.dma_semaphore, #tpu.memory_space<semaphore_mem>>)
        %dma_wait3A = arith.constant 9984 : i32
        %dma_wait3A_39 = arith.constant 0 : i32
        %dma_wait3A_40 = tpu.memref_slice %arg2[%dma_wait3A, %dma_wait3A_39] : memref<10000x128xf32, #tpu.memory_space<hbm>> -> memref<16x128xf32, #tpu.memory_space<hbm>>
        %dma_wait3A_41 = arith.constant 9984 : i32
        %dma_wait3A_42 = arith.constant 0 : i32
        %dma_wait3A_43 = tpu.memref_slice %arg2[%dma_wait3A_41, %dma_wait3A_42] : memref<10000x128xf32, #tpu.memory_space<hbm>> -> memref<16x128xf32, #tpu.memory_space<hbm>>
        tpu.wait_dma2 semaphore(%run_scoped3A : memref<!tpu.dma_semaphore, #tpu.memory_space<semaphore_mem>>) src(%dma_wait3A_43 : memref<16x128xf32, #tpu.memory_space<hbm>>) dst(%arg12 : memref<16x128xf32, #tpu.memory_space<vmem>>)
        tpu.yield
      }) : () -> ()
      "tpu.region"() ({
        %run_scoped3A = tpu.sem_alloc : memref<!tpu.dma_semaphore, #tpu.memory_space<semaphore_mem>>
        %dma_start3A = arith.constant 0 : i32
        %dma_start3A_34 = arith.constant 0 : i32
        %dma_start3A_35 = tpu.memref_slice %arg14[%dma_start3A, %dma_start3A_34] : memref<128x128xf32, #tpu.memory_space<vmem_shared>> -> memref<128x128xf32, #tpu.memory_space<vmem_shared>>
        tpu.enqueue_indirect_dma source(%arg12 : memref<16x128xf32, #tpu.memory_space<vmem>>) target(%dma_start3A_35 : memref<128x128xf32, #tpu.memory_space<vmem_shared>>) offsets(%arg13 : memref<16xi32, #tpu.memory_space<vmem>>) semaphore(%run_scoped3A : memref<!tpu.dma_semaphore, #tpu.memory_space<semaphore_mem>>) {add = true}
        %dma_wait3A = arith.constant 0 : i32
        %dma_wait3A_36 = arith.constant 0 : i32
        %dma_wait3A_37 = tpu.memref_slice %arg14[%dma_wait3A, %dma_wait3A_36] : memref<128x128xf32, #tpu.memory_space<vmem_shared>> -> memref<128x128xf32, #tpu.memory_space<vmem_shared>>
        tpu.wait_indirect_dma semaphore(%run_scoped3A : memref<!tpu.dma_semaphore, #tpu.memory_space<semaphore_mem>>) src(%arg12 : memref<16x128xf32, #tpu.memory_space<vmem>>) dst(%dma_wait3A_37 : memref<128x128xf32, #tpu.memory_space<vmem_shared>>)
        tpu.yield
      }) : () -> ()
      "tpu.region"() ({
        %run_scoped3A = tpu.sem_alloc : memref<!tpu.dma_semaphore, #tpu.memory_space<semaphore_mem>>
        %dma_start3A = arith.constant 0 : i32
        %dma_start3A_34 = arith.constant 0 : i32
        %dma_start3A_35 = tpu.memref_slice %arg5[%dma_start3A, %dma_start3A_34] : memref<128x128xf32, #tpu.memory_space<hbm>> -> memref<16x128xf32, #tpu.memory_space<hbm>>
        %dma_start3A_36 = arith.constant 0 : i32
        %dma_start3A_37 = arith.constant 0 : i32
        %dma_start3A_38 = tpu.memref_slice %arg5[%dma_start3A_36, %dma_start3A_37] : memref<128x128xf32, #tpu.memory_space<hbm>> -> memref<16x128xf32, #tpu.memory_space<hbm>>
        tpu.enqueue_dma source(%dma_start3A_38 : memref<16x128xf32, #tpu.memory_space<hbm>>) target(%arg16 : memref<16x128xf32, #tpu.memory_space<vmem>>) target_semaphore(%run_scoped3A : memref<!tpu.dma_semaphore, #tpu.memory_space<semaphore_mem>>)
        %dma_wait3A = arith.constant 0 : i32
        %dma_wait3A_39 = arith.constant 0 : i32
        %dma_wait3A_40 = tpu.memref_slice %arg5[%dma_wait3A, %dma_wait3A_39] : memref<128x128xf32, #tpu.memory_space<hbm>> -> memref<16x128xf32, #tpu.memory_space<hbm>>
        %dma_wait3A_41 = arith.constant 0 : i32
        %dma_wait3A_42 = arith.constant 0 : i32
        %dma_wait3A_43 = tpu.memref_slice %arg5[%dma_wait3A_41, %dma_wait3A_42] : memref<128x128xf32, #tpu.memory_space<hbm>> -> memref<16x128xf32, #tpu.memory_space<hbm>>
        tpu.wait_dma2 semaphore(%run_scoped3A : memref<!tpu.dma_semaphore, #tpu.memory_space<semaphore_mem>>) src(%dma_wait3A_43 : memref<16x128xf32, #tpu.memory_space<hbm>>) dst(%arg16 : memref<16x128xf32, #tpu.memory_space<vmem>>)
        tpu.yield
      }) : () -> ()
      "tpu.region"() ({
        %run_scoped3A = tpu.sem_alloc : memref<!tpu.dma_semaphore, #tpu.memory_space<semaphore_mem>>
        %dma_start3A = arith.constant 0 : i32
        %dma_start3A_34 = arith.constant 0 : i32
        %dma_start3A_35 = tpu.memref_slice %arg17[%dma_start3A, %dma_start3A_34] : memref<128x128xf32, #tpu.memory_space<vmem_shared>> -> memref<128x128xf32, #tpu.memory_space<vmem_shared>>
        tpu.enqueue_indirect_dma source(%arg16 : memref<16x128xf32, #tpu.memory_space<vmem>>) target(%dma_start3A_35 : memref<128x128xf32, #tpu.memory_space<vmem_shared>>) offsets(%arg13 : memref<16xi32, #tpu.memory_space<vmem>>) semaphore(%run_scoped3A : memref<!tpu.dma_semaphore, #tpu.memory_space<semaphore_mem>>) {add = true}
        %dma_wait3A = arith.constant 0 : i32
        %dma_wait3A_36 = arith.constant 0 : i32
        %dma_wait3A_37 = tpu.memref_slice %arg17[%dma_wait3A, %dma_wait3A_36] : memref<128x128xf32, #tpu.memory_space<vmem_shared>> -> memref<128x128xf32, #tpu.memory_space<vmem_shared>>
        tpu.wait_indirect_dma semaphore(%run_scoped3A : memref<!tpu.dma_semaphore, #tpu.memory_space<semaphore_mem>>) src(%arg16 : memref<16x128xf32, #tpu.memory_space<vmem>>) dst(%dma_wait3A_37 : memref<128x128xf32, #tpu.memory_space<vmem_shared>>)
        tpu.yield
      }) : () -> ()
    } else {
    }
    %barrier3A_28 = arith.constant 0 : index
    tpu.barrier barrier_id(%barrier3A_28)
    %eq3A_29 = arith.constant 0 : i32
    %eq3A_30 = arith.cmpi eq, %arg1, %eq3A_29 : i32
    %convert_element_type3A_31 = arith.extui %eq3A_30 : i1 to i32
    %cond3A_32 = arith.constant 0 : i32
    %cond3A_33 = arith.cmpi ne, %convert_element_type3A_31, %cond3A_32 : i32
    scf.if %cond3A_33 {
      %eq3A_34 = arith.constant 0 : i32
      %eq3A_35 = arith.cmpi eq, %arg0, %eq3A_34 : i32
      %convert_element_type3A_36 = arith.extui %eq3A_35 : i1 to i32
      %cond3A_37 = arith.constant 0 : i32
      %cond3A_38 = arith.cmpi ne, %convert_element_type3A_36, %cond3A_37 : i32
      scf.if %cond3A_38 {
        "tpu.region"() ({
          %run_scoped3A = tpu.sem_alloc : memref<!tpu.dma_semaphore, #tpu.memory_space<semaphore_mem>>
          tpu.enqueue_dma source(%arg14 : memref<128x128xf32, #tpu.memory_space<vmem_shared>>) target(%arg6 : memref<128x128xf32, #tpu.memory_space<hbm>>) target_semaphore(%run_scoped3A : memref<!tpu.dma_semaphore, #tpu.memory_space<semaphore_mem>>)
          tpu.wait_dma2 semaphore(%run_scoped3A : memref<!tpu.dma_semaphore, #tpu.memory_space<semaphore_mem>>) src(%arg14 : memref<128x128xf32, #tpu.memory_space<vmem_shared>>) dst(%arg6 : memref<128x128xf32, #tpu.memory_space<hbm>>)
          tpu.yield
        }) : () -> ()
        "tpu.region"() ({
          %run_scoped3A = tpu.sem_alloc : memref<!tpu.dma_semaphore, #tpu.memory_space<semaphore_mem>>
          tpu.enqueue_dma source(%arg17 : memref<128x128xf32, #tpu.memory_space<vmem_shared>>) target(%arg8 : memref<128x128xf32, #tpu.memory_space<hbm>>) target_semaphore(%run_scoped3A : memref<!tpu.dma_semaphore, #tpu.memory_space<semaphore_mem>>)
          tpu.wait_dma2 semaphore(%run_scoped3A : memref<!tpu.dma_semaphore, #tpu.memory_space<semaphore_mem>>) src(%arg17 : memref<128x128xf32, #tpu.memory_space<vmem_shared>>) dst(%arg8 : memref<128x128xf32, #tpu.memory_space<hbm>>)
          tpu.yield
        }) : () -> ()
      } else {
      }
      %eq3A_39 = arith.constant 1 : i32
      %eq3A_40 = arith.cmpi eq, %arg0, %eq3A_39 : i32
      %convert_element_type3A_41 = arith.extui %eq3A_40 : i1 to i32
      %cond3A_42 = arith.constant 0 : i32
      %cond3A_43 = arith.cmpi ne, %convert_element_type3A_41, %cond3A_42 : i32
      scf.if %cond3A_43 {
        "tpu.region"() ({
          %run_scoped3A = tpu.sem_alloc : memref<!tpu.dma_semaphore, #tpu.memory_space<semaphore_mem>>
          tpu.enqueue_dma source(%arg14 : memref<128x128xf32, #tpu.memory_space<vmem_shared>>) target(%arg7 : memref<128x128xf32, #tpu.memory_space<hbm>>) target_semaphore(%run_scoped3A : memref<!tpu.dma_semaphore, #tpu.memory_space<semaphore_mem>>)
          tpu.wait_dma2 semaphore(%run_scoped3A : memref<!tpu.dma_semaphore, #tpu.memory_space<semaphore_mem>>) src(%arg14 : memref<128x128xf32, #tpu.memory_space<vmem_shared>>) dst(%arg7 : memref<128x128xf32, #tpu.memory_space<hbm>>)
          tpu.yield
        }) : () -> ()
        "tpu.region"() ({
          %run_scoped3A = tpu.sem_alloc : memref<!tpu.dma_semaphore, #tpu.memory_space<semaphore_mem>>
          tpu.enqueue_dma source(%arg17 : memref<128x128xf32, #tpu.memory_space<vmem_shared>>) target(%arg9 : memref<128x128xf32, #tpu.memory_space<hbm>>) target_semaphore(%run_scoped3A : memref<!tpu.dma_semaphore, #tpu.memory_space<semaphore_mem>>)
          tpu.wait_dma2 semaphore(%run_scoped3A : memref<!tpu.dma_semaphore, #tpu.memory_space<semaphore_mem>>) src(%arg17 : memref<128x128xf32, #tpu.memory_space<vmem_shared>>) dst(%arg9 : memref<128x128xf32, #tpu.memory_space<hbm>>)
          tpu.yield
        }) : () -> ()
      } else {
      }
    } else {
    }
    return
  }
}

#map = affine_map<(d0, d1) -> (0, 0)>
#map1 = affine_map<(d0, d1) -> (0)>
module attributes {stable_mosaic.version = 14 : i64} {
  func.func @seg_sums(%arg0: i32, %arg1: i32, %arg2: memref<10000x128xf32, #tpu.memory_space<hbm>>, %arg3: memref<10000xi32, #tpu.memory_space<hbm>>, %arg4: memref<128x128xf32, #tpu.memory_space<hbm>>, %arg5: memref<128x128xf32, #tpu.memory_space<hbm>>, %arg6: memref<128x128xf32, #tpu.memory_space<hbm>>, %arg7: memref<128x128xf32, #tpu.memory_space<hbm>>, %arg8: memref<128x128xf32, #tpu.memory_space<vmem>>, %arg9: memref<128xi32, #tpu.memory_space<vmem>>, %arg10: memref<16x128xf32, #tpu.memory_space<vmem>>, %arg11: memref<16xi32, #tpu.memory_space<vmem>>, %arg12: memref<128x128xf32, #tpu.memory_space<vmem_shared>>) attributes {dimension_semantics = [#tpu.dimension_semantics<core_parallel>, #tpu.dimension_semantics<subcore_parallel>], iteration_bounds = array<i64: 2, 16>, scalar_prefetch = 0 : i64, scratch_operands = 5 : i64, tpu.core_type = #tpu.core_type<sc_vector_subcore>, window_params = [{transform_indices = #map}, {transform_indices = #map1}, {transform_indices = #map}, {transform_indices = #map}, {transform_indices = #map}, {transform_indices = #map}]} {
    %mul3A = arith.constant 16 : i32
    %mul3A_0 = arith.muli %arg0, %mul3A : i32
    %add3A = arith.addi %mul3A_0, %arg1 : i32
    %eq3A = arith.constant 0 : i32
    %eq3A_1 = arith.cmpi eq, %arg1, %eq3A : i32
    %convert_element_type3A = arith.extui %eq3A_1 : i1 to i32
    %cond3A = arith.constant 0 : i32
    %cond3A_2 = arith.cmpi ne, %convert_element_type3A, %cond3A : i32
    scf.if %cond3A_2 {
      "tpu.region"() ({
        %run_scoped3A = tpu.sem_alloc : memref<!tpu.dma_semaphore, #tpu.memory_space<semaphore_mem>>
        tpu.enqueue_dma source(%arg4 : memref<128x128xf32, #tpu.memory_space<hbm>>) target(%arg12 : memref<128x128xf32, #tpu.memory_space<vmem_shared>>) target_semaphore(%run_scoped3A : memref<!tpu.dma_semaphore, #tpu.memory_space<semaphore_mem>>)
        tpu.wait_dma2 semaphore(%run_scoped3A : memref<!tpu.dma_semaphore, #tpu.memory_space<semaphore_mem>>) src(%arg4 : memref<128x128xf32, #tpu.memory_space<hbm>>) dst(%arg12 : memref<128x128xf32, #tpu.memory_space<vmem_shared>>)
        tpu.yield
      }) : () -> ()
    } else {
    }
    %barrier3A = arith.constant 0 : index
    tpu.barrier barrier_id(%barrier3A)
    %add3A_3 = arith.constant 0 : i32
    %add3A_4 = arith.addi %add3A, %add3A_3 : i32
    %lt3A = arith.constant 78 : i32
    %lt3A_5 = arith.cmpi slt, %add3A_4, %lt3A : i32
    %convert_element_type3A_6 = arith.extui %lt3A_5 : i1 to i32
    %cond3A_7 = arith.constant 0 : i32
    %cond3A_8 = arith.cmpi ne, %convert_element_type3A_6, %cond3A_7 : i32
    scf.if %cond3A_8 {
      %mul3A_34 = arith.constant 128 : i32
      %mul3A_35 = arith.muli %add3A_4, %mul3A_34 : i32
      "tpu.region"() ({
        %run_scoped3A = tpu.sem_alloc : memref<!tpu.dma_semaphore, #tpu.memory_space<semaphore_mem>>
        %dma_start3A = tpu.memref_slice %arg3[%mul3A_35] : memref<10000xi32, #tpu.memory_space<hbm>> -> memref<128xi32, #tpu.memory_space<hbm>>
        %dma_start3A_36 = tpu.memref_slice %arg3[%mul3A_35] : memref<10000xi32, #tpu.memory_space<hbm>> -> memref<128xi32, #tpu.memory_space<hbm>>
        tpu.enqueue_dma source(%dma_start3A_36 : memref<128xi32, #tpu.memory_space<hbm>>) target(%arg9 : memref<128xi32, #tpu.memory_space<vmem>>) target_semaphore(%run_scoped3A : memref<!tpu.dma_semaphore, #tpu.memory_space<semaphore_mem>>)
        %dma_wait3A = tpu.memref_slice %arg3[%mul3A_35] : memref<10000xi32, #tpu.memory_space<hbm>> -> memref<128xi32, #tpu.memory_space<hbm>>
        %dma_wait3A_37 = tpu.memref_slice %arg3[%mul3A_35] : memref<10000xi32, #tpu.memory_space<hbm>> -> memref<128xi32, #tpu.memory_space<hbm>>
        tpu.wait_dma2 semaphore(%run_scoped3A : memref<!tpu.dma_semaphore, #tpu.memory_space<semaphore_mem>>) src(%dma_wait3A_37 : memref<128xi32, #tpu.memory_space<hbm>>) dst(%arg9 : memref<128xi32, #tpu.memory_space<vmem>>)
        tpu.yield
      }) : () -> ()
      "tpu.region"() ({
        %run_scoped3A = tpu.sem_alloc : memref<!tpu.dma_semaphore, #tpu.memory_space<semaphore_mem>>
        %dma_start3A = arith.constant 0 : i32
        %dma_start3A_36 = tpu.memref_slice %arg2[%mul3A_35, %dma_start3A] : memref<10000x128xf32, #tpu.memory_space<hbm>> -> memref<128x128xf32, #tpu.memory_space<hbm>>
        %dma_start3A_37 = arith.constant 0 : i32
        %dma_start3A_38 = tpu.memref_slice %arg2[%mul3A_35, %dma_start3A_37] : memref<10000x128xf32, #tpu.memory_space<hbm>> -> memref<128x128xf32, #tpu.memory_space<hbm>>
        tpu.enqueue_dma source(%dma_start3A_38 : memref<128x128xf32, #tpu.memory_space<hbm>>) target(%arg8 : memref<128x128xf32, #tpu.memory_space<vmem>>) target_semaphore(%run_scoped3A : memref<!tpu.dma_semaphore, #tpu.memory_space<semaphore_mem>>)
        %dma_wait3A = arith.constant 0 : i32
        %dma_wait3A_39 = tpu.memref_slice %arg2[%mul3A_35, %dma_wait3A] : memref<10000x128xf32, #tpu.memory_space<hbm>> -> memref<128x128xf32, #tpu.memory_space<hbm>>
        %dma_wait3A_40 = arith.constant 0 : i32
        %dma_wait3A_41 = tpu.memref_slice %arg2[%mul3A_35, %dma_wait3A_40] : memref<10000x128xf32, #tpu.memory_space<hbm>> -> memref<128x128xf32, #tpu.memory_space<hbm>>
        tpu.wait_dma2 semaphore(%run_scoped3A : memref<!tpu.dma_semaphore, #tpu.memory_space<semaphore_mem>>) src(%dma_wait3A_41 : memref<128x128xf32, #tpu.memory_space<hbm>>) dst(%arg8 : memref<128x128xf32, #tpu.memory_space<vmem>>)
        tpu.yield
      }) : () -> ()
      "tpu.region"() ({
        %run_scoped3A = tpu.sem_alloc : memref<!tpu.dma_semaphore, #tpu.memory_space<semaphore_mem>>
        %dma_start3A = arith.constant 0 : i32
        %dma_start3A_36 = arith.constant 0 : i32
        %dma_start3A_37 = tpu.memref_slice %arg12[%dma_start3A, %dma_start3A_36] : memref<128x128xf32, #tpu.memory_space<vmem_shared>> -> memref<128x128xf32, #tpu.memory_space<vmem_shared>>
        tpu.enqueue_indirect_dma source(%arg8 : memref<128x128xf32, #tpu.memory_space<vmem>>) target(%dma_start3A_37 : memref<128x128xf32, #tpu.memory_space<vmem_shared>>) offsets(%arg9 : memref<128xi32, #tpu.memory_space<vmem>>) semaphore(%run_scoped3A : memref<!tpu.dma_semaphore, #tpu.memory_space<semaphore_mem>>) {add = true}
        %dma_wait3A = arith.constant 0 : i32
        %dma_wait3A_38 = arith.constant 0 : i32
        %dma_wait3A_39 = tpu.memref_slice %arg12[%dma_wait3A, %dma_wait3A_38] : memref<128x128xf32, #tpu.memory_space<vmem_shared>> -> memref<128x128xf32, #tpu.memory_space<vmem_shared>>
        tpu.wait_indirect_dma semaphore(%run_scoped3A : memref<!tpu.dma_semaphore, #tpu.memory_space<semaphore_mem>>) src(%arg8 : memref<128x128xf32, #tpu.memory_space<vmem>>) dst(%dma_wait3A_39 : memref<128x128xf32, #tpu.memory_space<vmem_shared>>)
        tpu.yield
      }) : () -> ()
    } else {
    }
    %add3A_9 = arith.constant 32 : i32
    %add3A_10 = arith.addi %add3A, %add3A_9 : i32
    %lt3A_11 = arith.constant 78 : i32
    %lt3A_12 = arith.cmpi slt, %add3A_10, %lt3A_11 : i32
    %convert_element_type3A_13 = arith.extui %lt3A_12 : i1 to i32
    %cond3A_14 = arith.constant 0 : i32
    %cond3A_15 = arith.cmpi ne, %convert_element_type3A_13, %cond3A_14 : i32
    scf.if %cond3A_15 {
      %mul3A_34 = arith.constant 128 : i32
      %mul3A_35 = arith.muli %add3A_10, %mul3A_34 : i32
      "tpu.region"() ({
        %run_scoped3A = tpu.sem_alloc : memref<!tpu.dma_semaphore, #tpu.memory_space<semaphore_mem>>
        %dma_start3A = tpu.memref_slice %arg3[%mul3A_35] : memref<10000xi32, #tpu.memory_space<hbm>> -> memref<128xi32, #tpu.memory_space<hbm>>
        %dma_start3A_36 = tpu.memref_slice %arg3[%mul3A_35] : memref<10000xi32, #tpu.memory_space<hbm>> -> memref<128xi32, #tpu.memory_space<hbm>>
        tpu.enqueue_dma source(%dma_start3A_36 : memref<128xi32, #tpu.memory_space<hbm>>) target(%arg9 : memref<128xi32, #tpu.memory_space<vmem>>) target_semaphore(%run_scoped3A : memref<!tpu.dma_semaphore, #tpu.memory_space<semaphore_mem>>)
        %dma_wait3A = tpu.memref_slice %arg3[%mul3A_35] : memref<10000xi32, #tpu.memory_space<hbm>> -> memref<128xi32, #tpu.memory_space<hbm>>
        %dma_wait3A_37 = tpu.memref_slice %arg3[%mul3A_35] : memref<10000xi32, #tpu.memory_space<hbm>> -> memref<128xi32, #tpu.memory_space<hbm>>
        tpu.wait_dma2 semaphore(%run_scoped3A : memref<!tpu.dma_semaphore, #tpu.memory_space<semaphore_mem>>) src(%dma_wait3A_37 : memref<128xi32, #tpu.memory_space<hbm>>) dst(%arg9 : memref<128xi32, #tpu.memory_space<vmem>>)
        tpu.yield
      }) : () -> ()
      "tpu.region"() ({
        %run_scoped3A = tpu.sem_alloc : memref<!tpu.dma_semaphore, #tpu.memory_space<semaphore_mem>>
        %dma_start3A = arith.constant 0 : i32
        %dma_start3A_36 = tpu.memref_slice %arg2[%mul3A_35, %dma_start3A] : memref<10000x128xf32, #tpu.memory_space<hbm>> -> memref<128x128xf32, #tpu.memory_space<hbm>>
        %dma_start3A_37 = arith.constant 0 : i32
        %dma_start3A_38 = tpu.memref_slice %arg2[%mul3A_35, %dma_start3A_37] : memref<10000x128xf32, #tpu.memory_space<hbm>> -> memref<128x128xf32, #tpu.memory_space<hbm>>
        tpu.enqueue_dma source(%dma_start3A_38 : memref<128x128xf32, #tpu.memory_space<hbm>>) target(%arg8 : memref<128x128xf32, #tpu.memory_space<vmem>>) target_semaphore(%run_scoped3A : memref<!tpu.dma_semaphore, #tpu.memory_space<semaphore_mem>>)
        %dma_wait3A = arith.constant 0 : i32
        %dma_wait3A_39 = tpu.memref_slice %arg2[%mul3A_35, %dma_wait3A] : memref<10000x128xf32, #tpu.memory_space<hbm>> -> memref<128x128xf32, #tpu.memory_space<hbm>>
        %dma_wait3A_40 = arith.constant 0 : i32
        %dma_wait3A_41 = tpu.memref_slice %arg2[%mul3A_35, %dma_wait3A_40] : memref<10000x128xf32, #tpu.memory_space<hbm>> -> memref<128x128xf32, #tpu.memory_space<hbm>>
        tpu.wait_dma2 semaphore(%run_scoped3A : memref<!tpu.dma_semaphore, #tpu.memory_space<semaphore_mem>>) src(%dma_wait3A_41 : memref<128x128xf32, #tpu.memory_space<hbm>>) dst(%arg8 : memref<128x128xf32, #tpu.memory_space<vmem>>)
        tpu.yield
      }) : () -> ()
      "tpu.region"() ({
        %run_scoped3A = tpu.sem_alloc : memref<!tpu.dma_semaphore, #tpu.memory_space<semaphore_mem>>
        %dma_start3A = arith.constant 0 : i32
        %dma_start3A_36 = arith.constant 0 : i32
        %dma_start3A_37 = tpu.memref_slice %arg12[%dma_start3A, %dma_start3A_36] : memref<128x128xf32, #tpu.memory_space<vmem_shared>> -> memref<128x128xf32, #tpu.memory_space<vmem_shared>>
        tpu.enqueue_indirect_dma source(%arg8 : memref<128x128xf32, #tpu.memory_space<vmem>>) target(%dma_start3A_37 : memref<128x128xf32, #tpu.memory_space<vmem_shared>>) offsets(%arg9 : memref<128xi32, #tpu.memory_space<vmem>>) semaphore(%run_scoped3A : memref<!tpu.dma_semaphore, #tpu.memory_space<semaphore_mem>>) {add = true}
        %dma_wait3A = arith.constant 0 : i32
        %dma_wait3A_38 = arith.constant 0 : i32
        %dma_wait3A_39 = tpu.memref_slice %arg12[%dma_wait3A, %dma_wait3A_38] : memref<128x128xf32, #tpu.memory_space<vmem_shared>> -> memref<128x128xf32, #tpu.memory_space<vmem_shared>>
        tpu.wait_indirect_dma semaphore(%run_scoped3A : memref<!tpu.dma_semaphore, #tpu.memory_space<semaphore_mem>>) src(%arg8 : memref<128x128xf32, #tpu.memory_space<vmem>>) dst(%dma_wait3A_39 : memref<128x128xf32, #tpu.memory_space<vmem_shared>>)
        tpu.yield
      }) : () -> ()
    } else {
    }
    %add3A_16 = arith.constant 64 : i32
    %add3A_17 = arith.addi %add3A, %add3A_16 : i32
    %lt3A_18 = arith.constant 78 : i32
    %lt3A_19 = arith.cmpi slt, %add3A_17, %lt3A_18 : i32
    %convert_element_type3A_20 = arith.extui %lt3A_19 : i1 to i32
    %cond3A_21 = arith.constant 0 : i32
    %cond3A_22 = arith.cmpi ne, %convert_element_type3A_20, %cond3A_21 : i32
    scf.if %cond3A_22 {
      %mul3A_34 = arith.constant 128 : i32
      %mul3A_35 = arith.muli %add3A_17, %mul3A_34 : i32
      "tpu.region"() ({
        %run_scoped3A = tpu.sem_alloc : memref<!tpu.dma_semaphore, #tpu.memory_space<semaphore_mem>>
        %dma_start3A = tpu.memref_slice %arg3[%mul3A_35] : memref<10000xi32, #tpu.memory_space<hbm>> -> memref<128xi32, #tpu.memory_space<hbm>>
        %dma_start3A_36 = tpu.memref_slice %arg3[%mul3A_35] : memref<10000xi32, #tpu.memory_space<hbm>> -> memref<128xi32, #tpu.memory_space<hbm>>
        tpu.enqueue_dma source(%dma_start3A_36 : memref<128xi32, #tpu.memory_space<hbm>>) target(%arg9 : memref<128xi32, #tpu.memory_space<vmem>>) target_semaphore(%run_scoped3A : memref<!tpu.dma_semaphore, #tpu.memory_space<semaphore_mem>>)
        %dma_wait3A = tpu.memref_slice %arg3[%mul3A_35] : memref<10000xi32, #tpu.memory_space<hbm>> -> memref<128xi32, #tpu.memory_space<hbm>>
        %dma_wait3A_37 = tpu.memref_slice %arg3[%mul3A_35] : memref<10000xi32, #tpu.memory_space<hbm>> -> memref<128xi32, #tpu.memory_space<hbm>>
        tpu.wait_dma2 semaphore(%run_scoped3A : memref<!tpu.dma_semaphore, #tpu.memory_space<semaphore_mem>>) src(%dma_wait3A_37 : memref<128xi32, #tpu.memory_space<hbm>>) dst(%arg9 : memref<128xi32, #tpu.memory_space<vmem>>)
        tpu.yield
      }) : () -> ()
      "tpu.region"() ({
        %run_scoped3A = tpu.sem_alloc : memref<!tpu.dma_semaphore, #tpu.memory_space<semaphore_mem>>
        %dma_start3A = arith.constant 0 : i32
        %dma_start3A_36 = tpu.memref_slice %arg2[%mul3A_35, %dma_start3A] : memref<10000x128xf32, #tpu.memory_space<hbm>> -> memref<128x128xf32, #tpu.memory_space<hbm>>
        %dma_start3A_37 = arith.constant 0 : i32
        %dma_start3A_38 = tpu.memref_slice %arg2[%mul3A_35, %dma_start3A_37] : memref<10000x128xf32, #tpu.memory_space<hbm>> -> memref<128x128xf32, #tpu.memory_space<hbm>>
        tpu.enqueue_dma source(%dma_start3A_38 : memref<128x128xf32, #tpu.memory_space<hbm>>) target(%arg8 : memref<128x128xf32, #tpu.memory_space<vmem>>) target_semaphore(%run_scoped3A : memref<!tpu.dma_semaphore, #tpu.memory_space<semaphore_mem>>)
        %dma_wait3A = arith.constant 0 : i32
        %dma_wait3A_39 = tpu.memref_slice %arg2[%mul3A_35, %dma_wait3A] : memref<10000x128xf32, #tpu.memory_space<hbm>> -> memref<128x128xf32, #tpu.memory_space<hbm>>
        %dma_wait3A_40 = arith.constant 0 : i32
        %dma_wait3A_41 = tpu.memref_slice %arg2[%mul3A_35, %dma_wait3A_40] : memref<10000x128xf32, #tpu.memory_space<hbm>> -> memref<128x128xf32, #tpu.memory_space<hbm>>
        tpu.wait_dma2 semaphore(%run_scoped3A : memref<!tpu.dma_semaphore, #tpu.memory_space<semaphore_mem>>) src(%dma_wait3A_41 : memref<128x128xf32, #tpu.memory_space<hbm>>) dst(%arg8 : memref<128x128xf32, #tpu.memory_space<vmem>>)
        tpu.yield
      }) : () -> ()
      "tpu.region"() ({
        %run_scoped3A = tpu.sem_alloc : memref<!tpu.dma_semaphore, #tpu.memory_space<semaphore_mem>>
        %dma_start3A = arith.constant 0 : i32
        %dma_start3A_36 = arith.constant 0 : i32
        %dma_start3A_37 = tpu.memref_slice %arg12[%dma_start3A, %dma_start3A_36] : memref<128x128xf32, #tpu.memory_space<vmem_shared>> -> memref<128x128xf32, #tpu.memory_space<vmem_shared>>
        tpu.enqueue_indirect_dma source(%arg8 : memref<128x128xf32, #tpu.memory_space<vmem>>) target(%dma_start3A_37 : memref<128x128xf32, #tpu.memory_space<vmem_shared>>) offsets(%arg9 : memref<128xi32, #tpu.memory_space<vmem>>) semaphore(%run_scoped3A : memref<!tpu.dma_semaphore, #tpu.memory_space<semaphore_mem>>) {add = true}
        %dma_wait3A = arith.constant 0 : i32
        %dma_wait3A_38 = arith.constant 0 : i32
        %dma_wait3A_39 = tpu.memref_slice %arg12[%dma_wait3A, %dma_wait3A_38] : memref<128x128xf32, #tpu.memory_space<vmem_shared>> -> memref<128x128xf32, #tpu.memory_space<vmem_shared>>
        tpu.wait_indirect_dma semaphore(%run_scoped3A : memref<!tpu.dma_semaphore, #tpu.memory_space<semaphore_mem>>) src(%arg8 : memref<128x128xf32, #tpu.memory_space<vmem>>) dst(%dma_wait3A_39 : memref<128x128xf32, #tpu.memory_space<vmem_shared>>)
        tpu.yield
      }) : () -> ()
    } else {
    }
    %eq3A_23 = arith.constant 31 : i32
    %eq3A_24 = arith.cmpi eq, %add3A, %eq3A_23 : i32
    %convert_element_type3A_25 = arith.extui %eq3A_24 : i1 to i32
    %cond3A_26 = arith.constant 0 : i32
    %cond3A_27 = arith.cmpi ne, %convert_element_type3A_25, %cond3A_26 : i32
    scf.if %cond3A_27 {
      "tpu.region"() ({
        %run_scoped3A = tpu.sem_alloc : memref<!tpu.dma_semaphore, #tpu.memory_space<semaphore_mem>>
        %dma_start3A = arith.constant 9984 : i32
        %dma_start3A_34 = tpu.memref_slice %arg3[%dma_start3A] : memref<10000xi32, #tpu.memory_space<hbm>> -> memref<16xi32, #tpu.memory_space<hbm>>
        %dma_start3A_35 = arith.constant 9984 : i32
        %dma_start3A_36 = tpu.memref_slice %arg3[%dma_start3A_35] : memref<10000xi32, #tpu.memory_space<hbm>> -> memref<16xi32, #tpu.memory_space<hbm>>
        tpu.enqueue_dma source(%dma_start3A_36 : memref<16xi32, #tpu.memory_space<hbm>>) target(%arg11 : memref<16xi32, #tpu.memory_space<vmem>>) target_semaphore(%run_scoped3A : memref<!tpu.dma_semaphore, #tpu.memory_space<semaphore_mem>>)
        %dma_wait3A = arith.constant 9984 : i32
        %dma_wait3A_37 = tpu.memref_slice %arg3[%dma_wait3A] : memref<10000xi32, #tpu.memory_space<hbm>> -> memref<16xi32, #tpu.memory_space<hbm>>
        %dma_wait3A_38 = arith.constant 9984 : i32
        %dma_wait3A_39 = tpu.memref_slice %arg3[%dma_wait3A_38] : memref<10000xi32, #tpu.memory_space<hbm>> -> memref<16xi32, #tpu.memory_space<hbm>>
        tpu.wait_dma2 semaphore(%run_scoped3A : memref<!tpu.dma_semaphore, #tpu.memory_space<semaphore_mem>>) src(%dma_wait3A_39 : memref<16xi32, #tpu.memory_space<hbm>>) dst(%arg11 : memref<16xi32, #tpu.memory_space<vmem>>)
        tpu.yield
      }) : () -> ()
      "tpu.region"() ({
        %run_scoped3A = tpu.sem_alloc : memref<!tpu.dma_semaphore, #tpu.memory_space<semaphore_mem>>
        %dma_start3A = arith.constant 9984 : i32
        %dma_start3A_34 = arith.constant 0 : i32
        %dma_start3A_35 = tpu.memref_slice %arg2[%dma_start3A, %dma_start3A_34] : memref<10000x128xf32, #tpu.memory_space<hbm>> -> memref<16x128xf32, #tpu.memory_space<hbm>>
        %dma_start3A_36 = arith.constant 9984 : i32
        %dma_start3A_37 = arith.constant 0 : i32
        %dma_start3A_38 = tpu.memref_slice %arg2[%dma_start3A_36, %dma_start3A_37] : memref<10000x128xf32, #tpu.memory_space<hbm>> -> memref<16x128xf32, #tpu.memory_space<hbm>>
        tpu.enqueue_dma source(%dma_start3A_38 : memref<16x128xf32, #tpu.memory_space<hbm>>) target(%arg10 : memref<16x128xf32, #tpu.memory_space<vmem>>) target_semaphore(%run_scoped3A : memref<!tpu.dma_semaphore, #tpu.memory_space<semaphore_mem>>)
        %dma_wait3A = arith.constant 9984 : i32
        %dma_wait3A_39 = arith.constant 0 : i32
        %dma_wait3A_40 = tpu.memref_slice %arg2[%dma_wait3A, %dma_wait3A_39] : memref<10000x128xf32, #tpu.memory_space<hbm>> -> memref<16x128xf32, #tpu.memory_space<hbm>>
        %dma_wait3A_41 = arith.constant 9984 : i32
        %dma_wait3A_42 = arith.constant 0 : i32
        %dma_wait3A_43 = tpu.memref_slice %arg2[%dma_wait3A_41, %dma_wait3A_42] : memref<10000x128xf32, #tpu.memory_space<hbm>> -> memref<16x128xf32, #tpu.memory_space<hbm>>
        tpu.wait_dma2 semaphore(%run_scoped3A : memref<!tpu.dma_semaphore, #tpu.memory_space<semaphore_mem>>) src(%dma_wait3A_43 : memref<16x128xf32, #tpu.memory_space<hbm>>) dst(%arg10 : memref<16x128xf32, #tpu.memory_space<vmem>>)
        tpu.yield
      }) : () -> ()
      "tpu.region"() ({
        %run_scoped3A = tpu.sem_alloc : memref<!tpu.dma_semaphore, #tpu.memory_space<semaphore_mem>>
        %dma_start3A = arith.constant 0 : i32
        %dma_start3A_34 = arith.constant 0 : i32
        %dma_start3A_35 = tpu.memref_slice %arg12[%dma_start3A, %dma_start3A_34] : memref<128x128xf32, #tpu.memory_space<vmem_shared>> -> memref<128x128xf32, #tpu.memory_space<vmem_shared>>
        tpu.enqueue_indirect_dma source(%arg10 : memref<16x128xf32, #tpu.memory_space<vmem>>) target(%dma_start3A_35 : memref<128x128xf32, #tpu.memory_space<vmem_shared>>) offsets(%arg11 : memref<16xi32, #tpu.memory_space<vmem>>) semaphore(%run_scoped3A : memref<!tpu.dma_semaphore, #tpu.memory_space<semaphore_mem>>) {add = true}
        %dma_wait3A = arith.constant 0 : i32
        %dma_wait3A_36 = arith.constant 0 : i32
        %dma_wait3A_37 = tpu.memref_slice %arg12[%dma_wait3A, %dma_wait3A_36] : memref<128x128xf32, #tpu.memory_space<vmem_shared>> -> memref<128x128xf32, #tpu.memory_space<vmem_shared>>
        tpu.wait_indirect_dma semaphore(%run_scoped3A : memref<!tpu.dma_semaphore, #tpu.memory_space<semaphore_mem>>) src(%arg10 : memref<16x128xf32, #tpu.memory_space<vmem>>) dst(%dma_wait3A_37 : memref<128x128xf32, #tpu.memory_space<vmem_shared>>)
        tpu.yield
      }) : () -> ()
    } else {
    }
    %barrier3A_28 = arith.constant 0 : index
    tpu.barrier barrier_id(%barrier3A_28)
    %eq3A_29 = arith.constant 0 : i32
    %eq3A_30 = arith.cmpi eq, %arg1, %eq3A_29 : i32
    %convert_element_type3A_31 = arith.extui %eq3A_30 : i1 to i32
    %cond3A_32 = arith.constant 0 : i32
    %cond3A_33 = arith.cmpi ne, %convert_element_type3A_31, %cond3A_32 : i32
    scf.if %cond3A_33 {
      %eq3A_34 = arith.constant 0 : i32
      %eq3A_35 = arith.cmpi eq, %arg0, %eq3A_34 : i32
      %convert_element_type3A_36 = arith.extui %eq3A_35 : i1 to i32
      %cond3A_37 = arith.constant 0 : i32
      %cond3A_38 = arith.cmpi ne, %convert_element_type3A_36, %cond3A_37 : i32
      scf.if %cond3A_38 {
        "tpu.region"() ({
          %run_scoped3A = tpu.sem_alloc : memref<!tpu.dma_semaphore, #tpu.memory_space<semaphore_mem>>
          tpu.enqueue_dma source(%arg12 : memref<128x128xf32, #tpu.memory_space<vmem_shared>>) target(%arg6 : memref<128x128xf32, #tpu.memory_space<hbm>>) target_semaphore(%run_scoped3A : memref<!tpu.dma_semaphore, #tpu.memory_space<semaphore_mem>>)
          tpu.wait_dma2 semaphore(%run_scoped3A : memref<!tpu.dma_semaphore, #tpu.memory_space<semaphore_mem>>) src(%arg12 : memref<128x128xf32, #tpu.memory_space<vmem_shared>>) dst(%arg6 : memref<128x128xf32, #tpu.memory_space<hbm>>)
          tpu.yield
        }) : () -> ()
      } else {
      }
      %eq3A_39 = arith.constant 1 : i32
      %eq3A_40 = arith.cmpi eq, %arg0, %eq3A_39 : i32
      %convert_element_type3A_41 = arith.extui %eq3A_40 : i1 to i32
      %cond3A_42 = arith.constant 0 : i32
      %cond3A_43 = arith.cmpi ne, %convert_element_type3A_41, %cond3A_42 : i32
      scf.if %cond3A_43 {
        "tpu.region"() ({
          %run_scoped3A = tpu.sem_alloc : memref<!tpu.dma_semaphore, #tpu.memory_space<semaphore_mem>>
          tpu.enqueue_dma source(%arg12 : memref<128x128xf32, #tpu.memory_space<vmem_shared>>) target(%arg7 : memref<128x128xf32, #tpu.memory_space<hbm>>) target_semaphore(%run_scoped3A : memref<!tpu.dma_semaphore, #tpu.memory_space<semaphore_mem>>)
          tpu.wait_dma2 semaphore(%run_scoped3A : memref<!tpu.dma_semaphore, #tpu.memory_space<semaphore_mem>>) src(%arg12 : memref<128x128xf32, #tpu.memory_space<vmem_shared>>) dst(%arg7 : memref<128x128xf32, #tpu.memory_space<hbm>>)
          tpu.yield
        }) : () -> ()
      } else {
      }
    } else {
    }
    return
  }
}

module attributes {stable_mosaic.version = 14 : i64} {
  func.func @_in_mlp_body(%arg0: i32, %arg1: memref<1000x128xf32, #tpu.memory_space<vmem>>, %arg2: memref<128x32xf32, #tpu.memory_space<vmem>>, %arg3: memref<1x32xf32, #tpu.memory_space<vmem>>, %arg4: memref<32x64xf32, #tpu.memory_space<vmem>>, %arg5: memref<1x64xf32, #tpu.memory_space<vmem>>, %arg6: memref<64x64xf32, #tpu.memory_space<vmem>>, %arg7: memref<1000x128xf32, #tpu.memory_space<vmem>>, %arg8: memref<1000x64xf32, #tpu.memory_space<vmem>>) attributes {dimension_semantics = [#tpu.dimension_semantics<arbitrary>], iteration_bounds = array<i64: 10>, scalar_prefetch = 0 : i64, scratch_operands = 0 : i64, tpu.core_type = #tpu.core_type<tc>, window_params = [{transform_indices = @transform_0, window_bounds = array<i64: 1000, 128>}, {pipeline_mode = #tpu.pipeline_mode<synchronous>, transform_indices = @transform_1, window_bounds = array<i64: 128, 32>}, {pipeline_mode = #tpu.pipeline_mode<synchronous>, transform_indices = @transform_2, window_bounds = array<i64: 1, 32>}, {pipeline_mode = #tpu.pipeline_mode<synchronous>, transform_indices = @transform_3, window_bounds = array<i64: 32, 64>}, {pipeline_mode = #tpu.pipeline_mode<synchronous>, transform_indices = @transform_4, window_bounds = array<i64: 1, 64>}, {pipeline_mode = #tpu.pipeline_mode<synchronous>, transform_indices = @transform_5, window_bounds = array<i64: 64, 64>}, {transform_indices = @transform_6, window_bounds = array<i64: 1000, 128>}, {transform_indices = @transform_7, window_bounds = array<i64: 1000, 64>}]} {
    %get3A = arith.constant 0 : index
    %get3A_0 = arith.constant 0 : index
    %get3A_1 = vector.load %arg1[%get3A, %get3A_0] : memref<1000x128xf32, #tpu.memory_space<vmem>>, vector<1000x128xf32>
    %get3A_2 = arith.constant 0 : index
    %get3A_3 = arith.constant 0 : index
    %get3A_4 = vector.load %arg2[%get3A_2, %get3A_3] : memref<128x32xf32, #tpu.memory_space<vmem>>, vector<128x32xf32>
    %dot_general3A = arith.constant dense<0.000000e+00> : vector<1000x32xf32>
    %dot_general3A_5 = tpu.matmul %get3A_1, %get3A_4, %dot_general3A {dimension_numbers = #tpu.dot_dimension_numbers<[1], [0], [0], [1], [0, 0, 1, 1], [], []>, transpose_lhs_hint = false} : vector<1000x128xf32>, vector<128x32xf32>, vector<1000x32xf32> -> vector<1000x32xf32>
    %get3A_6 = arith.constant 0 : index
    %get3A_7 = arith.constant 0 : index
    %get3A_8 = vector.load %arg3[%get3A_6, %get3A_7] : memref<1x32xf32, #tpu.memory_space<vmem>>, vector<1x32xf32>
    %add3A = vector.broadcast %get3A_8 : vector<1x32xf32> to vector<1000x32xf32>
    %add3A_9 = arith.addf %dot_general3A_5, %add3A : vector<1000x32xf32>
    %max3A = arith.constant 0.000000e+00 : f32
    %max3A_10 = vector.broadcast %max3A : f32 to vector<1000x32xf32>
    %max3A_11 = arith.maximumf %add3A_9, %max3A_10 : vector<1000x32xf32>
    %get3A_12 = arith.constant 0 : index
    %get3A_13 = arith.constant 0 : index
    %get3A_14 = vector.load %arg4[%get3A_12, %get3A_13] : memref<32x64xf32, #tpu.memory_space<vmem>>, vector<32x64xf32>
    %dot_general3A_15 = arith.constant dense<0.000000e+00> : vector<1000x64xf32>
    %dot_general3A_16 = tpu.matmul %max3A_11, %get3A_14, %dot_general3A_15 {dimension_numbers = #tpu.dot_dimension_numbers<[1], [0], [0], [1], [0, 0, 1, 1], [], []>, transpose_lhs_hint = false} : vector<1000x32xf32>, vector<32x64xf32>, vector<1000x64xf32> -> vector<1000x64xf32>
    %get3A_17 = arith.constant 0 : index
    %get3A_18 = arith.constant 0 : index
    %get3A_19 = vector.load %arg5[%get3A_17, %get3A_18] : memref<1x64xf32, #tpu.memory_space<vmem>>, vector<1x64xf32>
    %add3A_20 = vector.broadcast %get3A_19 : vector<1x64xf32> to vector<1000x64xf32>
    %add3A_21 = arith.addf %dot_general3A_16, %add3A_20 : vector<1000x64xf32>
    %broadcast_in_dim3A = arith.constant 0.000000e+00 : f32
    %broadcast_in_dim3A_22 = vector.broadcast %broadcast_in_dim3A : f32 to vector<1000x64xf32>
    %concatenate3A = tpu.concatenate %add3A_21, %broadcast_in_dim3A_22 in 1 : vector<1000x64xf32>, vector<1000x64xf32> -> vector<1000x128xf32>
    %swap3A = arith.constant 0 : index
    %swap3A_23 = arith.constant 0 : index
    %swap3A_24 = vector.load %arg7[%swap3A, %swap3A_23] : memref<1000x128xf32, #tpu.memory_space<vmem>>, vector<1000x128xf32>
    tpu.vector_store %arg7[%swap3A, %swap3A_23], %concatenate3A {strides = array<i32>} : memref<1000x128xf32, #tpu.memory_space<vmem>>, vector<1000x128xf32>,
    %get3A_25 = arith.constant 0 : index
    %get3A_26 = arith.constant 0 : index
    %get3A_27 = vector.load %arg6[%get3A_25, %get3A_26] : memref<64x64xf32, #tpu.memory_space<vmem>>, vector<64x64xf32>
    %dot_general3A_28 = arith.constant dense<0.000000e+00> : vector<1000x64xf32>
    %dot_general3A_29 = tpu.matmul %add3A_21, %get3A_27, %dot_general3A_28 {dimension_numbers = #tpu.dot_dimension_numbers<[1], [0], [0], [1], [0, 0, 1, 1], [], []>, transpose_lhs_hint = false} : vector<1000x64xf32>, vector<64x64xf32>, vector<1000x64xf32> -> vector<1000x64xf32>
    %swap3A_30 = arith.constant 0 : index
    %swap3A_31 = arith.constant 0 : index
    %swap3A_32 = vector.load %arg8[%swap3A_30, %swap3A_31] : memref<1000x64xf32, #tpu.memory_space<vmem>>, vector<1000x64xf32>
    tpu.vector_store %arg8[%swap3A_30, %swap3A_31], %dot_general3A_29 {strides = array<i32>} : memref<1000x64xf32, #tpu.memory_space<vmem>>, vector<1000x64xf32>,
    return
  }
  func.func @transform_0(%arg0: i32) -> (i32, i32) {
    %c0_i32 = arith.constant 0 : i32
    %c0_i32_0 = arith.constant 0 : i32
    return %arg0, %c0_i32 : i32, i32
  }
  func.func @transform_1(%arg0: i32) -> (i32, i32) {
    %c0_i32 = arith.constant 0 : i32
    %c0_i32_0 = arith.constant 0 : i32
    %c0_i32_1 = arith.constant 0 : i32
    return %c0_i32, %c0_i32_0 : i32, i32
  }
  func.func @transform_2(%arg0: i32) -> (i32, i32) {
    %c0_i32 = arith.constant 0 : i32
    %c0_i32_0 = arith.constant 0 : i32
    %c0_i32_1 = arith.constant 0 : i32
    return %c0_i32, %c0_i32_0 : i32, i32
  }
  func.func @transform_3(%arg0: i32) -> (i32, i32) {
    %c0_i32 = arith.constant 0 : i32
    %c0_i32_0 = arith.constant 0 : i32
    %c0_i32_1 = arith.constant 0 : i32
    return %c0_i32, %c0_i32_0 : i32, i32
  }
  func.func @transform_4(%arg0: i32) -> (i32, i32) {
    %c0_i32 = arith.constant 0 : i32
    %c0_i32_0 = arith.constant 0 : i32
    %c0_i32_1 = arith.constant 0 : i32
    return %c0_i32, %c0_i32_0 : i32, i32
  }
  func.func @transform_5(%arg0: i32) -> (i32, i32) {
    %c0_i32 = arith.constant 0 : i32
    %c0_i32_0 = arith.constant 0 : i32
    %c0_i32_1 = arith.constant 0 : i32
    return %c0_i32, %c0_i32_0 : i32, i32
  }
  func.func @transform_6(%arg0: i32) -> (i32, i32) {
    %c0_i32 = arith.constant 0 : i32
    %c0_i32_0 = arith.constant 0 : i32
    return %arg0, %c0_i32 : i32, i32
  }
  func.func @transform_7(%arg0: i32) -> (i32, i32) {
    %c0_i32 = arith.constant 0 : i32
    %c0_i32_0 = arith.constant 0 : i32
    return %arg0, %c0_i32 : i32, i32
  }
}

module attributes {stable_mosaic.version = 14 : i64} {
  func.func @_conv_next_body(%arg0: i32, %arg1: memref<400x10000xf32, #tpu.memory_space<vmem>>, %arg2: memref<10000x64xf32, #tpu.memory_space<vmem>>, %arg3: memref<1x64xf32, #tpu.memory_space<vmem>>, %arg4: memref<64x64xf32, #tpu.memory_space<vmem>>, %arg5: memref<400x128xf32, #tpu.memory_space<vmem>>, %arg6: memref<400x64xf32, #tpu.memory_space<vmem>>) attributes {dimension_semantics = [#tpu.dimension_semantics<arbitrary>], iteration_bounds = array<i64: 25>, scalar_prefetch = 0 : i64, scratch_operands = 0 : i64, tpu.core_type = #tpu.core_type<tc>, window_params = [{transform_indices = @transform_0, window_bounds = array<i64: 400, 10000>}, {pipeline_mode = #tpu.pipeline_mode<synchronous>, transform_indices = @transform_1, window_bounds = array<i64: 10000, 64>}, {pipeline_mode = #tpu.pipeline_mode<synchronous>, transform_indices = @transform_2, window_bounds = array<i64: 1, 64>}, {pipeline_mode = #tpu.pipeline_mode<synchronous>, transform_indices = @transform_3, window_bounds = array<i64: 64, 64>}, {transform_indices = @transform_4, window_bounds = array<i64: 400, 128>}, {transform_indices = @transform_5, window_bounds = array<i64: 400, 64>}]} {
    %get3A = arith.constant 0 : index
    %get3A_0 = arith.constant 0 : index
    %get3A_1 = vector.load %arg1[%get3A, %get3A_0] : memref<400x10000xf32, #tpu.memory_space<vmem>>, vector<400x10000xf32>
    %get3A_2 = arith.constant 0 : index
    %get3A_3 = arith.constant 0 : index
    %get3A_4 = vector.load %arg2[%get3A_2, %get3A_3] : memref<10000x64xf32, #tpu.memory_space<vmem>>, vector<10000x64xf32>
    %dot_general3A = arith.constant dense<0.000000e+00> : vector<400x64xf32>
    %dot_general3A_5 = tpu.matmul %get3A_1, %get3A_4, %dot_general3A {dimension_numbers = #tpu.dot_dimension_numbers<[1], [0], [0], [1], [0, 0, 1, 1], [], []>, transpose_lhs_hint = false} : vector<400x10000xf32>, vector<10000x64xf32>, vector<400x64xf32> -> vector<400x64xf32>
    %get3A_6 = arith.constant 0 : index
    %get3A_7 = arith.constant 0 : index
    %get3A_8 = vector.load %arg3[%get3A_6, %get3A_7] : memref<1x64xf32, #tpu.memory_space<vmem>>, vector<1x64xf32>
    %add3A = vector.broadcast %get3A_8 : vector<1x64xf32> to vector<400x64xf32>
    %add3A_9 = arith.addf %dot_general3A_5, %add3A : vector<400x64xf32>
    %max3A = arith.constant 0.000000e+00 : f32
    %max3A_10 = vector.broadcast %max3A : f32 to vector<400x64xf32>
    %max3A_11 = arith.maximumf %add3A_9, %max3A_10 : vector<400x64xf32>
    %broadcast_in_dim3A = arith.constant 0.000000e+00 : f32
    %broadcast_in_dim3A_12 = vector.broadcast %broadcast_in_dim3A : f32 to vector<400x64xf32>
    %concatenate3A = tpu.concatenate %max3A_11, %broadcast_in_dim3A_12 in 1 : vector<400x64xf32>, vector<400x64xf32> -> vector<400x128xf32>
    %swap3A = arith.constant 0 : index
    %swap3A_13 = arith.constant 0 : index
    %swap3A_14 = vector.load %arg5[%swap3A, %swap3A_13] : memref<400x128xf32, #tpu.memory_space<vmem>>, vector<400x128xf32>
    tpu.vector_store %arg5[%swap3A, %swap3A_13], %concatenate3A {strides = array<i32>} : memref<400x128xf32, #tpu.memory_space<vmem>>, vector<400x128xf32>,
    %get3A_15 = arith.constant 0 : index
    %get3A_16 = arith.constant 0 : index
    %get3A_17 = vector.load %arg4[%get3A_15, %get3A_16] : memref<64x64xf32, #tpu.memory_space<vmem>>, vector<64x64xf32>
    %dot_general3A_18 = arith.constant dense<0.000000e+00> : vector<400x64xf32>
    %dot_general3A_19 = tpu.matmul %max3A_11, %get3A_17, %dot_general3A_18 {dimension_numbers = #tpu.dot_dimension_numbers<[1], [0], [0], [1], [0, 0, 1, 1], [], []>, transpose_lhs_hint = false} : vector<400x64xf32>, vector<64x64xf32>, vector<400x64xf32> -> vector<400x64xf32>
    %swap3A_20 = arith.constant 0 : index
    %swap3A_21 = arith.constant 0 : index
    %swap3A_22 = vector.load %arg6[%swap3A_20, %swap3A_21] : memref<400x64xf32, #tpu.memory_space<vmem>>, vector<400x64xf32>
    tpu.vector_store %arg6[%swap3A_20, %swap3A_21], %dot_general3A_19 {strides = array<i32>} : memref<400x64xf32, #tpu.memory_space<vmem>>, vector<400x64xf32>,
    return
  }
  func.func @transform_0(%arg0: i32) -> (i32, i32) {
    %c0_i32 = arith.constant 0 : i32
    %c0_i32_0 = arith.constant 0 : i32
    return %arg0, %c0_i32 : i32, i32
  }
  func.func @transform_1(%arg0: i32) -> (i32, i32) {
    %c0_i32 = arith.constant 0 : i32
    %c0_i32_0 = arith.constant 0 : i32
    %c0_i32_1 = arith.constant 0 : i32
    return %c0_i32, %c0_i32_0 : i32, i32
  }
  func.func @transform_2(%arg0: i32) -> (i32, i32) {
    %c0_i32 = arith.constant 0 : i32
    %c0_i32_0 = arith.constant 0 : i32
    %c0_i32_1 = arith.constant 0 : i32
    return %c0_i32, %c0_i32_0 : i32, i32
  }
  func.func @transform_3(%arg0: i32) -> (i32, i32) {
    %c0_i32 = arith.constant 0 : i32
    %c0_i32_0 = arith.constant 0 : i32
    %c0_i32_1 = arith.constant 0 : i32
    return %c0_i32, %c0_i32_0 : i32, i32
  }
  func.func @transform_4(%arg0: i32) -> (i32, i32) {
    %c0_i32 = arith.constant 0 : i32
    %c0_i32_0 = arith.constant 0 : i32
    return %arg0, %c0_i32 : i32, i32
  }
  func.func @transform_5(%arg0: i32) -> (i32, i32) {
    %c0_i32 = arith.constant 0 : i32
    %c0_i32_0 = arith.constant 0 : i32
    return %arg0, %c0_i32 : i32, i32
  }
}

module attributes {stable_mosaic.version = 14 : i64} {
  func.func @_conv_seg_body(%arg0: i32, %arg1: memref<400x10000xf32, #tpu.memory_space<vmem>>, %arg2: memref<10000x64xf32, #tpu.memory_space<vmem>>, %arg3: memref<1x64xf32, #tpu.memory_space<vmem>>, %arg4: memref<400x1xi32, #tpu.memory_space<vmem>>, %arg5: memref<128x64xf32, #tpu.memory_space<vmem>>) attributes {dimension_semantics = [#tpu.dimension_semantics<arbitrary>], iteration_bounds = array<i64: 25>, scalar_prefetch = 0 : i64, scratch_operands = 0 : i64, tpu.core_type = #tpu.core_type<tc>, window_params = [{transform_indices = @transform_0, window_bounds = array<i64: 400, 10000>}, {pipeline_mode = #tpu.pipeline_mode<synchronous>, transform_indices = @transform_1, window_bounds = array<i64: 10000, 64>}, {pipeline_mode = #tpu.pipeline_mode<synchronous>, transform_indices = @transform_2, window_bounds = array<i64: 1, 64>}, {transform_indices = @transform_3, window_bounds = array<i64: 400, 1>}, {pipeline_mode = #tpu.pipeline_mode<synchronous>, transform_indices = @transform_4, window_bounds = array<i64: 128, 64>}]} {
    %get3A = arith.constant 0 : index
    %get3A_0 = arith.constant 0 : index
    %get3A_1 = vector.load %arg1[%get3A, %get3A_0] : memref<400x10000xf32, #tpu.memory_space<vmem>>, vector<400x10000xf32>
    %get3A_2 = arith.constant 0 : index
    %get3A_3 = arith.constant 0 : index
    %get3A_4 = vector.load %arg2[%get3A_2, %get3A_3] : memref<10000x64xf32, #tpu.memory_space<vmem>>, vector<10000x64xf32>
    %dot_general3A = arith.constant dense<0.000000e+00> : vector<400x64xf32>
    %dot_general3A_5 = tpu.matmul %get3A_1, %get3A_4, %dot_general3A {dimension_numbers = #tpu.dot_dimension_numbers<[1], [0], [0], [1], [0, 0, 1, 1], [], []>, transpose_lhs_hint = false} : vector<400x10000xf32>, vector<10000x64xf32>, vector<400x64xf32> -> vector<400x64xf32>
    %get3A_6 = arith.constant 0 : index
    %get3A_7 = arith.constant 0 : index
    %get3A_8 = vector.load %arg3[%get3A_6, %get3A_7] : memref<1x64xf32, #tpu.memory_space<vmem>>, vector<1x64xf32>
    %add3A = vector.broadcast %get3A_8 : vector<1x64xf32> to vector<400x64xf32>
    %add3A_9 = arith.addf %dot_general3A_5, %add3A : vector<400x64xf32>
    %max3A = arith.constant 0.000000e+00 : f32
    %max3A_10 = vector.broadcast %max3A : f32 to vector<400x64xf32>
    %max3A_11 = arith.maximumf %add3A_9, %max3A_10 : vector<400x64xf32>
    %iota3A = tpu.iota {dimensions = array<i32: 1>} : vector<400x128xi32>
    %get3A_12 = arith.constant 0 : index
    %get3A_13 = arith.constant 0 : index
    %get3A_14 = vector.load %arg4[%get3A_12, %get3A_13] : memref<400x1xi32, #tpu.memory_space<vmem>>, vector<400x1xi32>
    %eq3A = vector.broadcast %get3A_14 : vector<400x1xi32> to vector<400x128xi32>
    %eq3A_15 = arith.cmpi eq, %eq3A, %iota3A : vector<400x128xi32>
    %convert_element_type3A = arith.extui %eq3A_15 : vector<400x128xi1> to vector<400x128xi32>
    %convert_element_type3A_16 = arith.sitofp %convert_element_type3A : vector<400x128xi32> to vector<400x128xf32>
    %dot_general3A_17 = arith.constant dense<0.000000e+00> : vector<128x64xf32>
    %dot_general3A_18 = tpu.matmul %convert_element_type3A_16, %max3A_11, %dot_general3A_17 {dimension_numbers = #tpu.dot_dimension_numbers<[0], [0], [1], [1], [0, 1, 1, 1], [], []>, transpose_lhs_hint = false} : vector<400x128xf32>, vector<400x64xf32>, vector<128x64xf32> -> vector<128x64xf32>
    %eq3A_19 = arith.constant 0 : i32
    %eq3A_20 = arith.cmpi eq, %arg0, %eq3A_19 : i32
    %convert_element_type3A_21 = arith.extui %eq3A_20 : i1 to i32
    %cond3A = arith.constant 0 : i32
    %cond3A_22 = arith.cmpi ne, %convert_element_type3A_21, %cond3A : i32
    scf.if %cond3A_22 {
      %broadcast_in_dim3A = arith.constant 0.000000e+00 : f32
      %broadcast_in_dim3A_29 = vector.broadcast %broadcast_in_dim3A : f32 to vector<128x64xf32>
      %swap3A_30 = arith.constant 0 : index
      %swap3A_31 = arith.constant 0 : index
      %swap3A_32 = vector.load %arg5[%swap3A_30, %swap3A_31] : memref<128x64xf32, #tpu.memory_space<vmem>>, vector<128x64xf32>
      tpu.vector_store %arg5[%swap3A_30, %swap3A_31], %broadcast_in_dim3A_29 {strides = array<i32>} : memref<128x64xf32, #tpu.memory_space<vmem>>, vector<128x64xf32>,
    } else {
    }
    %get3A_23 = arith.constant 0 : index
    %get3A_24 = arith.constant 0 : index
    %get3A_25 = vector.load %arg5[%get3A_23, %get3A_24] : memref<128x64xf32, #tpu.memory_space<vmem>>, vector<128x64xf32>
    %add3A_26 = arith.addf %get3A_25, %dot_general3A_18 : vector<128x64xf32>
    %swap3A = arith.constant 0 : index
    %swap3A_27 = arith.constant 0 : index
    %swap3A_28 = vector.load %arg5[%swap3A, %swap3A_27] : memref<128x64xf32, #tpu.memory_space<vmem>>, vector<128x64xf32>
    tpu.vector_store %arg5[%swap3A, %swap3A_27], %add3A_26 {strides = array<i32>} : memref<128x64xf32, #tpu.memory_space<vmem>>, vector<128x64xf32>,
    return
  }
  func.func @transform_0(%arg0: i32) -> (i32, i32) {
    %c0_i32 = arith.constant 0 : i32
    %c0_i32_0 = arith.constant 0 : i32
    return %arg0, %c0_i32 : i32, i32
  }
  func.func @transform_1(%arg0: i32) -> (i32, i32) {
    %c0_i32 = arith.constant 0 : i32
    %c0_i32_0 = arith.constant 0 : i32
    %c0_i32_1 = arith.constant 0 : i32
    return %c0_i32, %c0_i32_0 : i32, i32
  }
  func.func @transform_2(%arg0: i32) -> (i32, i32) {
    %c0_i32 = arith.constant 0 : i32
    %c0_i32_0 = arith.constant 0 : i32
    %c0_i32_1 = arith.constant 0 : i32
    return %c0_i32, %c0_i32_0 : i32, i32
  }
  func.func @transform_3(%arg0: i32) -> (i32, i32) {
    %c0_i32 = arith.constant 0 : i32
    %c0_i32_0 = arith.constant 0 : i32
    return %arg0, %c0_i32 : i32, i32
  }
  func.func @transform_4(%arg0: i32) -> (i32, i32) {
    %c0_i32 = arith.constant 0 : i32
    %c0_i32_0 = arith.constant 0 : i32
    %c0_i32_1 = arith.constant 0 : i32
    return %c0_i32, %c0_i32_0 : i32, i32
  }
}

module attributes {stable_mosaic.version = 14 : i64} {
  func.func @_tail_body(%arg0: memref<128x128xf32, #tpu.memory_space<vmem>>, %arg1: memref<128x128xf32, #tpu.memory_space<vmem>>, %arg2: memref<128x128xf32, #tpu.memory_space<vmem>>, %arg3: memref<128x128xf32, #tpu.memory_space<vmem>>, %arg4: memref<128x128xf32, #tpu.memory_space<vmem>>, %arg5: memref<128x128xf32, #tpu.memory_space<vmem>>, %arg6: memref<128x64xf32, #tpu.memory_space<vmem>>, %arg7: memref<16x15xf32, #tpu.memory_space<vmem>>, %arg8: memref<96x64xf32, #tpu.memory_space<vmem>>, %arg9: memref<16x15xf32, #tpu.memory_space<vmem>>, %arg10: memref<96x64xf32, #tpu.memory_space<vmem>>, %arg11: memref<16x16xf32, #tpu.memory_space<vmem>>, %arg12: memref<1x16xf32, #tpu.memory_space<vmem>>, %arg13: memref<16x1xf32, #tpu.memory_space<vmem>>, %arg14: memref<80x16xf32, #tpu.memory_space<vmem>>, %arg15: memref<1x16xf32, #tpu.memory_space<vmem>>, %arg16: memref<16x1xf32, #tpu.memory_space<vmem>>, %arg17: memref<1x1xf32, #tpu.memory_space<vmem>>, %arg18: memref<64x64xf32, #tpu.memory_space<vmem>>, %arg19: memref<1x64xf32, #tpu.memory_space<vmem>>, %arg20: memref<64x2xf32, #tpu.memory_space<vmem>>, %arg21: memref<1x2xf32, #tpu.memory_space<vmem>>, %arg22: memref<48x64xf32, #tpu.memory_space<vmem>>, %arg23: memref<1x64xf32, #tpu.memory_space<vmem>>, %arg24: memref<64x2xf32, #tpu.memory_space<vmem>>, %arg25: memref<1x2xf32, #tpu.memory_space<vmem>>, %arg26: memref<48x64xf32, #tpu.memory_space<vmem>>, %arg27: memref<1x64xf32, #tpu.memory_space<vmem>>, %arg28: memref<64x2xf32, #tpu.memory_space<vmem>>, %arg29: memref<1x2xf32, #tpu.memory_space<vmem>>, %arg30: memref<96x16xf32, #tpu.memory_space<vmem>>, %arg31: memref<1440x6xf32, #tpu.memory_space<vmem>>, %arg32: memref<576x96xf32, #tpu.memory_space<vmem>>, %arg33: memref<128x2xf32, #tpu.memory_space<vmem>>, %arg34: memref<1x1xf32, #tpu.memory_space<vmem>>) attributes {dimension_semantics = [], scalar_prefetch = 0 : i64, scratch_operands = 0 : i64, tpu.core_type = #tpu.core_type<tc>} {
    %get3A = arith.constant 0 : index
    %get3A_0 = arith.constant 0 : index
    %get3A_1 = vector.load %arg2[%get3A, %get3A_0] : memref<128x128xf32, #tpu.memory_space<vmem>>, vector<128x64xf32>
    %get3A_2 = arith.constant 0 : index
    %get3A_3 = arith.constant 0 : index
    %get3A_4 = vector.load %arg3[%get3A_2, %get3A_3] : memref<128x128xf32, #tpu.memory_space<vmem>>, vector<128x64xf32>
    %add3A = arith.addf %get3A_1, %get3A_4 : vector<128x64xf32>
    %max3A = arith.constant 1.000000e+00 : f32
    %max3A_5 = vector.broadcast %max3A : f32 to vector<128x64xf32>
    %max3A_6 = arith.maximumf %add3A, %max3A_5 : vector<128x64xf32>
    %get3A_7 = arith.constant 0 : index
    %get3A_8 = arith.constant 0 : index
    %get3A_9 = vector.load %arg0[%get3A_7, %get3A_8] : memref<128x128xf32, #tpu.memory_space<vmem>>, vector<128x64xf32>
    %get3A_10 = arith.constant 0 : index
    %get3A_11 = arith.constant 0 : index
    %get3A_12 = vector.load %arg1[%get3A_10, %get3A_11] : memref<128x128xf32, #tpu.memory_space<vmem>>, vector<128x64xf32>
    %add3A_13 = arith.addf %get3A_9, %get3A_12 : vector<128x64xf32>
    %div3A = arith.divf %add3A_13, %max3A_6 : vector<128x64xf32>
    %get3A_14 = arith.constant 0 : index
    %get3A_15 = arith.constant 0 : index
    %get3A_16 = vector.load %arg4[%get3A_14, %get3A_15] : memref<128x128xf32, #tpu.memory_space<vmem>>, vector<128x64xf32>
    %get3A_17 = arith.constant 0 : index
    %get3A_18 = arith.constant 0 : index
    %get3A_19 = vector.load %arg5[%get3A_17, %get3A_18] : memref<128x128xf32, #tpu.memory_space<vmem>>, vector<128x64xf32>
    %add3A_20 = arith.addf %get3A_16, %get3A_19 : vector<128x64xf32>
    %div3A_21 = arith.divf %add3A_20, %max3A_6 : vector<128x64xf32>
    %get3A_22 = arith.constant 0 : index
    %get3A_23 = arith.constant 0 : index
    %get3A_24 = vector.load %arg6[%get3A_22, %get3A_23] : memref<128x64xf32, #tpu.memory_space<vmem>>, vector<128x64xf32>
    %div3A_25 = arith.divf %get3A_24, %max3A_6 : vector<128x64xf32>
    %get3A_26 = arith.constant 0 : index
    %get3A_27 = arith.constant 0 : index
    %get3A_28 = vector.load %arg30[%get3A_26, %get3A_27] : memref<96x16xf32, #tpu.memory_space<vmem>>, vector<96x16xf32>
    %get3A_29 = arith.constant 0 : index
    %get3A_30 = arith.constant 0 : index
    %get3A_31 = vector.load %arg18[%get3A_29, %get3A_30] : memref<64x64xf32, #tpu.memory_space<vmem>>, vector<64x64xf32>
    %dot_general3A = arith.constant dense<0.000000e+00> : vector<128x64xf32>
    %dot_general3A_32 = tpu.matmul %div3A, %get3A_31, %dot_general3A {dimension_numbers = #tpu.dot_dimension_numbers<[1], [0], [0], [1], [0, 0, 1, 1], [], []>, transpose_lhs_hint = false} : vector<128x64xf32>, vector<64x64xf32>, vector<128x64xf32> -> vector<128x64xf32>
    %get3A_33 = arith.constant 0 : index
    %get3A_34 = arith.constant 0 : index
    %get3A_35 = vector.load %arg19[%get3A_33, %get3A_34] : memref<1x64xf32, #tpu.memory_space<vmem>>, vector<1x64xf32>
    %add3A_36 = vector.broadcast %get3A_35 : vector<1x64xf32> to vector<128x64xf32>
    %add3A_37 = arith.addf %dot_general3A_32, %add3A_36 : vector<128x64xf32>
    %max3A_38 = arith.constant 0.000000e+00 : f32
    %max3A_39 = vector.broadcast %max3A_38 : f32 to vector<128x64xf32>
    %max3A_40 = arith.maximumf %add3A_37, %max3A_39 : vector<128x64xf32>
    %get3A_41 = arith.constant 0 : index
    %get3A_42 = arith.constant 0 : index
    %get3A_43 = vector.load %arg20[%get3A_41, %get3A_42] : memref<64x2xf32, #tpu.memory_space<vmem>>, vector<64x2xf32>
    %dot_general3A_44 = arith.constant dense<0.000000e+00> : vector<128x2xf32>
    %dot_general3A_45 = tpu.matmul %max3A_40, %get3A_43, %dot_general3A_44 {dimension_numbers = #tpu.dot_dimension_numbers<[1], [0], [0], [1], [0, 0, 1, 1], [], []>, transpose_lhs_hint = false} : vector<128x64xf32>, vector<64x2xf32>, vector<128x2xf32> -> vector<128x2xf32>
    %get3A_46 = arith.constant 0 : index
    %get3A_47 = arith.constant 0 : index
    %get3A_48 = vector.load %arg21[%get3A_46, %get3A_47] : memref<1x2xf32, #tpu.memory_space<vmem>>, vector<1x2xf32>
    %add3A_49 = vector.broadcast %get3A_48 : vector<1x2xf32> to vector<128x2xf32>
    %add3A_50 = arith.addf %dot_general3A_45, %add3A_49 : vector<128x2xf32>
    %get3A_51 = arith.constant 0 : index
    %get3A_52 = arith.constant 0 : index
    %get3A_53 = vector.load %arg7[%get3A_51, %get3A_52] : memref<16x15xf32, #tpu.memory_space<vmem>>, vector<16x15xf32>
    %max3A_54 = arith.constant 0.000000e+00 : f32
    %max3A_55 = vector.broadcast %max3A_54 : f32 to vector<16x15xf32>
    %max3A_56 = arith.maximumf %get3A_53, %max3A_55 : vector<16x15xf32>
    %dot_general3A_57 = arith.constant dense<0.000000e+00> : vector<96x15xf32>
    %dot_general3A_58 = tpu.matmul %get3A_28, %max3A_56, %dot_general3A_57 {dimension_numbers = #tpu.dot_dimension_numbers<[1], [0], [0], [1], [0, 0, 1, 1], [], []>, transpose_lhs_hint = false} : vector<96x16xf32>, vector<16x15xf32>, vector<96x15xf32> -> vector<96x15xf32>
    %broadcast_in_dim3A = arith.constant 0.000000e+00 : f32
    %broadcast_in_dim3A_59 = vector.broadcast %broadcast_in_dim3A : f32 to vector<96x6xf32>
    %slice3A = vector.extract_strided_slice %dot_general3A_58 {offsets = [0, 0], sizes = [96, 1], strides = [1, 1]} : vector<96x15xf32> to vector<96x1xf32>
    %get3A_60 = arith.constant 0 : index
    %get3A_61 = arith.constant 0 : index
    %get3A_62 = vector.load %arg31[%get3A_60, %get3A_61] : memref<1440x6xf32, #tpu.memory_space<vmem>>, vector<96x6xf32>
    %mul3A = vector.broadcast %slice3A : vector<96x1xf32> to vector<96x6xf32>
    %mul3A_63 = arith.mulf %mul3A, %get3A_62 : vector<96x6xf32>
    %add3A_64 = arith.addf %broadcast_in_dim3A_59, %mul3A_63 : vector<96x6xf32>
    %slice3A_65 = vector.extract_strided_slice %dot_general3A_58 {offsets = [0, 1], sizes = [96, 1], strides = [1, 1]} : vector<96x15xf32> to vector<96x1xf32>
    %get3A_66 = arith.constant 96 : index
    %get3A_67 = arith.constant 0 : index
    %get3A_68 = vector.load %arg31[%get3A_66, %get3A_67] : memref<1440x6xf32, #tpu.memory_space<vmem>>, vector<96x6xf32>
    %mul3A_69 = vector.broadcast %slice3A_65 : vector<96x1xf32> to vector<96x6xf32>
    %mul3A_70 = arith.mulf %mul3A_69, %get3A_68 : vector<96x6xf32>
    %add3A_71 = arith.addf %add3A_64, %mul3A_70 : vector<96x6xf32>
    %slice3A_72 = vector.extract_strided_slice %dot_general3A_58 {offsets = [0, 2], sizes = [96, 1], strides = [1, 1]} : vector<96x15xf32> to vector<96x1xf32>
    %get3A_73 = arith.constant 192 : index
    %get3A_74 = arith.constant 0 : index
    %get3A_75 = vector.load %arg31[%get3A_73, %get3A_74] : memref<1440x6xf32, #tpu.memory_space<vmem>>, vector<96x6xf32>
    %mul3A_76 = vector.broadcast %slice3A_72 : vector<96x1xf32> to vector<96x6xf32>
    %mul3A_77 = arith.mulf %mul3A_76, %get3A_75 : vector<96x6xf32>
    %add3A_78 = arith.addf %add3A_71, %mul3A_77 : vector<96x6xf32>
    %slice3A_79 = vector.extract_strided_slice %dot_general3A_58 {offsets = [0, 3], sizes = [96, 1], strides = [1, 1]} : vector<96x15xf32> to vector<96x1xf32>
    %get3A_80 = arith.constant 288 : index
    %get3A_81 = arith.constant 0 : index
    %get3A_82 = vector.load %arg31[%get3A_80, %get3A_81] : memref<1440x6xf32, #tpu.memory_space<vmem>>, vector<96x6xf32>
    %mul3A_83 = vector.broadcast %slice3A_79 : vector<96x1xf32> to vector<96x6xf32>
    %mul3A_84 = arith.mulf %mul3A_83, %get3A_82 : vector<96x6xf32>
    %add3A_85 = arith.addf %add3A_78, %mul3A_84 : vector<96x6xf32>
    %slice3A_86 = vector.extract_strided_slice %dot_general3A_58 {offsets = [0, 4], sizes = [96, 1], strides = [1, 1]} : vector<96x15xf32> to vector<96x1xf32>
    %get3A_87 = arith.constant 384 : index
    %get3A_88 = arith.constant 0 : index
    %get3A_89 = vector.load %arg31[%get3A_87, %get3A_88] : memref<1440x6xf32, #tpu.memory_space<vmem>>, vector<96x6xf32>
    %mul3A_90 = vector.broadcast %slice3A_86 : vector<96x1xf32> to vector<96x6xf32>
    %mul3A_91 = arith.mulf %mul3A_90, %get3A_89 : vector<96x6xf32>
    %add3A_92 = arith.addf %add3A_85, %mul3A_91 : vector<96x6xf32>
    %slice3A_93 = vector.extract_strided_slice %dot_general3A_58 {offsets = [0, 5], sizes = [96, 1], strides = [1, 1]} : vector<96x15xf32> to vector<96x1xf32>
    %get3A_94 = arith.constant 480 : index
    %get3A_95 = arith.constant 0 : index
    %get3A_96 = vector.load %arg31[%get3A_94, %get3A_95] : memref<1440x6xf32, #tpu.memory_space<vmem>>, vector<96x6xf32>
    %mul3A_97 = vector.broadcast %slice3A_93 : vector<96x1xf32> to vector<96x6xf32>
    %mul3A_98 = arith.mulf %mul3A_97, %get3A_96 : vector<96x6xf32>
    %add3A_99 = arith.addf %add3A_92, %mul3A_98 : vector<96x6xf32>
    %slice3A_100 = vector.extract_strided_slice %dot_general3A_58 {offsets = [0, 6], sizes = [96, 1], strides = [1, 1]} : vector<96x15xf32> to vector<96x1xf32>
    %get3A_101 = arith.constant 576 : index
    %get3A_102 = arith.constant 0 : index
    %get3A_103 = vector.load %arg31[%get3A_101, %get3A_102] : memref<1440x6xf32, #tpu.memory_space<vmem>>, vector<96x6xf32>
    %mul3A_104 = vector.broadcast %slice3A_100 : vector<96x1xf32> to vector<96x6xf32>
    %mul3A_105 = arith.mulf %mul3A_104, %get3A_103 : vector<96x6xf32>
    %add3A_106 = arith.addf %add3A_99, %mul3A_105 : vector<96x6xf32>
    %slice3A_107 = vector.extract_strided_slice %dot_general3A_58 {offsets = [0, 7], sizes = [96, 1], strides = [1, 1]} : vector<96x15xf32> to vector<96x1xf32>
    %get3A_108 = arith.constant 672 : index
    %get3A_109 = arith.constant 0 : index
    %get3A_110 = vector.load %arg31[%get3A_108, %get3A_109] : memref<1440x6xf32, #tpu.memory_space<vmem>>, vector<96x6xf32>
    %mul3A_111 = vector.broadcast %slice3A_107 : vector<96x1xf32> to vector<96x6xf32>
    %mul3A_112 = arith.mulf %mul3A_111, %get3A_110 : vector<96x6xf32>
    %add3A_113 = arith.addf %add3A_106, %mul3A_112 : vector<96x6xf32>
    %slice3A_114 = vector.extract_strided_slice %dot_general3A_58 {offsets = [0, 8], sizes = [96, 1], strides = [1, 1]} : vector<96x15xf32> to vector<96x1xf32>
    %get3A_115 = arith.constant 768 : index
    %get3A_116 = arith.constant 0 : index
    %get3A_117 = vector.load %arg31[%get3A_115, %get3A_116] : memref<1440x6xf32, #tpu.memory_space<vmem>>, vector<96x6xf32>
    %mul3A_118 = vector.broadcast %slice3A_114 : vector<96x1xf32> to vector<96x6xf32>
    %mul3A_119 = arith.mulf %mul3A_118, %get3A_117 : vector<96x6xf32>
    %add3A_120 = arith.addf %add3A_113, %mul3A_119 : vector<96x6xf32>
    %slice3A_121 = vector.extract_strided_slice %dot_general3A_58 {offsets = [0, 9], sizes = [96, 1], strides = [1, 1]} : vector<96x15xf32> to vector<96x1xf32>
    %get3A_122 = arith.constant 864 : index
    %get3A_123 = arith.constant 0 : index
    %get3A_124 = vector.load %arg31[%get3A_122, %get3A_123] : memref<1440x6xf32, #tpu.memory_space<vmem>>, vector<96x6xf32>
    %mul3A_125 = vector.broadcast %slice3A_121 : vector<96x1xf32> to vector<96x6xf32>
    %mul3A_126 = arith.mulf %mul3A_125, %get3A_124 : vector<96x6xf32>
    %add3A_127 = arith.addf %add3A_120, %mul3A_126 : vector<96x6xf32>
    %slice3A_128 = vector.extract_strided_slice %dot_general3A_58 {offsets = [0, 10], sizes = [96, 1], strides = [1, 1]} : vector<96x15xf32> to vector<96x1xf32>
    %get3A_129 = arith.constant 960 : index
    %get3A_130 = arith.constant 0 : index
    %get3A_131 = vector.load %arg31[%get3A_129, %get3A_130] : memref<1440x6xf32, #tpu.memory_space<vmem>>, vector<96x6xf32>
    %mul3A_132 = vector.broadcast %slice3A_128 : vector<96x1xf32> to vector<96x6xf32>
    %mul3A_133 = arith.mulf %mul3A_132, %get3A_131 : vector<96x6xf32>
    %add3A_134 = arith.addf %add3A_127, %mul3A_133 : vector<96x6xf32>
    %slice3A_135 = vector.extract_strided_slice %dot_general3A_58 {offsets = [0, 11], sizes = [96, 1], strides = [1, 1]} : vector<96x15xf32> to vector<96x1xf32>
    %get3A_136 = arith.constant 1056 : index
    %get3A_137 = arith.constant 0 : index
    %get3A_138 = vector.load %arg31[%get3A_136, %get3A_137] : memref<1440x6xf32, #tpu.memory_space<vmem>>, vector<96x6xf32>
    %mul3A_139 = vector.broadcast %slice3A_135 : vector<96x1xf32> to vector<96x6xf32>
    %mul3A_140 = arith.mulf %mul3A_139, %get3A_138 : vector<96x6xf32>
    %add3A_141 = arith.addf %add3A_134, %mul3A_140 : vector<96x6xf32>
    %slice3A_142 = vector.extract_strided_slice %dot_general3A_58 {offsets = [0, 12], sizes = [96, 1], strides = [1, 1]} : vector<96x15xf32> to vector<96x1xf32>
    %get3A_143 = arith.constant 1152 : index
    %get3A_144 = arith.constant 0 : index
    %get3A_145 = vector.load %arg31[%get3A_143, %get3A_144] : memref<1440x6xf32, #tpu.memory_space<vmem>>, vector<96x6xf32>
    %mul3A_146 = vector.broadcast %slice3A_142 : vector<96x1xf32> to vector<96x6xf32>
    %mul3A_147 = arith.mulf %mul3A_146, %get3A_145 : vector<96x6xf32>
    %add3A_148 = arith.addf %add3A_141, %mul3A_147 : vector<96x6xf32>
    %slice3A_149 = vector.extract_strided_slice %dot_general3A_58 {offsets = [0, 13], sizes = [96, 1], strides = [1, 1]} : vector<96x15xf32> to vector<96x1xf32>
    %get3A_150 = arith.constant 1248 : index
    %get3A_151 = arith.constant 0 : index
    %get3A_152 = vector.load %arg31[%get3A_150, %get3A_151] : memref<1440x6xf32, #tpu.memory_space<vmem>>, vector<96x6xf32>
    %mul3A_153 = vector.broadcast %slice3A_149 : vector<96x1xf32> to vector<96x6xf32>
    %mul3A_154 = arith.mulf %mul3A_153, %get3A_152 : vector<96x6xf32>
    %add3A_155 = arith.addf %add3A_148, %mul3A_154 : vector<96x6xf32>
    %slice3A_156 = vector.extract_strided_slice %dot_general3A_58 {offsets = [0, 14], sizes = [96, 1], strides = [1, 1]} : vector<96x15xf32> to vector<96x1xf32>
    %get3A_157 = arith.constant 1344 : index
    %get3A_158 = arith.constant 0 : index
    %get3A_159 = vector.load %arg31[%get3A_157, %get3A_158] : memref<1440x6xf32, #tpu.memory_space<vmem>>, vector<96x6xf32>
    %mul3A_160 = vector.broadcast %slice3A_156 : vector<96x1xf32> to vector<96x6xf32>
    %mul3A_161 = arith.mulf %mul3A_160, %get3A_159 : vector<96x6xf32>
    %add3A_162 = arith.addf %add3A_155, %mul3A_161 : vector<96x6xf32>
    %broadcast_in_dim3A_163 = arith.constant 0.000000e+00 : f32
    %broadcast_in_dim3A_164 = vector.broadcast %broadcast_in_dim3A_163 : f32 to vector<96x96xf32>
    %slice3A_165 = vector.extract_strided_slice %add3A_162 {offsets = [0, 0], sizes = [96, 1], strides = [1, 1]} : vector<96x6xf32> to vector<96x1xf32>
    %get3A_166 = arith.constant 0 : index
    %get3A_167 = arith.constant 0 : index
    %get3A_168 = vector.load %arg32[%get3A_166, %get3A_167] : memref<576x96xf32, #tpu.memory_space<vmem>>, vector<96x96xf32>
    %mul3A_169 = vector.broadcast %slice3A_165 : vector<96x1xf32> to vector<96x96xf32>
    %mul3A_170 = arith.mulf %mul3A_169, %get3A_168 : vector<96x96xf32>
    %add3A_171 = arith.addf %broadcast_in_dim3A_164, %mul3A_170 : vector<96x96xf32>
    %slice3A_172 = vector.extract_strided_slice %add3A_162 {offsets = [0, 1], sizes = [96, 1], strides = [1, 1]} : vector<96x6xf32> to vector<96x1xf32>
    %get3A_173 = arith.constant 96 : index
    %get3A_174 = arith.constant 0 : index
    %get3A_175 = vector.load %arg32[%get3A_173, %get3A_174] : memref<576x96xf32, #tpu.memory_space<vmem>>, vector<96x96xf32>
    %mul3A_176 = vector.broadcast %slice3A_172 : vector<96x1xf32> to vector<96x96xf32>
    %mul3A_177 = arith.mulf %mul3A_176, %get3A_175 : vector<96x96xf32>
    %add3A_178 = arith.addf %add3A_171, %mul3A_177 : vector<96x96xf32>
    %slice3A_179 = vector.extract_strided_slice %add3A_162 {offsets = [0, 2], sizes = [96, 1], strides = [1, 1]} : vector<96x6xf32> to vector<96x1xf32>
    %get3A_180 = arith.constant 192 : index
    %get3A_181 = arith.constant 0 : index
    %get3A_182 = vector.load %arg32[%get3A_180, %get3A_181] : memref<576x96xf32, #tpu.memory_space<vmem>>, vector<96x96xf32>
    %mul3A_183 = vector.broadcast %slice3A_179 : vector<96x1xf32> to vector<96x96xf32>
    %mul3A_184 = arith.mulf %mul3A_183, %get3A_182 : vector<96x96xf32>
    %add3A_185 = arith.addf %add3A_178, %mul3A_184 : vector<96x96xf32>
    %slice3A_186 = vector.extract_strided_slice %add3A_162 {offsets = [0, 3], sizes = [96, 1], strides = [1, 1]} : vector<96x6xf32> to vector<96x1xf32>
    %get3A_187 = arith.constant 288 : index
    %get3A_188 = arith.constant 0 : index
    %get3A_189 = vector.load %arg32[%get3A_187, %get3A_188] : memref<576x96xf32, #tpu.memory_space<vmem>>, vector<96x96xf32>
    %mul3A_190 = vector.broadcast %slice3A_186 : vector<96x1xf32> to vector<96x96xf32>
    %mul3A_191 = arith.mulf %mul3A_190, %get3A_189 : vector<96x96xf32>
    %add3A_192 = arith.addf %add3A_185, %mul3A_191 : vector<96x96xf32>
    %slice3A_193 = vector.extract_strided_slice %add3A_162 {offsets = [0, 4], sizes = [96, 1], strides = [1, 1]} : vector<96x6xf32> to vector<96x1xf32>
    %get3A_194 = arith.constant 384 : index
    %get3A_195 = arith.constant 0 : index
    %get3A_196 = vector.load %arg32[%get3A_194, %get3A_195] : memref<576x96xf32, #tpu.memory_space<vmem>>, vector<96x96xf32>
    %mul3A_197 = vector.broadcast %slice3A_193 : vector<96x1xf32> to vector<96x96xf32>
    %mul3A_198 = arith.mulf %mul3A_197, %get3A_196 : vector<96x96xf32>
    %add3A_199 = arith.addf %add3A_192, %mul3A_198 : vector<96x96xf32>
    %slice3A_200 = vector.extract_strided_slice %add3A_162 {offsets = [0, 5], sizes = [96, 1], strides = [1, 1]} : vector<96x6xf32> to vector<96x1xf32>
    %get3A_201 = arith.constant 480 : index
    %get3A_202 = arith.constant 0 : index
    %get3A_203 = vector.load %arg32[%get3A_201, %get3A_202] : memref<576x96xf32, #tpu.memory_space<vmem>>, vector<96x96xf32>
    %mul3A_204 = vector.broadcast %slice3A_200 : vector<96x1xf32> to vector<96x96xf32>
    %mul3A_205 = arith.mulf %mul3A_204, %get3A_203 : vector<96x96xf32>
    %add3A_206 = arith.addf %add3A_199, %mul3A_205 : vector<96x96xf32>
    %logistic3A = arith.negf %div3A_21 : vector<128x64xf32>
    %logistic3A_207 = math.exp %logistic3A : vector<128x64xf32>
    %logistic3A_208 = arith.constant 1.000000e+00 : f32
    %logistic3A_209 = vector.broadcast %logistic3A_208 : f32 to vector<128x64xf32>
    %logistic3A_210 = arith.addf %logistic3A_209, %logistic3A_207 : vector<128x64xf32>
    %logistic3A_211 = arith.divf %logistic3A_209, %logistic3A_210 : vector<128x64xf32>
    %get3A_212 = arith.constant 0 : index
    %get3A_213 = arith.constant 0 : index
    %get3A_214 = vector.load %arg8[%get3A_212, %get3A_213] : memref<96x64xf32, #tpu.memory_space<vmem>>, vector<96x64xf32>
    %dot_general3A_215 = arith.constant dense<0.000000e+00> : vector<128x96xf32>
    %dot_general3A_216 = tpu.matmul %logistic3A_211, %get3A_214, %dot_general3A_215 {dimension_numbers = #tpu.dot_dimension_numbers<[1], [1], [0], [0], [0, 0, 1, 0], [], []>, transpose_lhs_hint = false} : vector<128x64xf32>, vector<96x64xf32>, vector<128x96xf32> -> vector<128x96xf32>
    %dot_general3A_217 = arith.constant dense<0.000000e+00> : vector<96x64xf32>
    %dot_general3A_218 = tpu.matmul %add3A_206, %get3A_214, %dot_general3A_217 {dimension_numbers = #tpu.dot_dimension_numbers<[1], [0], [0], [1], [0, 0, 1, 1], [], []>, transpose_lhs_hint = false} : vector<96x96xf32>, vector<96x64xf32>, vector<96x64xf32> -> vector<96x64xf32>
    %dot_general3A_219 = arith.constant dense<0.000000e+00> : vector<128x96xf32>
    %dot_general3A_220 = tpu.matmul %logistic3A_211, %dot_general3A_218, %dot_general3A_219 {dimension_numbers = #tpu.dot_dimension_numbers<[1], [1], [0], [0], [0, 0, 1, 0], [], []>, transpose_lhs_hint = false} : vector<128x64xf32>, vector<96x64xf32>, vector<128x96xf32> -> vector<128x96xf32>
    %mul3A_221 = arith.mulf %dot_general3A_216, %dot_general3A_220 : vector<128x96xf32>
    %dot_general3A_222 = arith.constant dense<0.000000e+00> : vector<128x16xf32>
    %dot_general3A_223 = tpu.matmul %mul3A_221, %get3A_28, %dot_general3A_222 {dimension_numbers = #tpu.dot_dimension_numbers<[1], [0], [0], [1], [0, 0, 1, 1], [], []>, transpose_lhs_hint = false} : vector<128x96xf32>, vector<96x16xf32>, vector<128x16xf32> -> vector<128x16xf32>
    %dot_general3A_224 = arith.constant dense<0.000000e+00> : vector<96x64xf32>
    %dot_general3A_225 = tpu.matmul %add3A_206, %dot_general3A_218, %dot_general3A_224 {dimension_numbers = #tpu.dot_dimension_numbers<[1], [0], [0], [1], [0, 0, 1, 1], [], []>, transpose_lhs_hint = false} : vector<96x96xf32>, vector<96x64xf32>, vector<96x64xf32> -> vector<96x64xf32>
    %dot_general3A_226 = arith.constant dense<0.000000e+00> : vector<128x96xf32>
    %dot_general3A_227 = tpu.matmul %logistic3A_211, %dot_general3A_225, %dot_general3A_226 {dimension_numbers = #tpu.dot_dimension_numbers<[1], [1], [0], [0], [0, 0, 1, 0], [], []>, transpose_lhs_hint = false} : vector<128x64xf32>, vector<96x64xf32>, vector<128x96xf32> -> vector<128x96xf32>
    %mul3A_228 = arith.mulf %dot_general3A_216, %dot_general3A_227 : vector<128x96xf32>
    %dot_general3A_229 = arith.constant dense<0.000000e+00> : vector<128x16xf32>
    %dot_general3A_230 = tpu.matmul %mul3A_228, %get3A_28, %dot_general3A_229 {dimension_numbers = #tpu.dot_dimension_numbers<[1], [0], [0], [1], [0, 0, 1, 1], [], []>, transpose_lhs_hint = false} : vector<128x96xf32>, vector<96x16xf32>, vector<128x16xf32> -> vector<128x16xf32>
    %dot_general3A_231 = arith.constant dense<0.000000e+00> : vector<96x64xf32>
    %dot_general3A_232 = tpu.matmul %add3A_206, %dot_general3A_225, %dot_general3A_231 {dimension_numbers = #tpu.dot_dimension_numbers<[1], [0], [0], [1], [0, 0, 1, 1], [], []>, transpose_lhs_hint = false} : vector<96x96xf32>, vector<96x64xf32>, vector<96x64xf32> -> vector<96x64xf32>
    %dot_general3A_233 = arith.constant dense<0.000000e+00> : vector<128x96xf32>
    %dot_general3A_234 = tpu.matmul %logistic3A_211, %dot_general3A_232, %dot_general3A_233 {dimension_numbers = #tpu.dot_dimension_numbers<[1], [1], [0], [0], [0, 0, 1, 0], [], []>, transpose_lhs_hint = false} : vector<128x64xf32>, vector<96x64xf32>, vector<128x96xf32> -> vector<128x96xf32>
    %mul3A_235 = arith.mulf %dot_general3A_216, %dot_general3A_234 : vector<128x96xf32>
    %dot_general3A_236 = arith.constant dense<0.000000e+00> : vector<128x16xf32>
    %dot_general3A_237 = tpu.matmul %mul3A_235, %get3A_28, %dot_general3A_236 {dimension_numbers = #tpu.dot_dimension_numbers<[1], [0], [0], [1], [0, 0, 1, 1], [], []>, transpose_lhs_hint = false} : vector<128x96xf32>, vector<96x16xf32>, vector<128x16xf32> -> vector<128x16xf32>
    %concatenate3A = tpu.concatenate %dot_general3A_223, %dot_general3A_230, %dot_general3A_237 in 1 : vector<128x16xf32>, vector<128x16xf32>, vector<128x16xf32> -> vector<128x48xf32>
    %get3A_238 = arith.constant 0 : index
    %get3A_239 = arith.constant 0 : index
    %get3A_240 = vector.load %arg11[%get3A_238, %get3A_239] : memref<16x16xf32, #tpu.memory_space<vmem>>, vector<16x16xf32>
    %dot_general3A_241 = arith.constant dense<0.000000e+00> : vector<128x16xf32>
    %dot_general3A_242 = tpu.matmul %dot_general3A_223, %get3A_240, %dot_general3A_241 {dimension_numbers = #tpu.dot_dimension_numbers<[1], [0], [0], [1], [0, 0, 1, 1], [], []>, transpose_lhs_hint = false} : vector<128x16xf32>, vector<16x16xf32>, vector<128x16xf32> -> vector<128x16xf32>
    %get3A_243 = arith.constant 0 : index
    %get3A_244 = arith.constant 0 : index
    %get3A_245 = vector.load %arg12[%get3A_243, %get3A_244] : memref<1x16xf32, #tpu.memory_space<vmem>>, vector<1x16xf32>
    %add3A_246 = vector.broadcast %get3A_245 : vector<1x16xf32> to vector<128x16xf32>
    %add3A_247 = arith.addf %dot_general3A_242, %add3A_246 : vector<128x16xf32>
    %tanh3A = math.tanh %add3A_247 : vector<128x16xf32>
    %get3A_248 = arith.constant 0 : index
    %get3A_249 = arith.constant 0 : index
    %get3A_250 = vector.load %arg13[%get3A_248, %get3A_249] : memref<16x1xf32, #tpu.memory_space<vmem>>, vector<16x1xf32>
    %dot_general3A_251 = arith.constant dense<0.000000e+00> : vector<128x1xf32>
    %dot_general3A_252 = tpu.matmul %tanh3A, %get3A_250, %dot_general3A_251 {dimension_numbers = #tpu.dot_dimension_numbers<[1], [0], [0], [1], [0, 0, 1, 1], [], []>, transpose_lhs_hint = false} : vector<128x16xf32>, vector<16x1xf32>, vector<128x1xf32> -> vector<128x1xf32>
    %get3A_253 = arith.constant 0 : index
    %get3A_254 = arith.constant 0 : index
    %get3A_255 = vector.load %arg11[%get3A_253, %get3A_254] : memref<16x16xf32, #tpu.memory_space<vmem>>, vector<16x16xf32>
    %dot_general3A_256 = arith.constant dense<0.000000e+00> : vector<128x16xf32>
    %dot_general3A_257 = tpu.matmul %dot_general3A_230, %get3A_255, %dot_general3A_256 {dimension_numbers = #tpu.dot_dimension_numbers<[1], [0], [0], [1], [0, 0, 1, 1], [], []>, transpose_lhs_hint = false} : vector<128x16xf32>, vector<16x16xf32>, vector<128x16xf32> -> vector<128x16xf32>
    %get3A_258 = arith.constant 0 : index
    %get3A_259 = arith.constant 0 : index
    %get3A_260 = vector.load %arg12[%get3A_258, %get3A_259] : memref<1x16xf32, #tpu.memory_space<vmem>>, vector<1x16xf32>
    %add3A_261 = vector.broadcast %get3A_260 : vector<1x16xf32> to vector<128x16xf32>
    %add3A_262 = arith.addf %dot_general3A_257, %add3A_261 : vector<128x16xf32>
    %tanh3A_263 = math.tanh %add3A_262 : vector<128x16xf32>
    %get3A_264 = arith.constant 0 : index
    %get3A_265 = arith.constant 0 : index
    %get3A_266 = vector.load %arg13[%get3A_264, %get3A_265] : memref<16x1xf32, #tpu.memory_space<vmem>>, vector<16x1xf32>
    %dot_general3A_267 = arith.constant dense<0.000000e+00> : vector<128x1xf32>
    %dot_general3A_268 = tpu.matmul %tanh3A_263, %get3A_266, %dot_general3A_267 {dimension_numbers = #tpu.dot_dimension_numbers<[1], [0], [0], [1], [0, 0, 1, 1], [], []>, transpose_lhs_hint = false} : vector<128x16xf32>, vector<16x1xf32>, vector<128x1xf32> -> vector<128x1xf32>
    %get3A_269 = arith.constant 0 : index
    %get3A_270 = arith.constant 0 : index
    %get3A_271 = vector.load %arg11[%get3A_269, %get3A_270] : memref<16x16xf32, #tpu.memory_space<vmem>>, vector<16x16xf32>
    %dot_general3A_272 = arith.constant dense<0.000000e+00> : vector<128x16xf32>
    %dot_general3A_273 = tpu.matmul %dot_general3A_237, %get3A_271, %dot_general3A_272 {dimension_numbers = #tpu.dot_dimension_numbers<[1], [0], [0], [1], [0, 0, 1, 1], [], []>, transpose_lhs_hint = false} : vector<128x16xf32>, vector<16x16xf32>, vector<128x16xf32> -> vector<128x16xf32>
    %get3A_274 = arith.constant 0 : index
    %get3A_275 = arith.constant 0 : index
    %get3A_276 = vector.load %arg12[%get3A_274, %get3A_275] : memref<1x16xf32, #tpu.memory_space<vmem>>, vector<1x16xf32>
    %add3A_277 = vector.broadcast %get3A_276 : vector<1x16xf32> to vector<128x16xf32>
    %add3A_278 = arith.addf %dot_general3A_273, %add3A_277 : vector<128x16xf32>
    %tanh3A_279 = math.tanh %add3A_278 : vector<128x16xf32>
    %get3A_280 = arith.constant 0 : index
    %get3A_281 = arith.constant 0 : index
    %get3A_282 = vector.load %arg13[%get3A_280, %get3A_281] : memref<16x1xf32, #tpu.memory_space<vmem>>, vector<16x1xf32>
    %dot_general3A_283 = arith.constant dense<0.000000e+00> : vector<128x1xf32>
    %dot_general3A_284 = tpu.matmul %tanh3A_279, %get3A_282, %dot_general3A_283 {dimension_numbers = #tpu.dot_dimension_numbers<[1], [0], [0], [1], [0, 0, 1, 1], [], []>, transpose_lhs_hint = false} : vector<128x16xf32>, vector<16x1xf32>, vector<128x1xf32> -> vector<128x1xf32>
    %concatenate3A_285 = tpu.concatenate %dot_general3A_252, %dot_general3A_268, %dot_general3A_284 in 1 : vector<128x1xf32>, vector<128x1xf32>, vector<128x1xf32> -> vector<128x3xf32>
    %reduce_max3A = arith.constant dense<0xFF800000> : vector<128xf32>
    %reduce_max3A_286 = vector.multi_reduction <maximumf>, %concatenate3A_285, %reduce_max3A [1] : vector<128x3xf32> to vector<128xf32>
    %broadcast_in_dim3A_287 = vector.shape_cast %reduce_max3A_286 : vector<128xf32> to vector<128x1xf32>
    %sub3A = vector.broadcast %broadcast_in_dim3A_287 : vector<128x1xf32> to vector<128x3xf32>
    %sub3A_288 = arith.subf %concatenate3A_285, %sub3A : vector<128x3xf32>
    %exp3A = math.exp %sub3A_288 : vector<128x3xf32>
    %reduce_sum3A = arith.constant dense<0.000000e+00> : vector<128xf32>
    %reduce_sum3A_289 = vector.multi_reduction <add>, %exp3A, %reduce_sum3A [1] : vector<128x3xf32> to vector<128xf32>
    %broadcast_in_dim3A_290 = vector.shape_cast %reduce_sum3A_289 : vector<128xf32> to vector<128x1xf32>
    %div3A_291 = vector.broadcast %broadcast_in_dim3A_290 : vector<128x1xf32> to vector<128x3xf32>
    %div3A_292 = arith.divf %exp3A, %div3A_291 : vector<128x3xf32>
    %broadcast_in_dim3A_293 = arith.constant 0.000000e+00 : f32
    %broadcast_in_dim3A_294 = vector.broadcast %broadcast_in_dim3A_293 : f32 to vector<128x16xf32>
    %slice3A_295 = vector.extract_strided_slice %div3A_292 {offsets = [0, 0], sizes = [128, 1], strides = [1, 1]} : vector<128x3xf32> to vector<128x1xf32>
    %mul3A_296 = vector.broadcast %slice3A_295 : vector<128x1xf32> to vector<128x16xf32>
    %mul3A_297 = arith.mulf %mul3A_296, %dot_general3A_223 : vector<128x16xf32>
    %add3A_298 = arith.addf %broadcast_in_dim3A_294, %mul3A_297 : vector<128x16xf32>
    %slice3A_299 = vector.extract_strided_slice %div3A_292 {offsets = [0, 1], sizes = [128, 1], strides = [1, 1]} : vector<128x3xf32> to vector<128x1xf32>
    %mul3A_300 = vector.broadcast %slice3A_299 : vector<128x1xf32> to vector<128x16xf32>
    %mul3A_301 = arith.mulf %mul3A_300, %dot_general3A_230 : vector<128x16xf32>
    %add3A_302 = arith.addf %add3A_298, %mul3A_301 : vector<128x16xf32>
    %slice3A_303 = vector.extract_strided_slice %div3A_292 {offsets = [0, 2], sizes = [128, 1], strides = [1, 1]} : vector<128x3xf32> to vector<128x1xf32>
    %mul3A_304 = vector.broadcast %slice3A_303 : vector<128x1xf32> to vector<128x16xf32>
    %mul3A_305 = arith.mulf %mul3A_304, %dot_general3A_237 : vector<128x16xf32>
    %add3A_306 = arith.addf %add3A_302, %mul3A_305 : vector<128x16xf32>
    %concatenate3A_307 = tpu.concatenate %div3A_21, %add3A_306 in 1 : vector<128x64xf32>, vector<128x16xf32> -> vector<128x80xf32>
    %get3A_308 = arith.constant 0 : index
    %get3A_309 = arith.constant 0 : index
    %get3A_310 = vector.load %arg14[%get3A_308, %get3A_309] : memref<80x16xf32, #tpu.memory_space<vmem>>, vector<80x16xf32>
    %dot_general3A_311 = arith.constant dense<0.000000e+00> : vector<128x16xf32>
    %dot_general3A_312 = tpu.matmul %concatenate3A_307, %get3A_310, %dot_general3A_311 {dimension_numbers = #tpu.dot_dimension_numbers<[1], [0], [0], [1], [0, 0, 1, 1], [], []>, transpose_lhs_hint = false} : vector<128x80xf32>, vector<80x16xf32>, vector<128x16xf32> -> vector<128x16xf32>
    %get3A_313 = arith.constant 0 : index
    %get3A_314 = arith.constant 0 : index
    %get3A_315 = vector.load %arg15[%get3A_313, %get3A_314] : memref<1x16xf32, #tpu.memory_space<vmem>>, vector<1x16xf32>
    %add3A_316 = vector.broadcast %get3A_315 : vector<1x16xf32> to vector<128x16xf32>
    %add3A_317 = arith.addf %dot_general3A_312, %add3A_316 : vector<128x16xf32>
    %max3A_318 = arith.constant 0.000000e+00 : f32
    %max3A_319 = vector.broadcast %max3A_318 : f32 to vector<128x16xf32>
    %max3A_320 = arith.maximumf %add3A_317, %max3A_319 : vector<128x16xf32>
    %get3A_321 = arith.constant 0 : index
    %get3A_322 = arith.constant 0 : index
    %get3A_323 = vector.load %arg16[%get3A_321, %get3A_322] : memref<16x1xf32, #tpu.memory_space<vmem>>, vector<16x1xf32>
    %dot_general3A_324 = arith.constant dense<0.000000e+00> : vector<128x1xf32>
    %dot_general3A_325 = tpu.matmul %max3A_320, %get3A_323, %dot_general3A_324 {dimension_numbers = #tpu.dot_dimension_numbers<[1], [0], [0], [1], [0, 0, 1, 1], [], []>, transpose_lhs_hint = false} : vector<128x16xf32>, vector<16x1xf32>, vector<128x1xf32> -> vector<128x1xf32>
    %get3A_326 = arith.constant 0 : index
    %get3A_327 = arith.constant 0 : index
    %get3A_328 = vector.load %arg17[%get3A_326, %get3A_327] : memref<1x1xf32, #tpu.memory_space<vmem>>, vector<1x1xf32>
    %add3A_329 = vector.broadcast %get3A_328 : vector<1x1xf32> to vector<128x1xf32>
    %add3A_330 = arith.addf %dot_general3A_325, %add3A_329 : vector<128x1xf32>
    %slice3A_331 = vector.extract_strided_slice %add3A_306 {offsets = [127, 0], sizes = [1, 16], strides = [1, 1]} : vector<128x16xf32> to vector<1x16xf32>
    %slice3A_332 = vector.extract_strided_slice %add3A_306 {offsets = [0, 0], sizes = [127, 16], strides = [1, 1]} : vector<128x16xf32> to vector<127x16xf32>
    %concatenate3A_333 = tpu.concatenate %slice3A_331, %slice3A_332 in 0 : vector<1x16xf32>, vector<127x16xf32> -> vector<128x16xf32>
    %concatenate3A_334 = tpu.concatenate %div3A_21, %concatenate3A_333 in 1 : vector<128x64xf32>, vector<128x16xf32> -> vector<128x80xf32>
    %get3A_335 = arith.constant 0 : index
    %get3A_336 = arith.constant 0 : index
    %get3A_337 = vector.load %arg14[%get3A_335, %get3A_336] : memref<80x16xf32, #tpu.memory_space<vmem>>, vector<80x16xf32>
    %dot_general3A_338 = arith.constant dense<0.000000e+00> : vector<128x16xf32>
    %dot_general3A_339 = tpu.matmul %concatenate3A_334, %get3A_337, %dot_general3A_338 {dimension_numbers = #tpu.dot_dimension_numbers<[1], [0], [0], [1], [0, 0, 1, 1], [], []>, transpose_lhs_hint = false} : vector<128x80xf32>, vector<80x16xf32>, vector<128x16xf32> -> vector<128x16xf32>
    %get3A_340 = arith.constant 0 : index
    %get3A_341 = arith.constant 0 : index
    %get3A_342 = vector.load %arg15[%get3A_340, %get3A_341] : memref<1x16xf32, #tpu.memory_space<vmem>>, vector<1x16xf32>
    %add3A_343 = vector.broadcast %get3A_342 : vector<1x16xf32> to vector<128x16xf32>
    %add3A_344 = arith.addf %dot_general3A_339, %add3A_343 : vector<128x16xf32>
    %max3A_345 = arith.constant 0.000000e+00 : f32
    %max3A_346 = vector.broadcast %max3A_345 : f32 to vector<128x16xf32>
    %max3A_347 = arith.maximumf %add3A_344, %max3A_346 : vector<128x16xf32>
    %get3A_348 = arith.constant 0 : index
    %get3A_349 = arith.constant 0 : index
    %get3A_350 = vector.load %arg16[%get3A_348, %get3A_349] : memref<16x1xf32, #tpu.memory_space<vmem>>, vector<16x1xf32>
    %dot_general3A_351 = arith.constant dense<0.000000e+00> : vector<128x1xf32>
    %dot_general3A_352 = tpu.matmul %max3A_347, %get3A_350, %dot_general3A_351 {dimension_numbers = #tpu.dot_dimension_numbers<[1], [0], [0], [1], [0, 0, 1, 1], [], []>, transpose_lhs_hint = false} : vector<128x16xf32>, vector<16x1xf32>, vector<128x1xf32> -> vector<128x1xf32>
    %get3A_353 = arith.constant 0 : index
    %get3A_354 = arith.constant 0 : index
    %get3A_355 = vector.load %arg17[%get3A_353, %get3A_354] : memref<1x1xf32, #tpu.memory_space<vmem>>, vector<1x1xf32>
    %add3A_356 = vector.broadcast %get3A_355 : vector<1x1xf32> to vector<128x1xf32>
    %add3A_357 = arith.addf %dot_general3A_352, %add3A_356 : vector<128x1xf32>
    %reduce_sum3A_358 = vector.shape_cast %add3A_330 : vector<128x1xf32> to vector<1x128x1xf32>
    %reduce_sum3A_359 = arith.constant dense<0.000000e+00> : vector<1xf32>
    %reduce_sum3A_360 = vector.multi_reduction <add>, %reduce_sum3A_358, %reduce_sum3A_359 [1, 2] : vector<1x128x1xf32> to vector<1xf32>
    %reduce_sum3A_361 = vector.shape_cast %reduce_sum3A_360 : vector<1xf32> to vector<1x1x1xf32>
    %reduce_sum3A_362 = vector.extract %reduce_sum3A_361[0, 0, 0] : f32 from vector<1x1x1xf32>
    %div3A_363 = arith.constant 1.280000e+02 : f32
    %div3A_364 = arith.divf %reduce_sum3A_362, %div3A_363 : f32
    %add3A_365 = arith.constant 0.000000e+00 : f32
    %add3A_366 = arith.addf %add3A_365, %div3A_364 : f32
    %exp3A_367 = math.exp %add3A_357 : vector<128x1xf32>
    %reduce_sum3A_368 = vector.shape_cast %exp3A_367 : vector<128x1xf32> to vector<1x128x1xf32>
    %reduce_sum3A_369 = arith.constant dense<0.000000e+00> : vector<1xf32>
    %reduce_sum3A_370 = vector.multi_reduction <add>, %reduce_sum3A_368, %reduce_sum3A_369 [1, 2] : vector<1x128x1xf32> to vector<1xf32>
    %reduce_sum3A_371 = vector.shape_cast %reduce_sum3A_370 : vector<1xf32> to vector<1x1x1xf32>
    %reduce_sum3A_372 = vector.extract %reduce_sum3A_371[0, 0, 0] : f32 from vector<1x1x1xf32>
    %div3A_373 = arith.constant 1.280000e+02 : f32
    %div3A_374 = arith.divf %reduce_sum3A_372, %div3A_373 : f32
    %add3A_375 = arith.constant 9.99999993E-9 : f32
    %add3A_376 = arith.addf %div3A_374, %add3A_375 : f32
    %log3A = math.log %add3A_376 : f32
    %sub3A_377 = arith.subf %add3A_366, %log3A : f32
    %get3A_378 = arith.constant 0 : index
    %get3A_379 = arith.constant 0 : index
    %get3A_380 = vector.load %arg22[%get3A_378, %get3A_379] : memref<48x64xf32, #tpu.memory_space<vmem>>, vector<48x64xf32>
    %dot_general3A_381 = arith.constant dense<0.000000e+00> : vector<128x64xf32>
    %dot_general3A_382 = tpu.matmul %concatenate3A, %get3A_380, %dot_general3A_381 {dimension_numbers = #tpu.dot_dimension_numbers<[1], [0], [0], [1], [0, 0, 1, 1], [], []>, transpose_lhs_hint = false} : vector<128x48xf32>, vector<48x64xf32>, vector<128x64xf32> -> vector<128x64xf32>
    %get3A_383 = arith.constant 0 : index
    %get3A_384 = arith.constant 0 : index
    %get3A_385 = vector.load %arg23[%get3A_383, %get3A_384] : memref<1x64xf32, #tpu.memory_space<vmem>>, vector<1x64xf32>
    %add3A_386 = vector.broadcast %get3A_385 : vector<1x64xf32> to vector<128x64xf32>
    %add3A_387 = arith.addf %dot_general3A_382, %add3A_386 : vector<128x64xf32>
    %max3A_388 = arith.constant 0.000000e+00 : f32
    %max3A_389 = vector.broadcast %max3A_388 : f32 to vector<128x64xf32>
    %max3A_390 = arith.maximumf %add3A_387, %max3A_389 : vector<128x64xf32>
    %get3A_391 = arith.constant 0 : index
    %get3A_392 = arith.constant 0 : index
    %get3A_393 = vector.load %arg24[%get3A_391, %get3A_392] : memref<64x2xf32, #tpu.memory_space<vmem>>, vector<64x2xf32>
    %dot_general3A_394 = arith.constant dense<0.000000e+00> : vector<128x2xf32>
    %dot_general3A_395 = tpu.matmul %max3A_390, %get3A_393, %dot_general3A_394 {dimension_numbers = #tpu.dot_dimension_numbers<[1], [0], [0], [1], [0, 0, 1, 1], [], []>, transpose_lhs_hint = false} : vector<128x64xf32>, vector<64x2xf32>, vector<128x2xf32> -> vector<128x2xf32>
    %add3A_396 = arith.addf %add3A_50, %dot_general3A_395 : vector<128x2xf32>
    %get3A_397 = arith.constant 0 : index
    %get3A_398 = arith.constant 0 : index
    %get3A_399 = vector.load %arg25[%get3A_397, %get3A_398] : memref<1x2xf32, #tpu.memory_space<vmem>>, vector<1x2xf32>
    %add3A_400 = vector.broadcast %get3A_399 : vector<1x2xf32> to vector<128x2xf32>
    %add3A_401 = arith.addf %add3A_396, %add3A_400 : vector<128x2xf32>
    %get3A_402 = arith.constant 0 : index
    %get3A_403 = arith.constant 0 : index
    %get3A_404 = vector.load %arg9[%get3A_402, %get3A_403] : memref<16x15xf32, #tpu.memory_space<vmem>>, vector<16x15xf32>
    %max3A_405 = arith.constant 0.000000e+00 : f32
    %max3A_406 = vector.broadcast %max3A_405 : f32 to vector<16x15xf32>
    %max3A_407 = arith.maximumf %get3A_404, %max3A_406 : vector<16x15xf32>
    %dot_general3A_408 = arith.constant dense<0.000000e+00> : vector<96x15xf32>
    %dot_general3A_409 = tpu.matmul %get3A_28, %max3A_407, %dot_general3A_408 {dimension_numbers = #tpu.dot_dimension_numbers<[1], [0], [0], [1], [0, 0, 1, 1], [], []>, transpose_lhs_hint = false} : vector<96x16xf32>, vector<16x15xf32>, vector<96x15xf32> -> vector<96x15xf32>
    %broadcast_in_dim3A_410 = arith.constant 0.000000e+00 : f32
    %broadcast_in_dim3A_411 = vector.broadcast %broadcast_in_dim3A_410 : f32 to vector<96x6xf32>
    %slice3A_412 = vector.extract_strided_slice %dot_general3A_409 {offsets = [0, 0], sizes = [96, 1], strides = [1, 1]} : vector<96x15xf32> to vector<96x1xf32>
    %get3A_413 = arith.constant 0 : index
    %get3A_414 = arith.constant 0 : index
    %get3A_415 = vector.load %arg31[%get3A_413, %get3A_414] : memref<1440x6xf32, #tpu.memory_space<vmem>>, vector<96x6xf32>
    %mul3A_416 = vector.broadcast %slice3A_412 : vector<96x1xf32> to vector<96x6xf32>
    %mul3A_417 = arith.mulf %mul3A_416, %get3A_415 : vector<96x6xf32>
    %add3A_418 = arith.addf %broadcast_in_dim3A_411, %mul3A_417 : vector<96x6xf32>
    %slice3A_419 = vector.extract_strided_slice %dot_general3A_409 {offsets = [0, 1], sizes = [96, 1], strides = [1, 1]} : vector<96x15xf32> to vector<96x1xf32>
    %get3A_420 = arith.constant 96 : index
    %get3A_421 = arith.constant 0 : index
    %get3A_422 = vector.load %arg31[%get3A_420, %get3A_421] : memref<1440x6xf32, #tpu.memory_space<vmem>>, vector<96x6xf32>
    %mul3A_423 = vector.broadcast %slice3A_419 : vector<96x1xf32> to vector<96x6xf32>
    %mul3A_424 = arith.mulf %mul3A_423, %get3A_422 : vector<96x6xf32>
    %add3A_425 = arith.addf %add3A_418, %mul3A_424 : vector<96x6xf32>
    %slice3A_426 = vector.extract_strided_slice %dot_general3A_409 {offsets = [0, 2], sizes = [96, 1], strides = [1, 1]} : vector<96x15xf32> to vector<96x1xf32>
    %get3A_427 = arith.constant 192 : index
    %get3A_428 = arith.constant 0 : index
    %get3A_429 = vector.load %arg31[%get3A_427, %get3A_428] : memref<1440x6xf32, #tpu.memory_space<vmem>>, vector<96x6xf32>
    %mul3A_430 = vector.broadcast %slice3A_426 : vector<96x1xf32> to vector<96x6xf32>
    %mul3A_431 = arith.mulf %mul3A_430, %get3A_429 : vector<96x6xf32>
    %add3A_432 = arith.addf %add3A_425, %mul3A_431 : vector<96x6xf32>
    %slice3A_433 = vector.extract_strided_slice %dot_general3A_409 {offsets = [0, 3], sizes = [96, 1], strides = [1, 1]} : vector<96x15xf32> to vector<96x1xf32>
    %get3A_434 = arith.constant 288 : index
    %get3A_435 = arith.constant 0 : index
    %get3A_436 = vector.load %arg31[%get3A_434, %get3A_435] : memref<1440x6xf32, #tpu.memory_space<vmem>>, vector<96x6xf32>
    %mul3A_437 = vector.broadcast %slice3A_433 : vector<96x1xf32> to vector<96x6xf32>
    %mul3A_438 = arith.mulf %mul3A_437, %get3A_436 : vector<96x6xf32>
    %add3A_439 = arith.addf %add3A_432, %mul3A_438 : vector<96x6xf32>
    %slice3A_440 = vector.extract_strided_slice %dot_general3A_409 {offsets = [0, 4], sizes = [96, 1], strides = [1, 1]} : vector<96x15xf32> to vector<96x1xf32>
    %get3A_441 = arith.constant 384 : index
    %get3A_442 = arith.constant 0 : index
    %get3A_443 = vector.load %arg31[%get3A_441, %get3A_442] : memref<1440x6xf32, #tpu.memory_space<vmem>>, vector<96x6xf32>
    %mul3A_444 = vector.broadcast %slice3A_440 : vector<96x1xf32> to vector<96x6xf32>
    %mul3A_445 = arith.mulf %mul3A_444, %get3A_443 : vector<96x6xf32>
    %add3A_446 = arith.addf %add3A_439, %mul3A_445 : vector<96x6xf32>
    %slice3A_447 = vector.extract_strided_slice %dot_general3A_409 {offsets = [0, 5], sizes = [96, 1], strides = [1, 1]} : vector<96x15xf32> to vector<96x1xf32>
    %get3A_448 = arith.constant 480 : index
    %get3A_449 = arith.constant 0 : index
    %get3A_450 = vector.load %arg31[%get3A_448, %get3A_449] : memref<1440x6xf32, #tpu.memory_space<vmem>>, vector<96x6xf32>
    %mul3A_451 = vector.broadcast %slice3A_447 : vector<96x1xf32> to vector<96x6xf32>
    %mul3A_452 = arith.mulf %mul3A_451, %get3A_450 : vector<96x6xf32>
    %add3A_453 = arith.addf %add3A_446, %mul3A_452 : vector<96x6xf32>
    %slice3A_454 = vector.extract_strided_slice %dot_general3A_409 {offsets = [0, 6], sizes = [96, 1], strides = [1, 1]} : vector<96x15xf32> to vector<96x1xf32>
    %get3A_455 = arith.constant 576 : index
    %get3A_456 = arith.constant 0 : index
    %get3A_457 = vector.load %arg31[%get3A_455, %get3A_456] : memref<1440x6xf32, #tpu.memory_space<vmem>>, vector<96x6xf32>
    %mul3A_458 = vector.broadcast %slice3A_454 : vector<96x1xf32> to vector<96x6xf32>
    %mul3A_459 = arith.mulf %mul3A_458, %get3A_457 : vector<96x6xf32>
    %add3A_460 = arith.addf %add3A_453, %mul3A_459 : vector<96x6xf32>
    %slice3A_461 = vector.extract_strided_slice %dot_general3A_409 {offsets = [0, 7], sizes = [96, 1], strides = [1, 1]} : vector<96x15xf32> to vector<96x1xf32>
    %get3A_462 = arith.constant 672 : index
    %get3A_463 = arith.constant 0 : index
    %get3A_464 = vector.load %arg31[%get3A_462, %get3A_463] : memref<1440x6xf32, #tpu.memory_space<vmem>>, vector<96x6xf32>
    %mul3A_465 = vector.broadcast %slice3A_461 : vector<96x1xf32> to vector<96x6xf32>
    %mul3A_466 = arith.mulf %mul3A_465, %get3A_464 : vector<96x6xf32>
    %add3A_467 = arith.addf %add3A_460, %mul3A_466 : vector<96x6xf32>
    %slice3A_468 = vector.extract_strided_slice %dot_general3A_409 {offsets = [0, 8], sizes = [96, 1], strides = [1, 1]} : vector<96x15xf32> to vector<96x1xf32>
    %get3A_469 = arith.constant 768 : index
    %get3A_470 = arith.constant 0 : index
    %get3A_471 = vector.load %arg31[%get3A_469, %get3A_470] : memref<1440x6xf32, #tpu.memory_space<vmem>>, vector<96x6xf32>
    %mul3A_472 = vector.broadcast %slice3A_468 : vector<96x1xf32> to vector<96x6xf32>
    %mul3A_473 = arith.mulf %mul3A_472, %get3A_471 : vector<96x6xf32>
    %add3A_474 = arith.addf %add3A_467, %mul3A_473 : vector<96x6xf32>
    %slice3A_475 = vector.extract_strided_slice %dot_general3A_409 {offsets = [0, 9], sizes = [96, 1], strides = [1, 1]} : vector<96x15xf32> to vector<96x1xf32>
    %get3A_476 = arith.constant 864 : index
    %get3A_477 = arith.constant 0 : index
    %get3A_478 = vector.load %arg31[%get3A_476, %get3A_477] : memref<1440x6xf32, #tpu.memory_space<vmem>>, vector<96x6xf32>
    %mul3A_479 = vector.broadcast %slice3A_475 : vector<96x1xf32> to vector<96x6xf32>
    %mul3A_480 = arith.mulf %mul3A_479, %get3A_478 : vector<96x6xf32>
    %add3A_481 = arith.addf %add3A_474, %mul3A_480 : vector<96x6xf32>
    %slice3A_482 = vector.extract_strided_slice %dot_general3A_409 {offsets = [0, 10], sizes = [96, 1], strides = [1, 1]} : vector<96x15xf32> to vector<96x1xf32>
    %get3A_483 = arith.constant 960 : index
    %get3A_484 = arith.constant 0 : index
    %get3A_485 = vector.load %arg31[%get3A_483, %get3A_484] : memref<1440x6xf32, #tpu.memory_space<vmem>>, vector<96x6xf32>
    %mul3A_486 = vector.broadcast %slice3A_482 : vector<96x1xf32> to vector<96x6xf32>
    %mul3A_487 = arith.mulf %mul3A_486, %get3A_485 : vector<96x6xf32>
    %add3A_488 = arith.addf %add3A_481, %mul3A_487 : vector<96x6xf32>
    %slice3A_489 = vector.extract_strided_slice %dot_general3A_409 {offsets = [0, 11], sizes = [96, 1], strides = [1, 1]} : vector<96x15xf32> to vector<96x1xf32>
    %get3A_490 = arith.constant 1056 : index
    %get3A_491 = arith.constant 0 : index
    %get3A_492 = vector.load %arg31[%get3A_490, %get3A_491] : memref<1440x6xf32, #tpu.memory_space<vmem>>, vector<96x6xf32>
    %mul3A_493 = vector.broadcast %slice3A_489 : vector<96x1xf32> to vector<96x6xf32>
    %mul3A_494 = arith.mulf %mul3A_493, %get3A_492 : vector<96x6xf32>
    %add3A_495 = arith.addf %add3A_488, %mul3A_494 : vector<96x6xf32>
    %slice3A_496 = vector.extract_strided_slice %dot_general3A_409 {offsets = [0, 12], sizes = [96, 1], strides = [1, 1]} : vector<96x15xf32> to vector<96x1xf32>
    %get3A_497 = arith.constant 1152 : index
    %get3A_498 = arith.constant 0 : index
    %get3A_499 = vector.load %arg31[%get3A_497, %get3A_498] : memref<1440x6xf32, #tpu.memory_space<vmem>>, vector<96x6xf32>
    %mul3A_500 = vector.broadcast %slice3A_496 : vector<96x1xf32> to vector<96x6xf32>
    %mul3A_501 = arith.mulf %mul3A_500, %get3A_499 : vector<96x6xf32>
    %add3A_502 = arith.addf %add3A_495, %mul3A_501 : vector<96x6xf32>
    %slice3A_503 = vector.extract_strided_slice %dot_general3A_409 {offsets = [0, 13], sizes = [96, 1], strides = [1, 1]} : vector<96x15xf32> to vector<96x1xf32>
    %get3A_504 = arith.constant 1248 : index
    %get3A_505 = arith.constant 0 : index
    %get3A_506 = vector.load %arg31[%get3A_504, %get3A_505] : memref<1440x6xf32, #tpu.memory_space<vmem>>, vector<96x6xf32>
    %mul3A_507 = vector.broadcast %slice3A_503 : vector<96x1xf32> to vector<96x6xf32>
    %mul3A_508 = arith.mulf %mul3A_507, %get3A_506 : vector<96x6xf32>
    %add3A_509 = arith.addf %add3A_502, %mul3A_508 : vector<96x6xf32>
    %slice3A_510 = vector.extract_strided_slice %dot_general3A_409 {offsets = [0, 14], sizes = [96, 1], strides = [1, 1]} : vector<96x15xf32> to vector<96x1xf32>
    %get3A_511 = arith.constant 1344 : index
    %get3A_512 = arith.constant 0 : index
    %get3A_513 = vector.load %arg31[%get3A_511, %get3A_512] : memref<1440x6xf32, #tpu.memory_space<vmem>>, vector<96x6xf32>
    %mul3A_514 = vector.broadcast %slice3A_510 : vector<96x1xf32> to vector<96x6xf32>
    %mul3A_515 = arith.mulf %mul3A_514, %get3A_513 : vector<96x6xf32>
    %add3A_516 = arith.addf %add3A_509, %mul3A_515 : vector<96x6xf32>
    %broadcast_in_dim3A_517 = arith.constant 0.000000e+00 : f32
    %broadcast_in_dim3A_518 = vector.broadcast %broadcast_in_dim3A_517 : f32 to vector<96x96xf32>
    %slice3A_519 = vector.extract_strided_slice %add3A_516 {offsets = [0, 0], sizes = [96, 1], strides = [1, 1]} : vector<96x6xf32> to vector<96x1xf32>
    %get3A_520 = arith.constant 0 : index
    %get3A_521 = arith.constant 0 : index
    %get3A_522 = vector.load %arg32[%get3A_520, %get3A_521] : memref<576x96xf32, #tpu.memory_space<vmem>>, vector<96x96xf32>
    %mul3A_523 = vector.broadcast %slice3A_519 : vector<96x1xf32> to vector<96x96xf32>
    %mul3A_524 = arith.mulf %mul3A_523, %get3A_522 : vector<96x96xf32>
    %add3A_525 = arith.addf %broadcast_in_dim3A_518, %mul3A_524 : vector<96x96xf32>
    %slice3A_526 = vector.extract_strided_slice %add3A_516 {offsets = [0, 1], sizes = [96, 1], strides = [1, 1]} : vector<96x6xf32> to vector<96x1xf32>
    %get3A_527 = arith.constant 96 : index
    %get3A_528 = arith.constant 0 : index
    %get3A_529 = vector.load %arg32[%get3A_527, %get3A_528] : memref<576x96xf32, #tpu.memory_space<vmem>>, vector<96x96xf32>
    %mul3A_530 = vector.broadcast %slice3A_526 : vector<96x1xf32> to vector<96x96xf32>
    %mul3A_531 = arith.mulf %mul3A_530, %get3A_529 : vector<96x96xf32>
    %add3A_532 = arith.addf %add3A_525, %mul3A_531 : vector<96x96xf32>
    %slice3A_533 = vector.extract_strided_slice %add3A_516 {offsets = [0, 2], sizes = [96, 1], strides = [1, 1]} : vector<96x6xf32> to vector<96x1xf32>
    %get3A_534 = arith.constant 192 : index
    %get3A_535 = arith.constant 0 : index
    %get3A_536 = vector.load %arg32[%get3A_534, %get3A_535] : memref<576x96xf32, #tpu.memory_space<vmem>>, vector<96x96xf32>
    %mul3A_537 = vector.broadcast %slice3A_533 : vector<96x1xf32> to vector<96x96xf32>
    %mul3A_538 = arith.mulf %mul3A_537, %get3A_536 : vector<96x96xf32>
    %add3A_539 = arith.addf %add3A_532, %mul3A_538 : vector<96x96xf32>
    %slice3A_540 = vector.extract_strided_slice %add3A_516 {offsets = [0, 3], sizes = [96, 1], strides = [1, 1]} : vector<96x6xf32> to vector<96x1xf32>
    %get3A_541 = arith.constant 288 : index
    %get3A_542 = arith.constant 0 : index
    %get3A_543 = vector.load %arg32[%get3A_541, %get3A_542] : memref<576x96xf32, #tpu.memory_space<vmem>>, vector<96x96xf32>
    %mul3A_544 = vector.broadcast %slice3A_540 : vector<96x1xf32> to vector<96x96xf32>
    %mul3A_545 = arith.mulf %mul3A_544, %get3A_543 : vector<96x96xf32>
    %add3A_546 = arith.addf %add3A_539, %mul3A_545 : vector<96x96xf32>
    %slice3A_547 = vector.extract_strided_slice %add3A_516 {offsets = [0, 4], sizes = [96, 1], strides = [1, 1]} : vector<96x6xf32> to vector<96x1xf32>
    %get3A_548 = arith.constant 384 : index
    %get3A_549 = arith.constant 0 : index
    %get3A_550 = vector.load %arg32[%get3A_548, %get3A_549] : memref<576x96xf32, #tpu.memory_space<vmem>>, vector<96x96xf32>
    %mul3A_551 = vector.broadcast %slice3A_547 : vector<96x1xf32> to vector<96x96xf32>
    %mul3A_552 = arith.mulf %mul3A_551, %get3A_550 : vector<96x96xf32>
    %add3A_553 = arith.addf %add3A_546, %mul3A_552 : vector<96x96xf32>
    %slice3A_554 = vector.extract_strided_slice %add3A_516 {offsets = [0, 5], sizes = [96, 1], strides = [1, 1]} : vector<96x6xf32> to vector<96x1xf32>
    %get3A_555 = arith.constant 480 : index
    %get3A_556 = arith.constant 0 : index
    %get3A_557 = vector.load %arg32[%get3A_555, %get3A_556] : memref<576x96xf32, #tpu.memory_space<vmem>>, vector<96x96xf32>
    %mul3A_558 = vector.broadcast %slice3A_554 : vector<96x1xf32> to vector<96x96xf32>
    %mul3A_559 = arith.mulf %mul3A_558, %get3A_557 : vector<96x96xf32>
    %add3A_560 = arith.addf %add3A_553, %mul3A_559 : vector<96x96xf32>
    %logistic3A_561 = arith.negf %div3A_25 : vector<128x64xf32>
    %logistic3A_562 = math.exp %logistic3A_561 : vector<128x64xf32>
    %logistic3A_563 = arith.constant 1.000000e+00 : f32
    %logistic3A_564 = vector.broadcast %logistic3A_563 : f32 to vector<128x64xf32>
    %logistic3A_565 = arith.addf %logistic3A_564, %logistic3A_562 : vector<128x64xf32>
    %logistic3A_566 = arith.divf %logistic3A_564, %logistic3A_565 : vector<128x64xf32>
    %get3A_567 = arith.constant 0 : index
    %get3A_568 = arith.constant 0 : index
    %get3A_569 = vector.load %arg10[%get3A_567, %get3A_568] : memref<96x64xf32, #tpu.memory_space<vmem>>, vector<96x64xf32>
    %dot_general3A_570 = arith.constant dense<0.000000e+00> : vector<128x96xf32>
    %dot_general3A_571 = tpu.matmul %logistic3A_566, %get3A_569, %dot_general3A_570 {dimension_numbers = #tpu.dot_dimension_numbers<[1], [1], [0], [0], [0, 0, 1, 0], [], []>, transpose_lhs_hint = false} : vector<128x64xf32>, vector<96x64xf32>, vector<128x96xf32> -> vector<128x96xf32>
    %dot_general3A_572 = arith.constant dense<0.000000e+00> : vector<96x64xf32>
    %dot_general3A_573 = tpu.matmul %add3A_560, %get3A_569, %dot_general3A_572 {dimension_numbers = #tpu.dot_dimension_numbers<[1], [0], [0], [1], [0, 0, 1, 1], [], []>, transpose_lhs_hint = false} : vector<96x96xf32>, vector<96x64xf32>, vector<96x64xf32> -> vector<96x64xf32>
    %dot_general3A_574 = arith.constant dense<0.000000e+00> : vector<128x96xf32>
    %dot_general3A_575 = tpu.matmul %logistic3A_566, %dot_general3A_573, %dot_general3A_574 {dimension_numbers = #tpu.dot_dimension_numbers<[1], [1], [0], [0], [0, 0, 1, 0], [], []>, transpose_lhs_hint = false} : vector<128x64xf32>, vector<96x64xf32>, vector<128x96xf32> -> vector<128x96xf32>
    %mul3A_576 = arith.mulf %dot_general3A_571, %dot_general3A_575 : vector<128x96xf32>
    %dot_general3A_577 = arith.constant dense<0.000000e+00> : vector<128x16xf32>
    %dot_general3A_578 = tpu.matmul %mul3A_576, %get3A_28, %dot_general3A_577 {dimension_numbers = #tpu.dot_dimension_numbers<[1], [0], [0], [1], [0, 0, 1, 1], [], []>, transpose_lhs_hint = false} : vector<128x96xf32>, vector<96x16xf32>, vector<128x16xf32> -> vector<128x16xf32>
    %dot_general3A_579 = arith.constant dense<0.000000e+00> : vector<96x64xf32>
    %dot_general3A_580 = tpu.matmul %add3A_560, %dot_general3A_573, %dot_general3A_579 {dimension_numbers = #tpu.dot_dimension_numbers<[1], [0], [0], [1], [0, 0, 1, 1], [], []>, transpose_lhs_hint = false} : vector<96x96xf32>, vector<96x64xf32>, vector<96x64xf32> -> vector<96x64xf32>
    %dot_general3A_581 = arith.constant dense<0.000000e+00> : vector<128x96xf32>
    %dot_general3A_582 = tpu.matmul %logistic3A_566, %dot_general3A_580, %dot_general3A_581 {dimension_numbers = #tpu.dot_dimension_numbers<[1], [1], [0], [0], [0, 0, 1, 0], [], []>, transpose_lhs_hint = false} : vector<128x64xf32>, vector<96x64xf32>, vector<128x96xf32> -> vector<128x96xf32>
    %mul3A_583 = arith.mulf %dot_general3A_571, %dot_general3A_582 : vector<128x96xf32>
    %dot_general3A_584 = arith.constant dense<0.000000e+00> : vector<128x16xf32>
    %dot_general3A_585 = tpu.matmul %mul3A_583, %get3A_28, %dot_general3A_584 {dimension_numbers = #tpu.dot_dimension_numbers<[1], [0], [0], [1], [0, 0, 1, 1], [], []>, transpose_lhs_hint = false} : vector<128x96xf32>, vector<96x16xf32>, vector<128x16xf32> -> vector<128x16xf32>
    %dot_general3A_586 = arith.constant dense<0.000000e+00> : vector<96x64xf32>
    %dot_general3A_587 = tpu.matmul %add3A_560, %dot_general3A_580, %dot_general3A_586 {dimension_numbers = #tpu.dot_dimension_numbers<[1], [0], [0], [1], [0, 0, 1, 1], [], []>, transpose_lhs_hint = false} : vector<96x96xf32>, vector<96x64xf32>, vector<96x64xf32> -> vector<96x64xf32>
    %dot_general3A_588 = arith.constant dense<0.000000e+00> : vector<128x96xf32>
    %dot_general3A_589 = tpu.matmul %logistic3A_566, %dot_general3A_587, %dot_general3A_588 {dimension_numbers = #tpu.dot_dimension_numbers<[1], [1], [0], [0], [0, 0, 1, 0], [], []>, transpose_lhs_hint = false} : vector<128x64xf32>, vector<96x64xf32>, vector<128x96xf32> -> vector<128x96xf32>
    %mul3A_590 = arith.mulf %dot_general3A_571, %dot_general3A_589 : vector<128x96xf32>
    %dot_general3A_591 = arith.constant dense<0.000000e+00> : vector<128x16xf32>
    %dot_general3A_592 = tpu.matmul %mul3A_590, %get3A_28, %dot_general3A_591 {dimension_numbers = #tpu.dot_dimension_numbers<[1], [0], [0], [1], [0, 0, 1, 1], [], []>, transpose_lhs_hint = false} : vector<128x96xf32>, vector<96x16xf32>, vector<128x16xf32> -> vector<128x16xf32>
    %concatenate3A_593 = tpu.concatenate %dot_general3A_578, %dot_general3A_585, %dot_general3A_592 in 1 : vector<128x16xf32>, vector<128x16xf32>, vector<128x16xf32> -> vector<128x48xf32>
    %get3A_594 = arith.constant 0 : index
    %get3A_595 = arith.constant 0 : index
    %get3A_596 = vector.load %arg11[%get3A_594, %get3A_595] : memref<16x16xf32, #tpu.memory_space<vmem>>, vector<16x16xf32>
    %dot_general3A_597 = arith.constant dense<0.000000e+00> : vector<128x16xf32>
    %dot_general3A_598 = tpu.matmul %dot_general3A_578, %get3A_596, %dot_general3A_597 {dimension_numbers = #tpu.dot_dimension_numbers<[1], [0], [0], [1], [0, 0, 1, 1], [], []>, transpose_lhs_hint = false} : vector<128x16xf32>, vector<16x16xf32>, vector<128x16xf32> -> vector<128x16xf32>
    %get3A_599 = arith.constant 0 : index
    %get3A_600 = arith.constant 0 : index
    %get3A_601 = vector.load %arg12[%get3A_599, %get3A_600] : memref<1x16xf32, #tpu.memory_space<vmem>>, vector<1x16xf32>
    %add3A_602 = vector.broadcast %get3A_601 : vector<1x16xf32> to vector<128x16xf32>
    %add3A_603 = arith.addf %dot_general3A_598, %add3A_602 : vector<128x16xf32>
    %tanh3A_604 = math.tanh %add3A_603 : vector<128x16xf32>
    %get3A_605 = arith.constant 0 : index
    %get3A_606 = arith.constant 0 : index
    %get3A_607 = vector.load %arg13[%get3A_605, %get3A_606] : memref<16x1xf32, #tpu.memory_space<vmem>>, vector<16x1xf32>
    %dot_general3A_608 = arith.constant dense<0.000000e+00> : vector<128x1xf32>
    %dot_general3A_609 = tpu.matmul %tanh3A_604, %get3A_607, %dot_general3A_608 {dimension_numbers = #tpu.dot_dimension_numbers<[1], [0], [0], [1], [0, 0, 1, 1], [], []>, transpose_lhs_hint = false} : vector<128x16xf32>, vector<16x1xf32>, vector<128x1xf32> -> vector<128x1xf32>
    %get3A_610 = arith.constant 0 : index
    %get3A_611 = arith.constant 0 : index
    %get3A_612 = vector.load %arg11[%get3A_610, %get3A_611] : memref<16x16xf32, #tpu.memory_space<vmem>>, vector<16x16xf32>
    %dot_general3A_613 = arith.constant dense<0.000000e+00> : vector<128x16xf32>
    %dot_general3A_614 = tpu.matmul %dot_general3A_585, %get3A_612, %dot_general3A_613 {dimension_numbers = #tpu.dot_dimension_numbers<[1], [0], [0], [1], [0, 0, 1, 1], [], []>, transpose_lhs_hint = false} : vector<128x16xf32>, vector<16x16xf32>, vector<128x16xf32> -> vector<128x16xf32>
    %get3A_615 = arith.constant 0 : index
    %get3A_616 = arith.constant 0 : index
    %get3A_617 = vector.load %arg12[%get3A_615, %get3A_616] : memref<1x16xf32, #tpu.memory_space<vmem>>, vector<1x16xf32>
    %add3A_618 = vector.broadcast %get3A_617 : vector<1x16xf32> to vector<128x16xf32>
    %add3A_619 = arith.addf %dot_general3A_614, %add3A_618 : vector<128x16xf32>
    %tanh3A_620 = math.tanh %add3A_619 : vector<128x16xf32>
    %get3A_621 = arith.constant 0 : index
    %get3A_622 = arith.constant 0 : index
    %get3A_623 = vector.load %arg13[%get3A_621, %get3A_622] : memref<16x1xf32, #tpu.memory_space<vmem>>, vector<16x1xf32>
    %dot_general3A_624 = arith.constant dense<0.000000e+00> : vector<128x1xf32>
    %dot_general3A_625 = tpu.matmul %tanh3A_620, %get3A_623, %dot_general3A_624 {dimension_numbers = #tpu.dot_dimension_numbers<[1], [0], [0], [1], [0, 0, 1, 1], [], []>, transpose_lhs_hint = false} : vector<128x16xf32>, vector<16x1xf32>, vector<128x1xf32> -> vector<128x1xf32>
    %get3A_626 = arith.constant 0 : index
    %get3A_627 = arith.constant 0 : index
    %get3A_628 = vector.load %arg11[%get3A_626, %get3A_627] : memref<16x16xf32, #tpu.memory_space<vmem>>, vector<16x16xf32>
    %dot_general3A_629 = arith.constant dense<0.000000e+00> : vector<128x16xf32>
    %dot_general3A_630 = tpu.matmul %dot_general3A_592, %get3A_628, %dot_general3A_629 {dimension_numbers = #tpu.dot_dimension_numbers<[1], [0], [0], [1], [0, 0, 1, 1], [], []>, transpose_lhs_hint = false} : vector<128x16xf32>, vector<16x16xf32>, vector<128x16xf32> -> vector<128x16xf32>
    %get3A_631 = arith.constant 0 : index
    %get3A_632 = arith.constant 0 : index
    %get3A_633 = vector.load %arg12[%get3A_631, %get3A_632] : memref<1x16xf32, #tpu.memory_space<vmem>>, vector<1x16xf32>
    %add3A_634 = vector.broadcast %get3A_633 : vector<1x16xf32> to vector<128x16xf32>
    %add3A_635 = arith.addf %dot_general3A_630, %add3A_634 : vector<128x16xf32>
    %tanh3A_636 = math.tanh %add3A_635 : vector<128x16xf32>
    %get3A_637 = arith.constant 0 : index
    %get3A_638 = arith.constant 0 : index
    %get3A_639 = vector.load %arg13[%get3A_637, %get3A_638] : memref<16x1xf32, #tpu.memory_space<vmem>>, vector<16x1xf32>
    %dot_general3A_640 = arith.constant dense<0.000000e+00> : vector<128x1xf32>
    %dot_general3A_641 = tpu.matmul %tanh3A_636, %get3A_639, %dot_general3A_640 {dimension_numbers = #tpu.dot_dimension_numbers<[1], [0], [0], [1], [0, 0, 1, 1], [], []>, transpose_lhs_hint = false} : vector<128x16xf32>, vector<16x1xf32>, vector<128x1xf32> -> vector<128x1xf32>
    %concatenate3A_642 = tpu.concatenate %dot_general3A_609, %dot_general3A_625, %dot_general3A_641 in 1 : vector<128x1xf32>, vector<128x1xf32>, vector<128x1xf32> -> vector<128x3xf32>
    %reduce_max3A_643 = arith.constant dense<0xFF800000> : vector<128xf32>
    %reduce_max3A_644 = vector.multi_reduction <maximumf>, %concatenate3A_642, %reduce_max3A_643 [1] : vector<128x3xf32> to vector<128xf32>
    %broadcast_in_dim3A_645 = vector.shape_cast %reduce_max3A_644 : vector<128xf32> to vector<128x1xf32>
    %sub3A_646 = vector.broadcast %broadcast_in_dim3A_645 : vector<128x1xf32> to vector<128x3xf32>
    %sub3A_647 = arith.subf %concatenate3A_642, %sub3A_646 : vector<128x3xf32>
    %exp3A_648 = math.exp %sub3A_647 : vector<128x3xf32>
    %reduce_sum3A_649 = arith.constant dense<0.000000e+00> : vector<128xf32>
    %reduce_sum3A_650 = vector.multi_reduction <add>, %exp3A_648, %reduce_sum3A_649 [1] : vector<128x3xf32> to vector<128xf32>
    %broadcast_in_dim3A_651 = vector.shape_cast %reduce_sum3A_650 : vector<128xf32> to vector<128x1xf32>
    %div3A_652 = vector.broadcast %broadcast_in_dim3A_651 : vector<128x1xf32> to vector<128x3xf32>
    %div3A_653 = arith.divf %exp3A_648, %div3A_652 : vector<128x3xf32>
    %broadcast_in_dim3A_654 = arith.constant 0.000000e+00 : f32
    %broadcast_in_dim3A_655 = vector.broadcast %broadcast_in_dim3A_654 : f32 to vector<128x16xf32>
    %slice3A_656 = vector.extract_strided_slice %div3A_653 {offsets = [0, 0], sizes = [128, 1], strides = [1, 1]} : vector<128x3xf32> to vector<128x1xf32>
    %mul3A_657 = vector.broadcast %slice3A_656 : vector<128x1xf32> to vector<128x16xf32>
    %mul3A_658 = arith.mulf %mul3A_657, %dot_general3A_578 : vector<128x16xf32>
    %add3A_659 = arith.addf %broadcast_in_dim3A_655, %mul3A_658 : vector<128x16xf32>
    %slice3A_660 = vector.extract_strided_slice %div3A_653 {offsets = [0, 1], sizes = [128, 1], strides = [1, 1]} : vector<128x3xf32> to vector<128x1xf32>
    %mul3A_661 = vector.broadcast %slice3A_660 : vector<128x1xf32> to vector<128x16xf32>
    %mul3A_662 = arith.mulf %mul3A_661, %dot_general3A_585 : vector<128x16xf32>
    %add3A_663 = arith.addf %add3A_659, %mul3A_662 : vector<128x16xf32>
    %slice3A_664 = vector.extract_strided_slice %div3A_653 {offsets = [0, 2], sizes = [128, 1], strides = [1, 1]} : vector<128x3xf32> to vector<128x1xf32>
    %mul3A_665 = vector.broadcast %slice3A_664 : vector<128x1xf32> to vector<128x16xf32>
    %mul3A_666 = arith.mulf %mul3A_665, %dot_general3A_592 : vector<128x16xf32>
    %add3A_667 = arith.addf %add3A_663, %mul3A_666 : vector<128x16xf32>
    %concatenate3A_668 = tpu.concatenate %div3A_25, %add3A_667 in 1 : vector<128x64xf32>, vector<128x16xf32> -> vector<128x80xf32>
    %get3A_669 = arith.constant 0 : index
    %get3A_670 = arith.constant 0 : index
    %get3A_671 = vector.load %arg14[%get3A_669, %get3A_670] : memref<80x16xf32, #tpu.memory_space<vmem>>, vector<80x16xf32>
    %dot_general3A_672 = arith.constant dense<0.000000e+00> : vector<128x16xf32>
    %dot_general3A_673 = tpu.matmul %concatenate3A_668, %get3A_671, %dot_general3A_672 {dimension_numbers = #tpu.dot_dimension_numbers<[1], [0], [0], [1], [0, 0, 1, 1], [], []>, transpose_lhs_hint = false} : vector<128x80xf32>, vector<80x16xf32>, vector<128x16xf32> -> vector<128x16xf32>
    %get3A_674 = arith.constant 0 : index
    %get3A_675 = arith.constant 0 : index
    %get3A_676 = vector.load %arg15[%get3A_674, %get3A_675] : memref<1x16xf32, #tpu.memory_space<vmem>>, vector<1x16xf32>
    %add3A_677 = vector.broadcast %get3A_676 : vector<1x16xf32> to vector<128x16xf32>
    %add3A_678 = arith.addf %dot_general3A_673, %add3A_677 : vector<128x16xf32>
    %max3A_679 = arith.constant 0.000000e+00 : f32
    %max3A_680 = vector.broadcast %max3A_679 : f32 to vector<128x16xf32>
    %max3A_681 = arith.maximumf %add3A_678, %max3A_680 : vector<128x16xf32>
    %get3A_682 = arith.constant 0 : index
    %get3A_683 = arith.constant 0 : index
    %get3A_684 = vector.load %arg16[%get3A_682, %get3A_683] : memref<16x1xf32, #tpu.memory_space<vmem>>, vector<16x1xf32>
    %dot_general3A_685 = arith.constant dense<0.000000e+00> : vector<128x1xf32>
    %dot_general3A_686 = tpu.matmul %max3A_681, %get3A_684, %dot_general3A_685 {dimension_numbers = #tpu.dot_dimension_numbers<[1], [0], [0], [1], [0, 0, 1, 1], [], []>, transpose_lhs_hint = false} : vector<128x16xf32>, vector<16x1xf32>, vector<128x1xf32> -> vector<128x1xf32>
    %get3A_687 = arith.constant 0 : index
    %get3A_688 = arith.constant 0 : index
    %get3A_689 = vector.load %arg17[%get3A_687, %get3A_688] : memref<1x1xf32, #tpu.memory_space<vmem>>, vector<1x1xf32>
    %add3A_690 = vector.broadcast %get3A_689 : vector<1x1xf32> to vector<128x1xf32>
    %add3A_691 = arith.addf %dot_general3A_686, %add3A_690 : vector<128x1xf32>
    %slice3A_692 = vector.extract_strided_slice %add3A_667 {offsets = [127, 0], sizes = [1, 16], strides = [1, 1]} : vector<128x16xf32> to vector<1x16xf32>
    %slice3A_693 = vector.extract_strided_slice %add3A_667 {offsets = [0, 0], sizes = [127, 16], strides = [1, 1]} : vector<128x16xf32> to vector<127x16xf32>
    %concatenate3A_694 = tpu.concatenate %slice3A_692, %slice3A_693 in 0 : vector<1x16xf32>, vector<127x16xf32> -> vector<128x16xf32>
    %concatenate3A_695 = tpu.concatenate %div3A_25, %concatenate3A_694 in 1 : vector<128x64xf32>, vector<128x16xf32> -> vector<128x80xf32>
    %get3A_696 = arith.constant 0 : index
    %get3A_697 = arith.constant 0 : index
    %get3A_698 = vector.load %arg14[%get3A_696, %get3A_697] : memref<80x16xf32, #tpu.memory_space<vmem>>, vector<80x16xf32>
    %dot_general3A_699 = arith.constant dense<0.000000e+00> : vector<128x16xf32>
    %dot_general3A_700 = tpu.matmul %concatenate3A_695, %get3A_698, %dot_general3A_699 {dimension_numbers = #tpu.dot_dimension_numbers<[1], [0], [0], [1], [0, 0, 1, 1], [], []>, transpose_lhs_hint = false} : vector<128x80xf32>, vector<80x16xf32>, vector<128x16xf32> -> vector<128x16xf32>
    %get3A_701 = arith.constant 0 : index
    %get3A_702 = arith.constant 0 : index
    %get3A_703 = vector.load %arg15[%get3A_701, %get3A_702] : memref<1x16xf32, #tpu.memory_space<vmem>>, vector<1x16xf32>
    %add3A_704 = vector.broadcast %get3A_703 : vector<1x16xf32> to vector<128x16xf32>
    %add3A_705 = arith.addf %dot_general3A_700, %add3A_704 : vector<128x16xf32>
    %max3A_706 = arith.constant 0.000000e+00 : f32
    %max3A_707 = vector.broadcast %max3A_706 : f32 to vector<128x16xf32>
    %max3A_708 = arith.maximumf %add3A_705, %max3A_707 : vector<128x16xf32>
    %get3A_709 = arith.constant 0 : index
    %get3A_710 = arith.constant 0 : index
    %get3A_711 = vector.load %arg16[%get3A_709, %get3A_710] : memref<16x1xf32, #tpu.memory_space<vmem>>, vector<16x1xf32>
    %dot_general3A_712 = arith.constant dense<0.000000e+00> : vector<128x1xf32>
    %dot_general3A_713 = tpu.matmul %max3A_708, %get3A_711, %dot_general3A_712 {dimension_numbers = #tpu.dot_dimension_numbers<[1], [0], [0], [1], [0, 0, 1, 1], [], []>, transpose_lhs_hint = false} : vector<128x16xf32>, vector<16x1xf32>, vector<128x1xf32> -> vector<128x1xf32>
    %get3A_714 = arith.constant 0 : index
    %get3A_715 = arith.constant 0 : index
    %get3A_716 = vector.load %arg17[%get3A_714, %get3A_715] : memref<1x1xf32, #tpu.memory_space<vmem>>, vector<1x1xf32>
    %add3A_717 = vector.broadcast %get3A_716 : vector<1x1xf32> to vector<128x1xf32>
    %add3A_718 = arith.addf %dot_general3A_713, %add3A_717 : vector<128x1xf32>
    %reduce_sum3A_719 = vector.shape_cast %add3A_691 : vector<128x1xf32> to vector<1x128x1xf32>
    %reduce_sum3A_720 = arith.constant dense<0.000000e+00> : vector<1xf32>
    %reduce_sum3A_721 = vector.multi_reduction <add>, %reduce_sum3A_719, %reduce_sum3A_720 [1, 2] : vector<1x128x1xf32> to vector<1xf32>
    %reduce_sum3A_722 = vector.shape_cast %reduce_sum3A_721 : vector<1xf32> to vector<1x1x1xf32>
    %reduce_sum3A_723 = vector.extract %reduce_sum3A_722[0, 0, 0] : f32 from vector<1x1x1xf32>
    %div3A_724 = arith.constant 1.280000e+02 : f32
    %div3A_725 = arith.divf %reduce_sum3A_723, %div3A_724 : f32
    %add3A_726 = arith.addf %sub3A_377, %div3A_725 : f32
    %exp3A_727 = math.exp %add3A_718 : vector<128x1xf32>
    %reduce_sum3A_728 = vector.shape_cast %exp3A_727 : vector<128x1xf32> to vector<1x128x1xf32>
    %reduce_sum3A_729 = arith.constant dense<0.000000e+00> : vector<1xf32>
    %reduce_sum3A_730 = vector.multi_reduction <add>, %reduce_sum3A_728, %reduce_sum3A_729 [1, 2] : vector<1x128x1xf32> to vector<1xf32>
    %reduce_sum3A_731 = vector.shape_cast %reduce_sum3A_730 : vector<1xf32> to vector<1x1x1xf32>
    %reduce_sum3A_732 = vector.extract %reduce_sum3A_731[0, 0, 0] : f32 from vector<1x1x1xf32>
    %div3A_733 = arith.constant 1.280000e+02 : f32
    %div3A_734 = arith.divf %reduce_sum3A_732, %div3A_733 : f32
    %add3A_735 = arith.constant 9.99999993E-9 : f32
    %add3A_736 = arith.addf %div3A_734, %add3A_735 : f32
    %log3A_737 = math.log %add3A_736 : f32
    %sub3A_738 = arith.subf %add3A_726, %log3A_737 : f32
    %get3A_739 = arith.constant 0 : index
    %get3A_740 = arith.constant 0 : index
    %get3A_741 = vector.load %arg26[%get3A_739, %get3A_740] : memref<48x64xf32, #tpu.memory_space<vmem>>, vector<48x64xf32>
    %dot_general3A_742 = arith.constant dense<0.000000e+00> : vector<128x64xf32>
    %dot_general3A_743 = tpu.matmul %concatenate3A_593, %get3A_741, %dot_general3A_742 {dimension_numbers = #tpu.dot_dimension_numbers<[1], [0], [0], [1], [0, 0, 1, 1], [], []>, transpose_lhs_hint = false} : vector<128x48xf32>, vector<48x64xf32>, vector<128x64xf32> -> vector<128x64xf32>
    %get3A_744 = arith.constant 0 : index
    %get3A_745 = arith.constant 0 : index
    %get3A_746 = vector.load %arg27[%get3A_744, %get3A_745] : memref<1x64xf32, #tpu.memory_space<vmem>>, vector<1x64xf32>
    %add3A_747 = vector.broadcast %get3A_746 : vector<1x64xf32> to vector<128x64xf32>
    %add3A_748 = arith.addf %dot_general3A_743, %add3A_747 : vector<128x64xf32>
    %max3A_749 = arith.constant 0.000000e+00 : f32
    %max3A_750 = vector.broadcast %max3A_749 : f32 to vector<128x64xf32>
    %max3A_751 = arith.maximumf %add3A_748, %max3A_750 : vector<128x64xf32>
    %get3A_752 = arith.constant 0 : index
    %get3A_753 = arith.constant 0 : index
    %get3A_754 = vector.load %arg28[%get3A_752, %get3A_753] : memref<64x2xf32, #tpu.memory_space<vmem>>, vector<64x2xf32>
    %dot_general3A_755 = arith.constant dense<0.000000e+00> : vector<128x2xf32>
    %dot_general3A_756 = tpu.matmul %max3A_751, %get3A_754, %dot_general3A_755 {dimension_numbers = #tpu.dot_dimension_numbers<[1], [0], [0], [1], [0, 0, 1, 1], [], []>, transpose_lhs_hint = false} : vector<128x64xf32>, vector<64x2xf32>, vector<128x2xf32> -> vector<128x2xf32>
    %add3A_757 = arith.addf %add3A_401, %dot_general3A_756 : vector<128x2xf32>
    %get3A_758 = arith.constant 0 : index
    %get3A_759 = arith.constant 0 : index
    %get3A_760 = vector.load %arg29[%get3A_758, %get3A_759] : memref<1x2xf32, #tpu.memory_space<vmem>>, vector<1x2xf32>
    %add3A_761 = vector.broadcast %get3A_760 : vector<1x2xf32> to vector<128x2xf32>
    %add3A_762 = arith.addf %add3A_757, %add3A_761 : vector<128x2xf32>
    %swap3A = arith.constant 0 : index
    %swap3A_763 = arith.constant 0 : index
    %swap3A_764 = vector.load %arg33[%swap3A, %swap3A_763] : memref<128x2xf32, #tpu.memory_space<vmem>>, vector<128x2xf32>
    tpu.vector_store %arg33[%swap3A, %swap3A_763], %add3A_762 {strides = array<i32>} : memref<128x2xf32, #tpu.memory_space<vmem>>, vector<128x2xf32>,
    %reshape3A = vector.broadcast %sub3A_738 : f32 to vector<1x1xf32>
    %swap3A_765 = arith.constant 0 : index
    %swap3A_766 = arith.constant 0 : index
    %swap3A_767 = vector.load %arg34[%swap3A_765, %swap3A_766] : memref<1x1xf32, #tpu.memory_space<vmem>>, vector<1x1xf32>
    tpu.vector_store %arg34[%swap3A_765, %swap3A_766], %reshape3A {strides = array<i32>} : memref<1x1xf32, #tpu.memory_space<vmem>>, vector<1x1xf32>,
    return
  }
}

</mosaic_0001>

<sc_bundles>
// kernel: kernel.11.cloned.1.call-start
scs
__scs_entry_jumppad:
0x0: {  	(pc) =	sbr.rel $0x88, $3  }
0x1: {  	(tag) =	ssettag $0x0;
	lr =	simm.s32 $0x1  }
0x2: {  	[smem:$0x3F81] =	sst lr;
	_ =	strace $0xD0000000  }
0x3: {  	_ = 	snop  }
0x4: {  	_ = 	snop  }
0x5: {  	_ = 	snop  }
0x6: {  	_ = 	snop  }
0x7: {  	_ = 	snop  }
__scs_overlays_trampoline_lowered:
0x8: {  	[smem:$0x3F90] =	sst s0  }
0x9: {  	[smem:$0x3F91] =	sst s1  }
0xa: {  	[smem:$0x3F92] =	sst s2  }
0xb: {  	[smem:$0x3F93] =	sst s3  }
0xc: {  	[smem:$0x3F94] =	sst s4  }
0xd: {  	[smem:$0x3F95] =	sst s5  }
0xe: {  	[smem:$0x3F96] =	sst s6  }
0xf: {  	[smem:$0x3F97] =	sst s7  }
0x10: {  	[smem:$0x3F98] =	sst s8  }
0x11: {  	[smem:$0x3F99] =	sst s9;
	s0 =	simm.s32 @!p0 $0x0  }
0x12: {  	s1 =	sld [smem:$0x3F7F];
	s0 =	simm.s32 @p0 $0x1  }
0x13: {  	[smem:$0x3F9A] =	sst s0;
	s0 =	simm.s32 @!p1 $0x0  }
0x14: {  	s2 =	sld [smem:$0x3F7E];
	s0 =	simm.s32 @p1 $0x1  }
0x15: {  	[smem:$0x3F9B] =	sst s0;
	s0 =	simm.s32 @!p2 $0x0  }
0x16: {  	s3 =	sld [smem:$0x3FDB];
	s0 =	simm.s32 @p2 $0x1  }
0x17: {  	s4 =	simm.s32 $0x1BF5;
	[smem:$0x3F9D] =	sst s0  }
0x18: {  	s0 =	sld [smem:$0x3F80];
	_ =	swait.ge [sflag:s4], $0x0  }
0x19: {  	s7 =	sld [smem:$0x3F81]  }
0x1a: {  	s8 =	sadd.s32 $0xFFFFE003, lr  }
0x1b: {  	s9 =	sadd.s32 $0xFFFFFEF7, lr;
	s5 =	simm.s32 $0xFFFFFFFF;
	p2 =	slt.u32 s8, $0xFFFFF086  }
0x1c: {  	p1 =	slt.u32 s9, $0xF7A;
	s5 =	simm.s32 @!p2 $0x0  }
0x1d: {  	s5 =	simm.s32 @p1 $0x1;
	p0 =	seq.s32 s7, s2  }
0x1e: {  	s7 =	smul.u32 @!p0 $0xF7A, s2;
	p2 =	seq.s32 @!p0 s5, $0x0  }
0x1f: {  	s9 =	smul.u32 $0xF7A, s1;
	s8 =	simm.s32 @!p0 $0x1BF5;
	p2 =	por !p2, p0  }
0x20: {  	[sflag:s8] =	ssyncset.s32 @!p0 $0xFFFFF086;
	s6 =	sadd.s32 @!p0 s3, s7;
	s7 =	simm.s32 @!p0 $0x108  }
0x21: {  	s3 =	sadd.s32 s3, s9;
	s6 =	sadd.s32 @!p0 $0x88, s6;
	s7 =	simm.s32 @p2 $0x1082  }
0x22: {  	[simem:s7], [sflag:s8] =	dma.local @!p0 [hbm:s6], $0xF7A  }
0x23: {  	s9 =	sor.u32 $0xD0000000, s2;
	s6 =	simm.s32 $0x108;
	_ =	swait.ge @!p0 [sflag:s8], $0x0  }
0x24: {  	s3 =	sadd.s32 $0x88, s3;
	s6 =	simm.s32 @!p1 $0x1082;
	[sflag:s4] =	ssyncset.s32 $0xFFFFF086  }
0x25: {  	[simem:s6], [sflag:s4] =	dma.local [hbm:s3], $0xF7A  }
0x26: {  	[smem:$0x3F81] =	sst s1;
	(tag) =	ssettag s2;
	_ =	strace s9  }
0x27: {  	s1 =	sld [smem:$0x3F91]  }
0x28: {  	s2 =	sld [smem:$0x3F92]  }
0x29: {  	s4 =	sld [smem:$0x3F94]  }
0x2a: {  	p0 =	seq.s32 s5, $0x0;
	s5 =	sld [smem:$0x3F95]  }
0x2b: {  	s6 =	sld [smem:$0x3F96]  }
0x2c: {  	s7 =	sld [smem:$0x3F97]  }
0x2d: {  	s3 =	simm.s32 $0x108;
	s8 =	sld [smem:$0x3F98]  }
0x2e: {  	s3 =	simm.s32 @!p0 $0x1082;
	s9 =	sld [smem:$0x3F99]  }
0x2f: {  	lr =	sadd.s32 s0, s3;
	s0 =	sld [smem:$0x3F90]  }
0x30: {  	s3 =	sld [smem:$0x3F93]  }
0x31: {  	[smem:$0x3F9C] =	sst s10  }
0x32: {  	s10 =	sld [smem:$0x3F9A];
	_ =	sdelay $0x3  }
0x33: {  	p0 =	seq.s32 s10, $0x1;
	s10 =	sld [smem:$0x3F9C];
	_ =	sdelay $0x3  }
0x34: {  	[smem:$0x3F9C] =	sst s10  }
0x35: {  	s10 =	sld [smem:$0x3F9B];
	_ =	sdelay $0x3  }
0x36: {  	p1 =	seq.s32 s10, $0x1;
	s10 =	sld [smem:$0x3F9C];
	_ =	sdelay $0x3  }
0x37: {  	[smem:$0x3F9C] =	sst s10  }
0x38: {  	s10 =	sld [smem:$0x3F9D]  }
0x39: {  	_ = 	snop;
	(pc) =	sbr.ind lr, $3  }
0x3a: {  	_ = 	snop  }
0x3b: {  	_ = 	snop  }
0x3c: {  	p2 =	seq.s32 s10, $0x1;
	s10 =	sld [smem:$0x3F9C]  }
0x3d: {  	_ =	shalt  }
0x3e: {  	_ =	shalt  }
0x3f: {  	_ =	shalt  }
0x40: {  	_ =	shalt  }
0x41: {  	_ =	shalt  }
0x42: {  	_ =	shalt  }
0x43: {  	_ =	shalt  }
0x44: {  	_ =	shalt  }
0x45: {  	_ =	shalt  }
0x46: {  	_ =	shalt  }
0x47: {  	_ =	shalt  }
0x48: {  	_ =	shalt  }
0x49: {  	_ =	shalt  }
0x4a: {  	_ =	shalt  }
0x4b: {  	_ =	shalt  }
0x4c: {  	_ =	shalt  }
0x4d: {  	_ =	shalt  }
0x4e: {  	_ =	shalt  }
0x4f: {  	_ =	shalt  }
0x50: {  	_ =	shalt  }
0x51: {  	_ =	shalt  }
0x52: {  	_ =	shalt  }
0x53: {  	_ =	shalt  }
0x54: {  	_ =	shalt  }
0x55: {  	_ =	shalt  }
0x56: {  	_ =	shalt  }
0x57: {  	_ =	shalt  }
0x58: {  	_ =	shalt  }
0x59: {  	_ =	shalt  }
0x5a: {  	_ =	shalt  }
0x5b: {  	_ =	shalt  }
0x5c: {  	_ =	shalt  }
0x5d: {  	_ =	shalt  }
0x5e: {  	_ =	shalt  }
0x5f: {  	_ =	shalt  }
0x60: {  	_ =	shalt  }
0x61: {  	_ =	shalt  }
0x62: {  	_ =	shalt  }
0x63: {  	_ =	shalt  }
0x64: {  	_ =	shalt  }
0x65: {  	_ =	shalt  }
0x66: {  	_ =	shalt  }
0x67: {  	_ =	shalt  }
0x68: {  	_ =	shalt  }
0x69: {  	_ =	shalt  }
0x6a: {  	_ =	shalt  }
0x6b: {  	_ =	shalt  }
0x6c: {  	_ =	shalt  }
0x6d: {  	_ =	shalt  }
0x6e: {  	_ =	shalt  }
0x6f: {  	_ =	shalt  }
0x70: {  	_ =	shalt  }
0x71: {  	_ =	shalt  }
0x72: {  	_ =	shalt  }
0x73: {  	_ =	shalt  }
0x74: {  	_ =	shalt  }
0x75: {  	_ =	shalt  }
0x76: {  	_ =	shalt  }
0x77: {  	_ =	shalt  }
0x78: {  	_ =	shalt  }
0x79: {  	_ =	shalt  }
0x7a: {  	_ =	shalt  }
0x7b: {  	_ =	shalt  }
0x7c: {  	_ =	shalt  }
0x7d: {  	_ =	shalt  }
0x7e: {  	_ =	shalt  }
0x7f: {  	_ =	shalt  }
0x80: {  	_ =	shalt  }
0x81: {  	_ =	shalt  }
0x82: {  	_ =	shalt  }
0x83: {  	_ =	shalt  }
0x84: {  	_ =	shalt  }
0x85: {  	_ =	shalt  }
0x86: {  	_ =	shalt  }
0x87: {  	_ =	shalt  }
.Lfunc_end0:
.L_simem_size_0:
called_computation.1_lowered:
.L_overlay_start_0:
0x88: {  	s2 =	sld [smem:$0x3FD9]  }
0x89: {  	s3 =	sld [smem:$0x3FFE];
	_ =	sdelay $0x1  }
0x8a: {  	s1 =	srdreg.scid  }
0x8b: {  	s0 =	sand.u32 $0x1, s1  }
0x8c: {  	s17 =	sshll.u32 s0, $0xA;
	s2 =	sadd.s32 s3, s2  }
0x8d: {  	s2 =	sadd.s32 s2, s17  }
0x8e: {  	[smem:$0x3FA8] =	sst s2  }
0x8f: {  	_ = 	snop  }
0x90: {  	s18 =	sld [smem:$0x3FC7];
	(tm) =	ssettm $0x1  }
0x91: {  	s19 =	sld [smem:$0x3FFB];
	_ =	sdelay $0x3  }
0x92: {  	_ =	strace s19  }
0x93: {  	s2 =	sld [smem:$0x3FFC];
	_ =	sdelay $0x3  }
0x94: {  	_ =	strace s2  }
0x95: {  	s2 =	sld [smem:$0x3FFD];
	_ =	sdelay $0x3  }
0x96: {  	_ =	strace s2  }
0x97: {  	_ =	strace $0x8FFFFFFF  }
0x98: {  	s20 =	sld [smem:$0x3FDB];
	_ =	sdelay $0x1  }
0x99: {  	s4 =	simm.s32 $_scs_section_size  }
0x9a: {  	s5 =	simm.s32 $_size__tile_overlayer_lowered;
	s6 =	simm.s32 $_tile_overlayer_lowered  }
0x9b: {  	s7 =	simm.s32 $0x1BFF;
	s21 =	sshll.u32 s6, $0x1;
	s4 =	sadd.s32 s4, s20  }
0x9c: {  	s22 =	simm.s32 $0x0;
	s5 =	sshll.u32 s5, $0x1;
	s6 =	sadd.s32 s21, s4  }
0x9d: {  	[timem:s22], [sflag:s7] =	dma.local [hbm:s6], s5  }
0x9e: {  	_ =	swait.ge [sflag:s7], s5  }
0x9f: {  	s5 =	ssub.s32 $0x0, s5;
	[sflag:s7] =	ssyncset.done $0x0  }
0xa0: {  	[sflag:s7] =	ssyncadd.s32 s5;
	_ =	sdelay $0x1  }
0xa1: {  	s23 =	simm.s32 $0x1B8B  }
0xa2: {  	_ =	swait.ge [sflag:s23], $0x1  }
0xa3: {  	[sflag:s23] =	ssyncset.done $0x0  }
0xa4: {  	[sflag:s23] =	ssyncadd.s32 $0xFFFFFFFF  }
0xa5: {  	s5 =	sld [smem:$0x0]  }
0xa6: {  	s6 =	sand.u32 $0xFFFFFFFE, s1  }
0xa7: {  	p0 =	sne.s32 s1, s6  }
0xa8: {  	s6 =	sshll.u32 @p0 s6, $0xE  }
0xa9: {  	s6 =	sadd.s32 @p0 $0x11B8D, s6;
	s7 =	sshll.u32 @p0 s5, $0x11  }
0xaa: {  	s6 =	sor.u32 @p0 s7, s6  }
0xab: {  	[sflag:s6] =	ssyncadd.remote.s32 @p0 $0x1;
	_ =	sdelay $0x1  }
0xac: {  	s6 =	simm.s32 @p0 $0x1B8D  }
0xad: {  	_ =	swait.eq @p0 [sflag:s6], $0x1  }
0xae: {  	[sflag:s6] =	ssyncadd.s32 @p0 $0xFFFFFFFF  }
0xaf: {  	s7 =	sshll.u32 @!p0 s1, $0xE  }
0xb0: {  	s7 =	sor.u32 @!p0 $0x4000, s7;
	s6 =	simm.s32 @!p0 $0x1B8D  }
0xb1: {  	s5 =	sshll.u32 @!p0 s5, $0x11;
	s7 =	sadd.s32 @!p0 $0x11B8D, s7;
	_ =	swait.eq @!p0 [sflag:s6], $0x1  }
0xb2: {  	s5 =	sor.u32 @!p0 s5, s7;
	[sflag:s6] =	ssyncadd.s32 @!p0 $0xFFFFFFFF  }
0xb3: {  	s25 =	simm.s32 $0x1B8E;
	s24 =	sld [smem:$0x3FFE];
	[sflag:s5] =	ssyncadd.remote.s32 @!p0 $0x1  }
0xb4: {  	s26 =	simm.s32 $execute0_lowered;
	[smem:$0x3FD2] =	sst s25  }
0xb5: {  	s6 =	sshll.u32 s26, $0x1;
	_ =	strace $0x80000049;
	[dreg:$0x1] =	wrdreg $0xFFFFFFFF  }
0xb6: {  	s28 =	simm.s32 $_size_execute0_lowered;
	s4 =	sadd.s32 s4, s6;
	[dreg:$0x0] =	wrdreg $0x0  }
0xb7: {  	s6 =	sshll.u32 s28, $0x1;
	[dreg:$0x2] =	wrdreg s4  }
0xb8: {  	[dreg:$0x3] =	wrdreg s6  }
0xb9: {  	[dreg:$0x4] =	wrdreg $0xC0  }
0xba: {  	_ =	task [dreg:s22], $0x5FFFF  }
0xbb: {  	[dreg:$0x1] =	wrdreg $0xFFFFFFFF  }
0xbc: {  	[dreg:$0x0] =	wrdreg $0x60  }
0xbd: {  	[dreg:$0x2] =	wrdreg s24  }
0xbe: {  	[dreg:$0x3] =	wrdreg s18  }
0xbf: {  	[dreg:$0x4] =	wrdreg $0x49000  }
0xc0: {  	[dreg:$0x5] =	wrdreg $0xA  }
0xc1: {  	_ =	task.clear_ibuf [dreg:s22], $0x6FFFF;
	_ =	strace $0x90000049  }
0xc2: {  	s29 =	simm.s32 $0xA;
	_ =	strace $0x8000004B  }
0xc3: {  	_ =	swait.ge [sflag:s29], $0x1  }
0xc4: {  	[sflag:s29] =	ssyncadd.s32 $0xFFFFFFFF  }
0xc5: {  	_ =	strace $0x9000004B  }
0xc6: {  	_ =	sfence  }
0xc7: {  	s30 =	sld [smem:$0x0];
	_ =	sdelay $0x2  }
0xc8: {  	s31 =	sshll.u32 s1, $0xD;
	s1 =	sshrl.u32 s1, $0x2  }
0xc9: {  	s4 =	sand.u32 $0x4000, s31;
	s1 =	sadd.s32 s1, s30  }
0xca: {  	s0 =	sor.u32 s4, s0;
	s1 =	sshll.u32 s1, $0x11  }
0xcb: {  	s0 =	sor.u32 s1, s0  }
0xcc: {  	s0 =	sadd.s32 $0x8F2B, s0  }
0xcd: {  	[sflag:s0] =	ssyncadd.remote.s32 $0x1  }
0xce: {  	_ =	sfence.sel $0xFFFF  }
0xcf: {  	[dreg:$0x0] =	wrdreg $0xFFFFFFFF;
	(pc) =	sbr.abs _section_cstart, $3  }
0xd0: {  	[dreg:$0x1] =	wrdreg $0xFFFFFFFF  }
0xd1: {  	_ =	task.clear_ibuf [dreg:s22], $0x2FFFF;
	_ =	strace $0x9FFFFFFF  }
0xd2: {  	(tm) =	ssettm $0x7FFFFFFF  }
0xd3: {  	_ =	shalt  }
tec
execute0_lowered:
.L_overlay_start_1:
0x0: {  	(tag) =	ssettag $0x1  }
0x1: {  	s2 =	rddreg [dreg:$0x0]  }
0x2: {  	s3 =	rddreg [dreg:$0x1]  }
0x3: {  	s1 =	rddreg [dreg:$0x2]  }
0x4: {  	s0 =	rddreg [dreg:$0x3];
	s4 =	simm.s32 $0x0  }
0x5: {  	s5 =	srdreg.scid;
	s15 =	stileid.u32;
	p3 =	por $0x0, $0x0  }
0x6: {  	[smem:$0x7FF] =	sst s4;
	s6 =	sadd.s32 $0x30A00, s2;
	s14 =	sand.u32 $0x1, s5  }
0x7: {  	s12 =	sadd.s32 $0x2DA00, s2;
	_ =	strace $0x8000004A;
	s5 =	ssub.s32 $0x2, s14  }
0x8: {  	s7 =	sshll.u32 s14, $0x4;
	p0 =	seq.s32 s14, $0x1;
	s14 =	simm.s32 $0x58400  }
0x9: {  	s8 =	sshrl.u32 s5, $0x1;
	s16 =	sor.u32 s15, s7;
	s14 =	simm.s32 @!p0 $0x57C00  }
0xa: {  	p0 =	sne.s32 s15, $0x0;
	s15 =	simm.s32 $0x4000;
	s17 =	ssub.s32 s5, s8  }
0xb: {  	s25 =	sshll.u32 s16, $0x4;
	s7 =	sshll.u32 s16, $0xB;
	s26 =	sor.u32 $0x20, s16  }
0xc: {  	s18 =	sor.u32 $0x40, s16;
	s8 =	sadd.s32 $0x4E0, s3;
	s17 =	smax.u32 s17, $0x1  }
0xd: {  	p1 =	sgt.u32 s16, $0xD;
	s13 =	sadd.s32 s3, s25;
	s29 =	sadd.s32 $0xFFFFFFFF, s17  }
0xe: {  	s11 =	sadd.s32 s6, s7;
	s28 =	sshll.u32 s26, $0x4;
	p4 =	sne.s32 s29, $0x0  }
.Ltmp0:
0xf: {  	s5 =	sshll.u32 s26, $0xB;
	s30 =	sshll.u32 s18, $0x4;
	(pc) =	sbr.rel @!p4 .LBB2_3-.Ltmp0, $4  }
0x10: {  	s7 =	sadd.s32 $0x57A00, s2;
	s31 =	sshll.u32 s18, $0xB;
	s2 =	sadd.s32 s14, s2  }
0x11: {  	s14 =	simm.s32 $0x1;
	p2 =	sne.s32 @p1 s16, $0x1F;
	s16 =	simm.s32 $0x80  }
0x12: {  	s10 =	sadd.s32 s3, s28;
	s9 =	sadd.s32 s6, s5;
	s5 =	sadd.s32 s3, s30  }
0x13: {  	s6 =	sadd.s32 s6, s31;
	s3 =	sshrl.u32 @!p0 s1, $0x3;
	p2 =	por p2, !p1  }
0x14: {  	s18 =	simm.s32 @!p0 $0x1C01;
	s17 =	simm.s32 @!p0 $0x1  }
0x15: {  	[spmem:s3], [sflag:s18] =	dma.local @!p0 [hbm:s12], $0x800  }
0x16: {  	_ =	swait.ge @!p0 [sflag:s17], $0x800  }
0x17: {  	[sflag:s17] =	ssyncset.done @!p0 $0x0  }
0x18: {  	[sflag:s17] =	ssyncadd.s32 @!p0 $0xFFFFF800  }
0x19: {  	[bflag:$0x0] =	sbarrier.arrive $0xFFFF  }
0x1a: {  	[tilespmem:s15], [sflag:$0x1] =	stream.linear.gather [hbm4b:s13+s4], $0x80, $0x38;
	[tilespmem:$0x4D00] =	vst v63  }
0x1b: {  	_ =	swait.ge [sflag:s14], $0x80  }
0x1c: {  	[sflag:s14] =	ssyncset.done $0x0  }
0x1d: {  	[sflag:s14] =	ssyncadd.s32 $0xFFFFFF80  }
0x1e: {  	[tilespmem:s4], [sflag:$0x1] =	stream.linear.gather [hbm4b:s11+s4], $0x4000, $0x38;
	[tilespmem:$0x4D00] =	vst v63  }
0x1f: {  	_ =	swait.ge [sflag:s14], $0x4000  }
0x20: {  	[sflag:s14] =	ssyncset.done $0x0  }
0x21: {  	[sflag:s14] =	ssyncadd.s32 $0xFFFFC000  }
0x22: {  	[spmem:s1] =	stream.indirect.scatter.add.f32 [tilespmem:s4], [sflag:$0x1], $0x80, s15, s16, $0xb8;
	[tilespmem:$0x4D00] =	vst v63  }
0x23: {  	_ =	swait.ge [sflag:s14], $0x4000  }
0x24: {  	[sflag:s14] =	ssyncset.done $0x0  }
0x25: {  	[sflag:s14] =	ssyncadd.s32 $0xFFFFC000  }
0x26: {  	[tilespmem:s15], [sflag:$0x1] =	stream.linear.gather [hbm4b:s10+s4], $0x80, $0x38;
	[tilespmem:$0x4D00] =	vst v63  }
0x27: {  	_ =	swait.ge [sflag:s14], $0x80  }
0x28: {  	[sflag:s14] =	ssyncset.done $0x0  }
0x29: {  	[sflag:s14] =	ssyncadd.s32 $0xFFFFFF80  }
0x2a: {  	[tilespmem:s4], [sflag:$0x1] =	stream.linear.gather [hbm4b:s9+s4], $0x4000, $0x38;
	[tilespmem:$0x4D00] =	vst v63  }
0x2b: {  	_ =	swait.ge [sflag:s14], $0x4000  }
0x2c: {  	[sflag:s14] =	ssyncset.done $0x0  }
0x2d: {  	[sflag:s14] =	ssyncadd.s32 $0xFFFFC000  }
0x2e: {  	[spmem:s1] =	stream.indirect.scatter.add.f32 [tilespmem:s4], [sflag:$0x1], $0x80, s15, s16, $0xb8;
	[tilespmem:$0x4D00] =	vst v63  }
0x2f: {  	_ =	swait.ge [sflag:s14], $0x4000  }
0x30: {  	s19 =	simm.s32 @!p2 $0x1;
	[sflag:s14] =	ssyncset.done $0x0  }
0x31: {  	s20 =	simm.s32 @!p2 $0x0;
	s21 =	simm.s32 @!p2 $0x4880;
	[sflag:s14] =	ssyncadd.s32 $0xFFFFC000  }
0x32: {  	[tilespmem:s21], [sflag:$0x1] =	stream.linear.gather @!p2 [hbm4b:s8+s20], $0x10, $0x38;
	[tilespmem:$0x4D00] =	vst v63  }
0x33: {  	_ =	swait.ge @!p2 [sflag:s19], $0x10  }
0x34: {  	[sflag:s19] =	ssyncset.done @!p2 $0x0  }
0x35: {  	s22 =	simm.s32 @!p2 $0x4080;
	[sflag:s19] =	ssyncadd.s32 @!p2 $0xFFFFFFF0  }
0x36: {  	[tilespmem:s22], [sflag:$0x1] =	stream.linear.gather @!p2 [hbm4b:s7+s20], $0x800, $0x38;
	[tilespmem:$0x4D00] =	vst v63  }
0x37: {  	_ =	swait.ge @!p2 [sflag:s19], $0x800  }
0x38: {  	[sflag:s19] =	ssyncset.done @!p2 $0x0  }
0x39: {  	s23 =	simm.s32 @!p2 $0x10;
	[sflag:s19] =	ssyncadd.s32 @!p2 $0xFFFFF800  }
0x3a: {  	[spmem:s1] =	stream.indirect.scatter.add.f32 @!p2 [tilespmem:s22], [sflag:$0x1], $0x80, s21, s23, $0xb8;
	[tilespmem:$0x4D00] =	vst v63  }
0x3b: {  	_ =	swait.ge @!p2 [sflag:s19], $0x800  }
0x3c: {  	s24 =	simm.s32 @!p1 $0x1;
	[sflag:s19] =	ssyncset.done @!p2 $0x0  }
0x3d: {  	s25 =	simm.s32 @!p1 $0x0;
	s26 =	simm.s32 @!p1 $0x4000;
	[sflag:s19] =	ssyncadd.s32 @!p2 $0xFFFFF800  }
0x3e: {  	[tilespmem:s26], [sflag:$0x1] =	stream.linear.gather @!p1 [hbm4b:s5+s25], $0x80, $0x38;
	[tilespmem:$0x4D00] =	vst v63  }
0x3f: {  	_ =	swait.ge @!p1 [sflag:s24], $0x80  }
0x40: {  	[sflag:s24] =	ssyncset.done @!p1 $0x0  }
0x41: {  	[sflag:s24] =	ssyncadd.s32 @!p1 $0xFFFFFF80  }
0x42: {  	[tilespmem:s25], [sflag:$0x1] =	stream.linear.gather @!p1 [hbm4b:s6+s25], $0x4000, $0x38;
	[tilespmem:$0x4D00] =	vst v63  }
0x43: {  	_ =	swait.ge @!p1 [sflag:s24], $0x4000  }
0x44: {  	[sflag:s24] =	ssyncset.done @!p1 $0x0  }
0x45: {  	s28 =	simm.s32 @!p1 $0x80;
	[sflag:s24] =	ssyncadd.s32 @!p1 $0xFFFFC000  }
0x46: {  	[spmem:s1] =	stream.indirect.scatter.add.f32 @!p1 [tilespmem:s25], [sflag:$0x1], $0x80, s26, s28, $0xb8;
	[tilespmem:$0x4D00] =	vst v63  }
0x47: {  	s29 =	sadd.s32 $0xFFFFFFFF, s29;
	_ =	swait.ge @!p1 [sflag:s24], $0x4000  }
0x48: {  	p4 =	sne.s32 s29, $0x0;
	[sflag:s24] =	ssyncset.done @!p1 $0x0  }
.Ltmp1:
0x49: {  	[sflag:s24] =	ssyncadd.s32 @!p1 $0xFFFFC000;
	(pc) =	sbr.rel @!p4 .LBB2_3-.Ltmp1, $4  }
0x4a: {  	[bflag:$0x0] =	sbarrier.arrive $0xFFFF  }
0x4b: {  	[hbm:s2], [sflag:s18] =	dma.local @!p0 [spmem:s3], $0x800  }
0x4c: {  	_ =	swait.ge @!p0 [sflag:s17], $0x800  }
0x4d: {  	p3 =	por $0x1, $0x1;
	[sflag:s17] =	ssyncset.done @!p0 $0x0  }
.LBB2_2:
0x4e: {  	[sflag:s17] =	ssyncadd.s32 @!p0 $0xFFFFF800  }
0x4f: {  	[spmem:s3], [sflag:s18] =	dma.local @!p0 [hbm:s12], $0x800  }
0x50: {  	s29 =	sadd.s32 $0xFFFFFFFF, s29;
	_ =	swait.ge @!p0 [sflag:s17], $0x800  }
0x51: {  	p4 =	sne.s32 s29, $0x0;
	[sflag:s17] =	ssyncset.done @!p0 $0x0  }
0x52: {  	[sflag:s17] =	ssyncadd.s32 @!p0 $0xFFFFF800  }
0x53: {  	[bflag:$0x0] =	sbarrier.arrive $0xFFFF  }
0x54: {  	[tilespmem:s15], [sflag:$0x1] =	stream.linear.gather [hbm4b:s13+s4], $0x80, $0x38;
	[tilespmem:$0x4D00] =	vst v63  }
0x55: {  	_ =	swait.ge [sflag:s14], $0x80  }
0x56: {  	[sflag:s14] =	ssyncset.done $0x0  }
0x57: {  	[sflag:s14] =	ssyncadd.s32 $0xFFFFFF80  }
0x58: {  	[tilespmem:s4], [sflag:$0x1] =	stream.linear.gather [hbm4b:s11+s4], $0x4000, $0x38;
	[tilespmem:$0x4D00] =	vst v63  }
0x59: {  	_ =	swait.ge [sflag:s14], $0x4000  }
0x5a: {  	[sflag:s14] =	ssyncset.done $0x0  }
0x5b: {  	[sflag:s14] =	ssyncadd.s32 $0xFFFFC000  }
0x5c: {  	[spmem:s1] =	stream.indirect.scatter.add.f32 [tilespmem:s4], [sflag:$0x1], $0x80, s15, s16, $0xb8;
	[tilespmem:$0x4D00] =	vst v63  }
0x5d: {  	_ =	swait.ge [sflag:s14], $0x4000  }
0x5e: {  	[sflag:s14] =	ssyncset.done $0x0  }
0x5f: {  	[sflag:s14] =	ssyncadd.s32 $0xFFFFC000  }
0x60: {  	[tilespmem:s15], [sflag:$0x1] =	stream.linear.gather [hbm4b:s10+s4], $0x80, $0x38;
	[tilespmem:$0x4D00] =	vst v63  }
0x61: {  	_ =	swait.ge [sflag:s14], $0x80  }
0x62: {  	[sflag:s14] =	ssyncset.done $0x0  }
0x63: {  	[sflag:s14] =	ssyncadd.s32 $0xFFFFFF80  }
0x64: {  	[tilespmem:s4], [sflag:$0x1] =	stream.linear.gather [hbm4b:s9+s4], $0x4000, $0x38;
	[tilespmem:$0x4D00] =	vst v63  }
0x65: {  	_ =	swait.ge [sflag:s14], $0x4000  }
0x66: {  	[sflag:s14] =	ssyncset.done $0x0  }
0x67: {  	[sflag:s14] =	ssyncadd.s32 $0xFFFFC000  }
0x68: {  	[spmem:s1] =	stream.indirect.scatter.add.f32 [tilespmem:s4], [sflag:$0x1], $0x80, s15, s16, $0xb8;
	[tilespmem:$0x4D00] =	vst v63  }
0x69: {  	_ =	swait.ge [sflag:s14], $0x4000  }
0x6a: {  	[sflag:s14] =	ssyncset.done $0x0  }
0x6b: {  	[sflag:s14] =	ssyncadd.s32 $0xFFFFC000  }
0x6c: {  	[tilespmem:s21], [sflag:$0x1] =	stream.linear.gather @!p2 [hbm4b:s8+s20], $0x10, $0x38;
	[tilespmem:$0x4D00] =	vst v63  }
0x6d: {  	_ =	swait.ge @!p2 [sflag:s19], $0x10  }
0x6e: {  	[sflag:s19] =	ssyncset.done @!p2 $0x0  }
0x6f: {  	[sflag:s19] =	ssyncadd.s32 @!p2 $0xFFFFFFF0  }
0x70: {  	[tilespmem:s22], [sflag:$0x1] =	stream.linear.gather @!p2 [hbm4b:s7+s20], $0x800, $0x38;
	[tilespmem:$0x4D00] =	vst v63  }
0x71: {  	_ =	swait.ge @!p2 [sflag:s19], $0x800  }
0x72: {  	[sflag:s19] =	ssyncset.done @!p2 $0x0  }
0x73: {  	[sflag:s19] =	ssyncadd.s32 @!p2 $0xFFFFF800  }
0x74: {  	[spmem:s1] =	stream.indirect.scatter.add.f32 @!p2 [tilespmem:s22], [sflag:$0x1], $0x80, s21, s23, $0xb8;
	[tilespmem:$0x4D00] =	vst v63  }
0x75: {  	_ =	swait.ge @!p2 [sflag:s19], $0x800  }
0x76: {  	[sflag:s19] =	ssyncset.done @!p2 $0x0  }
0x77: {  	[sflag:s19] =	ssyncadd.s32 @!p2 $0xFFFFF800  }
0x78: {  	[tilespmem:s26], [sflag:$0x1] =	stream.linear.gather @!p1 [hbm4b:s5+s25], $0x80, $0x38;
	[tilespmem:$0x4D00] =	vst v63  }
0x79: {  	_ =	swait.ge @!p1 [sflag:s24], $0x80  }
0x7a: {  	[sflag:s24] =	ssyncset.done @!p1 $0x0  }
0x7b: {  	[sflag:s24] =	ssyncadd.s32 @!p1 $0xFFFFFF80  }
0x7c: {  	[tilespmem:s25], [sflag:$0x1] =	stream.linear.gather @!p1 [hbm4b:s6+s25], $0x4000, $0x38;
	[tilespmem:$0x4D00] =	vst v63  }
0x7d: {  	_ =	swait.ge @!p1 [sflag:s24], $0x4000  }
0x7e: {  	[sflag:s24] =	ssyncset.done @!p1 $0x0  }
0x7f: {  	[sflag:s24] =	ssyncadd.s32 @!p1 $0xFFFFC000  }
0x80: {  	[spmem:s1] =	stream.indirect.scatter.add.f32 @!p1 [tilespmem:s25], [sflag:$0x1], $0x80, s26, s28, $0xb8;
	[tilespmem:$0x4D00] =	vst v63  }
0x81: {  	_ =	swait.ge @!p1 [sflag:s24], $0x4000  }
0x82: {  	[sflag:s24] =	ssyncset.done @!p1 $0x0  }
.Ltmp2:
0x83: {  	[sflag:s24] =	ssyncadd.s32 @!p1 $0xFFFFC000;
	(pc) =	sbr.rel @p4 .LBB2_2-.Ltmp2, $4  }
0x84: {  	[bflag:$0x0] =	sbarrier.arrive $0xFFFF  }
0x85: {  	[hbm:s2], [sflag:s18] =	dma.local @!p0 [spmem:s3], $0x800  }
0x86: {  	_ =	swait.ge @!p0 [sflag:s17], $0x800  }
0x87: {  	[sflag:s17] =	ssyncset.done @!p0 $0x0  }
.LBB2_3:
0x88: {  	p3 =	por p0, !p3  }
0x89: {  	s19 =	simm.s32 @!p0 $0x1C01;
	s18 =	simm.s32 @!p0 $0x1;
	[sflag:s17] =	ssyncadd.s32 @!p3 $0xFFFFF800  }
0x8a: {  	[spmem:s3], [sflag:s19] =	dma.local @!p0 [hbm:s12], $0x800  }
0x8b: {  	_ =	swait.ge @!p0 [sflag:s18], $0x800  }
0x8c: {  	[sflag:s18] =	ssyncset.done @!p0 $0x0  }
0x8d: {  	[sflag:s18] =	ssyncadd.s32 @!p0 $0xFFFFF800  }
0x8e: {  	[bflag:$0x0] =	sbarrier.arrive $0xFFFF  }
0x8f: {  	[tilespmem:s15], [sflag:$0x1] =	stream.linear.gather [hbm4b:s13+s4], $0x80, $0x38;
	[tilespmem:$0x4D00] =	vst v63  }
0x90: {  	_ =	swait.ge [sflag:s14], $0x80  }
0x91: {  	[sflag:s14] =	ssyncset.done $0x0  }
0x92: {  	[sflag:s14] =	ssyncadd.s32 $0xFFFFFF80  }
0x93: {  	[tilespmem:s4], [sflag:$0x1] =	stream.linear.gather [hbm4b:s11+s4], $0x4000, $0x38;
	[tilespmem:$0x4D00] =	vst v63  }
0x94: {  	_ =	swait.ge [sflag:s14], $0x4000  }
0x95: {  	[sflag:s14] =	ssyncset.done $0x0  }
0x96: {  	[sflag:s14] =	ssyncadd.s32 $0xFFFFC000  }
0x97: {  	[spmem:s1] =	stream.indirect.scatter.add.f32 [tilespmem:s4], [sflag:$0x1], $0x80, s15, s16, $0xb8;
	[tilespmem:$0x4D00] =	vst v63  }
0x98: {  	_ =	swait.ge [sflag:s14], $0x4000  }
0x99: {  	[sflag:s14] =	ssyncset.done $0x0  }
0x9a: {  	[sflag:s14] =	ssyncadd.s32 $0xFFFFC000  }
0x9b: {  	[tilespmem:s15], [sflag:$0x1] =	stream.linear.gather [hbm4b:s10+s4], $0x80, $0x38;
	[tilespmem:$0x4D00] =	vst v63  }
0x9c: {  	_ =	swait.ge [sflag:s14], $0x80  }
0x9d: {  	[sflag:s14] =	ssyncset.done $0x0  }
0x9e: {  	[sflag:s14] =	ssyncadd.s32 $0xFFFFFF80  }
0x9f: {  	[tilespmem:s4], [sflag:$0x1] =	stream.linear.gather [hbm4b:s9+s4], $0x4000, $0x38;
	[tilespmem:$0x4D00] =	vst v63  }
0xa0: {  	_ =	swait.ge [sflag:s14], $0x4000  }
0xa1: {  	[sflag:s14] =	ssyncset.done $0x0  }
0xa2: {  	[sflag:s14] =	ssyncadd.s32 $0xFFFFC000  }
0xa3: {  	[spmem:s1] =	stream.indirect.scatter.add.f32 [tilespmem:s4], [sflag:$0x1], $0x80, s15, s16, $0xb8;
	[tilespmem:$0x4D00] =	vst v63  }
0xa4: {  	_ =	swait.ge [sflag:s14], $0x4000  }
0xa5: {  	s10 =	simm.s32 @!p2 $0x4880;
	[sflag:s14] =	ssyncset.done $0x0  }
0xa6: {  	s9 =	simm.s32 @!p2 $0x0;
	s4 =	simm.s32 @!p2 $0x1;
	[sflag:s14] =	ssyncadd.s32 $0xFFFFC000  }
0xa7: {  	[tilespmem:s10], [sflag:$0x1] =	stream.linear.gather @!p2 [hbm4b:s8+s9], $0x10, $0x38;
	[tilespmem:$0x4D00] =	vst v63  }
0xa8: {  	_ =	swait.ge @!p2 [sflag:s4], $0x10  }
0xa9: {  	[sflag:s4] =	ssyncset.done @!p2 $0x0  }
0xaa: {  	s8 =	simm.s32 @!p2 $0x4080;
	[sflag:s4] =	ssyncadd.s32 @!p2 $0xFFFFFFF0  }
0xab: {  	[tilespmem:s8], [sflag:$0x1] =	stream.linear.gather @!p2 [hbm4b:s7+s9], $0x800, $0x38;
	[tilespmem:$0x4D00] =	vst v63  }
0xac: {  	_ =	swait.ge @!p2 [sflag:s4], $0x800  }
0xad: {  	[sflag:s4] =	ssyncset.done @!p2 $0x0  }
0xae: {  	s7 =	simm.s32 @!p2 $0x10;
	[sflag:s4] =	ssyncadd.s32 @!p2 $0xFFFFF800  }
0xaf: {  	[spmem:s1] =	stream.indirect.scatter.add.f32 @!p2 [tilespmem:s8], [sflag:$0x1], $0x80, s10, s7, $0xb8;
	[tilespmem:$0x4D00] =	vst v63  }
0xb0: {  	_ =	swait.ge @!p2 [sflag:s4], $0x800  }
0xb1: {  	s7 =	simm.s32 @!p1 $0x1;
	[sflag:s4] =	ssyncset.done @!p2 $0x0  }
0xb2: {  	s8 =	simm.s32 @!p1 $0x4000;
	[sflag:s4] =	ssyncadd.s32 @!p2 $0xFFFFF800;
	s4 =	simm.s32 @!p1 $0x0  }
0xb3: {  	[tilespmem:s8], [sflag:$0x1] =	stream.linear.gather @!p1 [hbm4b:s5+s4], $0x80, $0x38;
	[tilespmem:$0x4D00] =	vst v63  }
0xb4: {  	_ =	swait.ge @!p1 [sflag:s7], $0x80  }
0xb5: {  	[sflag:s7] =	ssyncset.done @!p1 $0x0  }
0xb6: {  	[sflag:s7] =	ssyncadd.s32 @!p1 $0xFFFFFF80  }
0xb7: {  	[tilespmem:s4], [sflag:$0x1] =	stream.linear.gather @!p1 [hbm4b:s6+s4], $0x4000, $0x38;
	[tilespmem:$0x4D00] =	vst v63  }
0xb8: {  	_ =	swait.ge @!p1 [sflag:s7], $0x4000  }
0xb9: {  	[sflag:s7] =	ssyncset.done @!p1 $0x0  }
0xba: {  	s5 =	simm.s32 @!p1 $0x80;
	[sflag:s7] =	ssyncadd.s32 @!p1 $0xFFFFC000  }
0xbb: {  	[spmem:s1] =	stream.indirect.scatter.add.f32 @!p1 [tilespmem:s4], [sflag:$0x1], $0x80, s8, s5, $0xb8;
	[tilespmem:$0x4D00] =	vst v63  }
0xbc: {  	_ =	swait.ge @!p1 [sflag:s7], $0x4000  }
0xbd: {  	[sflag:s7] =	ssyncset.done @!p1 $0x0  }
0xbe: {  	[sflag:s7] =	ssyncadd.s32 @!p1 $0xFFFFC000  }
0xbf: {  	[bflag:$0x0] =	sbarrier.arrive $0xFFFF  }
0xc0: {  	[hbm:s2], [sflag:s19] =	dma.local @!p0 [spmem:s3], $0x800  }
0xc1: {  	_ =	swait.ge @!p0 [sflag:s18], $0x800  }
0xc2: {  	[sflag:s18] =	ssyncset.done @!p0 $0x0  }
0xc3: {  	[sflag:s18] =	ssyncadd.s32 @!p0 $0xFFFFF800  }
0xc4: {  	_ =	sfence.sel $0x180000  }
0xc5: {  	[bflag:$0x0] =	sbarrier.arrive $0xFFFF  }
0xc6: {  	_ =	strace $0x9000004A  }
0xc7: {  	s0 =	sadd.s32 @!p0 $0x100000, s0;
	[bflag:$0x2] =	sbarrier.arrive $0xFFFF  }
0xc8: {  	[sflag:s0] =	ssyncadd.tile.s32 @!p0 $0x1;
	_ =	shalt  }
.Lfunc_end2:
_tile_overlayer_lowered:
.L_overlay_start_2:
0xc9: {  	(tag) =	ssettag $0x2  }
0xca: {  	s0 =	rddreg [dreg:$0x0];
	s2 =	stileid.u32  }
0xcb: {  	s1 =	rddreg [dreg:$0x1];
	p0 =	sne.s32 s2, $0x0  }
0xcc: {  	s3 =	rddreg [dreg:$0x2];
	[bflag:$0x3] =	sbarrier.arrive $0xFFFF;
	s2 =	simm.s32 @!p0 $0x1C01  }
0xcd: {  	[timem:s3], [sflag:s2] =	dma.local @!p0 [hbm:s0], s1  }
0xce: {  	s0 =	simm.s32 @!p0 $0x1  }
0xcf: {  	_ =	swait.ge @!p0 [sflag:s0], s1  }
0xd0: {  	s1 =	ssub.s32 @!p0 $0x0, s1;
	[sflag:s0] =	ssyncset.done @!p0 $0x0  }
0xd1: {  	[sflag:s0] =	ssyncadd.s32 @!p0 s1  }
0xd2: {  	[bflag:$0x3] =	sbarrier.arrive $0xFFFF  }
0xd3: {  	_ =	shalt  }

// kernel: kernel.8.cloned.1.call-start
scs
__scs_entry_jumppad:
0x0: {  	(pc) =	sbr.rel $0x88, $3  }
0x1: {  	(tag) =	ssettag $0x0;
	lr =	simm.s32 $0x1  }
0x2: {  	[smem:$0x3F81] =	sst lr;
	_ =	strace $0xD0000000  }
0x3: {  	_ = 	snop  }
0x4: {  	_ = 	snop  }
0x5: {  	_ = 	snop  }
0x6: {  	_ = 	snop  }
0x7: {  	_ = 	snop  }
__scs_overlays_trampoline_lowered:
0x8: {  	[smem:$0x3F90] =	sst s0  }
0x9: {  	[smem:$0x3F91] =	sst s1  }
0xa: {  	[smem:$0x3F92] =	sst s2  }
0xb: {  	[smem:$0x3F93] =	sst s3  }
0xc: {  	[smem:$0x3F94] =	sst s4  }
0xd: {  	[smem:$0x3F95] =	sst s5  }
0xe: {  	[smem:$0x3F96] =	sst s6  }
0xf: {  	[smem:$0x3F97] =	sst s7  }
0x10: {  	[smem:$0x3F98] =	sst s8  }
0x11: {  	[smem:$0x3F99] =	sst s9;
	s0 =	simm.s32 @!p0 $0x0  }
0x12: {  	s1 =	sld [smem:$0x3F7F];
	s0 =	simm.s32 @p0 $0x1  }
0x13: {  	[smem:$0x3F9A] =	sst s0;
	s0 =	simm.s32 @!p1 $0x0  }
0x14: {  	s2 =	sld [smem:$0x3F7E];
	s0 =	simm.s32 @p1 $0x1  }
0x15: {  	[smem:$0x3F9B] =	sst s0;
	s0 =	simm.s32 @!p2 $0x0  }
0x16: {  	s3 =	sld [smem:$0x3FDB];
	s0 =	simm.s32 @p2 $0x1  }
0x17: {  	s4 =	simm.s32 $0x1BF5;
	[smem:$0x3F9D] =	sst s0  }
0x18: {  	s0 =	sld [smem:$0x3F80];
	_ =	swait.ge [sflag:s4], $0x0  }
0x19: {  	s7 =	sld [smem:$0x3F81]  }
0x1a: {  	s8 =	sadd.s32 $0xFFFFE003, lr  }
0x1b: {  	s9 =	sadd.s32 $0xFFFFFEF7, lr;
	s5 =	simm.s32 $0xFFFFFFFF;
	p2 =	slt.u32 s8, $0xFFFFF086  }
0x1c: {  	p1 =	slt.u32 s9, $0xF7A;
	s5 =	simm.s32 @!p2 $0x0  }
0x1d: {  	s5 =	simm.s32 @p1 $0x1;
	p0 =	seq.s32 s7, s2  }
0x1e: {  	s7 =	smul.u32 @!p0 $0xF7A, s2;
	p2 =	seq.s32 @!p0 s5, $0x0  }
0x1f: {  	s9 =	smul.u32 $0xF7A, s1;
	s8 =	simm.s32 @!p0 $0x1BF5;
	p2 =	por !p2, p0  }
0x20: {  	[sflag:s8] =	ssyncset.s32 @!p0 $0xFFFFF086;
	s6 =	sadd.s32 @!p0 s3, s7;
	s7 =	simm.s32 @!p0 $0x108  }
0x21: {  	s3 =	sadd.s32 s3, s9;
	s6 =	sadd.s32 @!p0 $0x88, s6;
	s7 =	simm.s32 @p2 $0x1082  }
0x22: {  	[simem:s7], [sflag:s8] =	dma.local @!p0 [hbm:s6], $0xF7A  }
0x23: {  	s9 =	sor.u32 $0xD0000000, s2;
	s6 =	simm.s32 $0x108;
	_ =	swait.ge @!p0 [sflag:s8], $0x0  }
0x24: {  	s3 =	sadd.s32 $0x88, s3;
	s6 =	simm.s32 @!p1 $0x1082;
	[sflag:s4] =	ssyncset.s32 $0xFFFFF086  }
0x25: {  	[simem:s6], [sflag:s4] =	dma.local [hbm:s3], $0xF7A  }
0x26: {  	[smem:$0x3F81] =	sst s1;
	(tag) =	ssettag s2;
	_ =	strace s9  }
0x27: {  	s1 =	sld [smem:$0x3F91]  }
0x28: {  	s2 =	sld [smem:$0x3F92]  }
0x29: {  	s4 =	sld [smem:$0x3F94]  }
0x2a: {  	p0 =	seq.s32 s5, $0x0;
	s5 =	sld [smem:$0x3F95]  }
0x2b: {  	s6 =	sld [smem:$0x3F96]  }
0x2c: {  	s7 =	sld [smem:$0x3F97]  }
0x2d: {  	s3 =	simm.s32 $0x108;
	s8 =	sld [smem:$0x3F98]  }
0x2e: {  	s3 =	simm.s32 @!p0 $0x1082;
	s9 =	sld [smem:$0x3F99]  }
0x2f: {  	lr =	sadd.s32 s0, s3;
	s0 =	sld [smem:$0x3F90]  }
0x30: {  	s3 =	sld [smem:$0x3F93]  }
0x31: {  	[smem:$0x3F9C] =	sst s10  }
0x32: {  	s10 =	sld [smem:$0x3F9A];
	_ =	sdelay $0x3  }
0x33: {  	p0 =	seq.s32 s10, $0x1;
	s10 =	sld [smem:$0x3F9C];
	_ =	sdelay $0x3  }
0x34: {  	[smem:$0x3F9C] =	sst s10  }
0x35: {  	s10 =	sld [smem:$0x3F9B];
	_ =	sdelay $0x3  }
0x36: {  	p1 =	seq.s32 s10, $0x1;
	s10 =	sld [smem:$0x3F9C];
	_ =	sdelay $0x3  }
0x37: {  	[smem:$0x3F9C] =	sst s10  }
0x38: {  	s10 =	sld [smem:$0x3F9D]  }
0x39: {  	_ = 	snop;
	(pc) =	sbr.ind lr, $3  }
0x3a: {  	_ = 	snop  }
0x3b: {  	_ = 	snop  }
0x3c: {  	p2 =	seq.s32 s10, $0x1;
	s10 =	sld [smem:$0x3F9C]  }
0x3d: {  	_ =	shalt  }
0x3e: {  	_ =	shalt  }
0x3f: {  	_ =	shalt  }
0x40: {  	_ =	shalt  }
0x41: {  	_ =	shalt  }
0x42: {  	_ =	shalt  }
0x43: {  	_ =	shalt  }
0x44: {  	_ =	shalt  }
0x45: {  	_ =	shalt  }
0x46: {  	_ =	shalt  }
0x47: {  	_ =	shalt  }
0x48: {  	_ =	shalt  }
0x49: {  	_ =	shalt  }
0x4a: {  	_ =	shalt  }
0x4b: {  	_ =	shalt  }
0x4c: {  	_ =	shalt  }
0x4d: {  	_ =	shalt  }
0x4e: {  	_ =	shalt  }
0x4f: {  	_ =	shalt  }
0x50: {  	_ =	shalt  }
0x51: {  	_ =	shalt  }
0x52: {  	_ =	shalt  }
0x53: {  	_ =	shalt  }
0x54: {  	_ =	shalt  }
0x55: {  	_ =	shalt  }
0x56: {  	_ =	shalt  }
0x57: {  	_ =	shalt  }
0x58: {  	_ =	shalt  }
0x59: {  	_ =	shalt  }
0x5a: {  	_ =	shalt  }
0x5b: {  	_ =	shalt  }
0x5c: {  	_ =	shalt  }
0x5d: {  	_ =	shalt  }
0x5e: {  	_ =	shalt  }
0x5f: {  	_ =	shalt  }
0x60: {  	_ =	shalt  }
0x61: {  	_ =	shalt  }
0x62: {  	_ =	shalt  }
0x63: {  	_ =	shalt  }
0x64: {  	_ =	shalt  }
0x65: {  	_ =	shalt  }
0x66: {  	_ =	shalt  }
0x67: {  	_ =	shalt  }
0x68: {  	_ =	shalt  }
0x69: {  	_ =	shalt  }
0x6a: {  	_ =	shalt  }
0x6b: {  	_ =	shalt  }
0x6c: {  	_ =	shalt  }
0x6d: {  	_ =	shalt  }
0x6e: {  	_ =	shalt  }
0x6f: {  	_ =	shalt  }
0x70: {  	_ =	shalt  }
0x71: {  	_ =	shalt  }
0x72: {  	_ =	shalt  }
0x73: {  	_ =	shalt  }
0x74: {  	_ =	shalt  }
0x75: {  	_ =	shalt  }
0x76: {  	_ =	shalt  }
0x77: {  	_ =	shalt  }
0x78: {  	_ =	shalt  }
0x79: {  	_ =	shalt  }
0x7a: {  	_ =	shalt  }
0x7b: {  	_ =	shalt  }
0x7c: {  	_ =	shalt  }
0x7d: {  	_ =	shalt  }
0x7e: {  	_ =	shalt  }
0x7f: {  	_ =	shalt  }
0x80: {  	_ =	shalt  }
0x81: {  	_ =	shalt  }
0x82: {  	_ =	shalt  }
0x83: {  	_ =	shalt  }
0x84: {  	_ =	shalt  }
0x85: {  	_ =	shalt  }
0x86: {  	_ =	shalt  }
0x87: {  	_ =	shalt  }
.Lfunc_end0:
.L_simem_size_0:
called_computation_lowered:
.L_overlay_start_0:
0x88: {  	s2 =	sld [smem:$0x3FD9]  }
0x89: {  	s3 =	sld [smem:$0x3FFE];
	_ =	sdelay $0x1  }
0x8a: {  	s1 =	srdreg.scid  }
0x8b: {  	s0 =	sand.u32 $0x1, s1  }
0x8c: {  	s17 =	sshll.u32 s0, $0xA;
	s2 =	sadd.s32 s3, s2  }
0x8d: {  	s2 =	sadd.s32 s2, s17  }
0x8e: {  	[smem:$0x3FA8] =	sst s2  }
0x8f: {  	_ = 	snop  }
0x90: {  	s2 =	sld [smem:$0x3FC7];
	(tm) =	ssettm $0x1  }
0x91: {  	s18 =	sld [smem:$0x3FFB];
	_ =	sdelay $0x3  }
0x92: {  	_ =	strace s18  }
0x93: {  	s3 =	sld [smem:$0x3FFC];
	_ =	sdelay $0x3  }
0x94: {  	_ =	strace s3  }
0x95: {  	s3 =	sld [smem:$0x3FFD];
	_ =	sdelay $0x3  }
0x96: {  	_ =	strace s3  }
0x97: {  	_ =	strace $0x8FFFFFFF  }
0x98: {  	s19 =	sld [smem:$0x3FDB];
	_ =	sdelay $0x1  }
0x99: {  	s4 =	simm.s32 $_scs_section_size  }
0x9a: {  	s5 =	simm.s32 $_size__tile_overlayer_lowered;
	s6 =	simm.s32 $_tile_overlayer_lowered  }
0x9b: {  	s22 =	simm.s32 $0x1BFF;
	s21 =	sshll.u32 s6, $0x1;
	s3 =	sadd.s32 s4, s19  }
0x9c: {  	s7 =	simm.s32 $0x0;
	s20 =	sshll.u32 s5, $0x1;
	s5 =	sadd.s32 s21, s3  }
0x9d: {  	[timem:s7], [sflag:s22] =	dma.local [hbm:s5], s20  }
0x9e: {  	_ =	swait.ge [sflag:s22], s20  }
0x9f: {  	s4 =	ssub.s32 $0x0, s20;
	[sflag:s22] =	ssyncset.done $0x0  }
0xa0: {  	[sflag:s22] =	ssyncadd.s32 s4;
	_ =	sdelay $0x1  }
0xa1: {  	s23 =	simm.s32 $0x1B8B  }
0xa2: {  	_ =	swait.ge [sflag:s23], $0x1  }
0xa3: {  	[sflag:s23] =	ssyncset.done $0x0  }
0xa4: {  	s25 =	simm.s32 $0x1B8E;
	s24 =	sld [smem:$0x3FFE];
	[sflag:s23] =	ssyncadd.s32 $0xFFFFFFFF  }
0xa5: {  	s26 =	simm.s32 $execute0_lowered;
	[smem:$0x3FD2] =	sst s25  }
0xa6: {  	s5 =	sshll.u32 s26, $0x1;
	_ =	strace $0x80000046;
	[dreg:$0x1] =	wrdreg $0xFFFFFFFF  }
0xa7: {  	s28 =	simm.s32 $_size_execute0_lowered;
	s3 =	sadd.s32 s3, s5;
	[dreg:$0x0] =	wrdreg $0x0  }
0xa8: {  	s5 =	sshll.u32 s28, $0x1;
	[dreg:$0x2] =	wrdreg s3  }
0xa9: {  	[dreg:$0x3] =	wrdreg s5  }
0xaa: {  	[dreg:$0x4] =	wrdreg $0xC0  }
0xab: {  	_ =	task [dreg:s7], $0x5FFFF  }
0xac: {  	[dreg:$0x1] =	wrdreg $0xFFFFFFFF  }
0xad: {  	[dreg:$0x0] =	wrdreg $0x60  }
0xae: {  	[dreg:$0x2] =	wrdreg s24  }
0xaf: {  	[dreg:$0x3] =	wrdreg s2  }
0xb0: {  	[dreg:$0x4] =	wrdreg $0x49000  }
0xb1: {  	[dreg:$0x5] =	wrdreg $0x95000  }
0xb2: {  	[dreg:$0x6] =	wrdreg $0x9  }
0xb3: {  	_ =	task.clear_ibuf [dreg:s7], $0x7FFFF;
	_ =	strace $0x90000046  }
0xb4: {  	s29 =	simm.s32 $0x9;
	_ =	strace $0x80000048  }
0xb5: {  	_ =	swait.ge [sflag:s29], $0x1  }
0xb6: {  	[sflag:s29] =	ssyncadd.s32 $0xFFFFFFFF  }
0xb7: {  	_ =	strace $0x90000048  }
0xb8: {  	_ =	sfence  }
0xb9: {  	s30 =	sld [smem:$0x0];
	_ =	sdelay $0x2  }
0xba: {  	s31 =	sshll.u32 s1, $0xD;
	s1 =	sshrl.u32 s1, $0x2  }
0xbb: {  	s3 =	sand.u32 $0x4000, s31;
	s1 =	sadd.s32 s1, s30  }
0xbc: {  	s0 =	sor.u32 s3, s0;
	s1 =	sshll.u32 s1, $0x11  }
0xbd: {  	s0 =	sor.u32 s1, s0  }
0xbe: {  	s0 =	sadd.s32 $0x8F2B, s0  }
0xbf: {  	[sflag:s0] =	ssyncadd.remote.s32 $0x1  }
0xc0: {  	_ =	sfence.sel $0xFFFF  }
0xc1: {  	[dreg:$0x0] =	wrdreg $0xFFFFFFFF;
	(pc) =	sbr.abs _section_cstart, $3  }
0xc2: {  	[dreg:$0x1] =	wrdreg $0xFFFFFFFF  }
0xc3: {  	_ =	task.clear_ibuf [dreg:s7], $0x2FFFF;
	_ =	strace $0x9FFFFFFF  }
0xc4: {  	(tm) =	ssettm $0x7FFFFFFF  }
0xc5: {  	_ =	shalt  }
tec
execute0_lowered:
.L_overlay_start_1:
0x0: {  	(tag) =	ssettag $0x1  }
0x1: {  	s0 =	rddreg [dreg:$0x0]  }
0x2: {  	s3 =	rddreg [dreg:$0x1]  }
0x3: {  	s2 =	rddreg [dreg:$0x2]  }
0x4: {  	s1 =	rddreg [dreg:$0x3]  }
0x5: {  	s21 =	rddreg [dreg:$0x4];
	s10 =	simm.s32 $0x0;
	s4 =	srdreg.scid  }
0x6: {  	s16 =	stileid.u32;
	p3 =	por $0x0, $0x0;
	[smem:$0x7FF] =	sst s10  }
0x7: {  	s6 =	sadd.s32 $0x6800, s0;
	s15 =	sadd.s32 $0x2DA00, s0;
	s5 =	sadd.s32 $0x2E200, s0  }
0x8: {  	s8 =	sadd.s32 $0x2EA00, s0;
	s7 =	sand.u32 $0x1, s4;
	s14 =	sadd.s32 $0x2F200, s0  }
0x9: {  	s24 =	sadd.s32 $0x2FA00, s0;
	s17 =	sadd.s32 $0x30200, s0;
	_ =	strace $0x80000047  }
0xa: {  	s4 =	smov.u32 s8;
	s19 =	sshll.u32 s7, $0x4;
	s9 =	ssub.s32 $0x2, s7  }
0xb: {  	p0 =	seq.s32 s7, $0x1;
	s18 =	sor.u32 s16, s19;
	s20 =	sshrl.u32 s9, $0x1  }
0xc: {  	s4 =	smov.u32 @p0 s14;
	s24 =	smov.u32 @p0 s17;
	p0 =	sne.s32 s16, $0x0  }
0xd: {  	s16 =	simm.s32 $0x4D00;
	s11 =	sshll.u32 s18, $0x4;
	s12 =	sshll.u32 s18, $0xB  }
0xe: {  	s13 =	sor.u32 $0x20, s18;
	s19 =	ssub.s32 s9, s20;
	s20 =	sor.u32 $0x40, s18  }
0xf: {  	s11 =	sadd.s32 s3, s11;
	s22 =	sadd.s32 s6, s12;
	s23 =	sshll.u32 s13, $0x4  }
0x10: {  	s12 =	sadd.s32 $0x4E0, s3;
	s28 =	sshll.u32 s20, $0x4;
	s30 =	smax.u32 s19, $0x1  }
0x11: {  	s25 =	sadd.s32 s3, s23;
	s31 =	sadd.s32 s3, s28;
	s3 =	sadd.s32 $0xFFFFFFFF, s30  }
0x12: {  	s14 =	simm.s32 $0x1;
	s17 =	simm.s32 $0x4000;
	p4 =	sne.s32 s3, $0x0  }
.Ltmp0:
0x13: {  	s7 =	sshrl.u32 @!p0 s2, $0x3;
	p1 =	sgt.u32 s18, $0xD;
	(pc) =	sbr.rel @!p4 .LBB2_5-.Ltmp0, $4  }
0x14: {  	s26 =	sshll.u32 s13, $0xB;
	s29 =	sshll.u32 s20, $0xB;
	[dreg:$0x5] =	wrdreg s11  }
0x15: {  	p2 =	sne.s32 @p1 s18, $0x1F;
	s18 =	simm.s32 $0x80;
	[dreg:$0x6] =	wrdreg s22  }
0x16: {  	s13 =	sadd.s32 s6, s26;
	s11 =	sadd.s32 $0x2D800, s0;
	s9 =	sadd.s32 s6, s29  }
0x17: {  	s6 =	sshrl.u32 @!p0 s1, $0x3;
	p2 =	por p2, !p1;
	[dreg:$0x7] =	wrdreg s25  }
0x18: {  	s20 =	simm.s32 @!p0 $0x1C01;
	s19 =	simm.s32 @!p0 $0x1  }
0x19: {  	[spmem:s7], [sflag:s20] =	dma.local @!p0 [hbm:s15], $0x800  }
0x1a: {  	_ =	swait.ge @!p0 [sflag:s19], $0x800  }
0x1b: {  	[sflag:s19] =	ssyncset.done @!p0 $0x0  }
0x1c: {  	[sflag:s19] =	ssyncadd.s32 @!p0 $0xFFFFF800  }
0x1d: {  	[spmem:s6], [sflag:s20] =	dma.local @!p0 [hbm:s15], $0x800  }
0x1e: {  	_ =	swait.ge @!p0 [sflag:s19], $0x800  }
0x1f: {  	[sflag:s19] =	ssyncset.done @!p0 $0x0  }
0x20: {  	[sflag:s19] =	ssyncadd.s32 @!p0 $0xFFFFF800  }
0x21: {  	[tilespmem:s16], [sflag:$0x1] =	stream.linear.gather [hbm4b:s5+s10], $0x4000, $0x38;
	[tilespmem:$0x9900] =	vst v63  }
0x22: {  	_ =	swait.ge [sflag:s14], $0x4000  }
0x23: {  	[sflag:s14] =	ssyncset.done $0x0  }
0x24: {  	[sflag:s14] =	ssyncadd.s32 $0xFFFFC000  }
0x25: {  	[bflag:$0x0] =	sbarrier.arrive $0xFFFF  }
0x26: {  	s0 =	rddreg [dreg:$0x5]  }
0x27: {  	[tilespmem:s17], [sflag:$0x1] =	stream.linear.gather [hbm4b:s0+s10], $0x80, $0x38;
	[tilespmem:$0x9900] =	vst v63  }
0x28: {  	_ =	swait.ge [sflag:s14], $0x80  }
0x29: {  	[sflag:s14] =	ssyncset.done $0x0  }
0x2a: {  	s25 =	rddreg [dreg:$0x6];
	[sflag:s14] =	ssyncadd.s32 $0xFFFFFF80  }
0x2b: {  	[tilespmem:s10], [sflag:$0x1] =	stream.linear.gather [hbm4b:s25+s10], $0x4000, $0x38;
	[tilespmem:$0x9900] =	vst v63  }
0x2c: {  	_ =	swait.ge [sflag:s14], $0x4000  }
0x2d: {  	[sflag:s14] =	ssyncset.done $0x0  }
0x2e: {  	[sflag:s14] =	ssyncadd.s32 $0xFFFFC000  }
0x2f: {  	[spmem:s2] =	stream.indirect.scatter.add.f32 [tilespmem:s10], [sflag:$0x1], $0x80, s17, s18, $0xb8;
	[tilespmem:$0x9900] =	vst v63  }
0x30: {  	_ =	swait.ge [sflag:s14], $0x4000  }
0x31: {  	[sflag:s14] =	ssyncset.done $0x0  }
0x32: {  	[sflag:s14] =	ssyncadd.s32 $0xFFFFC000  }
0x33: {  	[spmem:s1] =	stream.indirect.scatter.add.f32 [tilespmem:s16], [sflag:$0x1], $0x80, s17, s18, $0xb8;
	[tilespmem:$0x9900] =	vst v63  }
0x34: {  	_ =	swait.ge [sflag:s14], $0x4000  }
0x35: {  	[sflag:s14] =	ssyncset.done $0x0  }
0x36: {  	s26 =	rddreg [dreg:$0x7];
	[sflag:s14] =	ssyncadd.s32 $0xFFFFC000  }
0x37: {  	[tilespmem:s17], [sflag:$0x1] =	stream.linear.gather [hbm4b:s26+s10], $0x80, $0x38;
	[tilespmem:$0x9900] =	vst v63  }
0x38: {  	_ =	swait.ge [sflag:s14], $0x80  }
0x39: {  	[sflag:s14] =	ssyncset.done $0x0  }
0x3a: {  	[sflag:s14] =	ssyncadd.s32 $0xFFFFFF80  }
0x3b: {  	[tilespmem:s10], [sflag:$0x1] =	stream.linear.gather [hbm4b:s13+s10], $0x4000, $0x38;
	[tilespmem:$0x9900] =	vst v63  }
0x3c: {  	_ =	swait.ge [sflag:s14], $0x4000  }
0x3d: {  	[sflag:s14] =	ssyncset.done $0x0  }
0x3e: {  	[sflag:s14] =	ssyncadd.s32 $0xFFFFC000  }
0x3f: {  	[spmem:s2] =	stream.indirect.scatter.add.f32 [tilespmem:s10], [sflag:$0x1], $0x80, s17, s18, $0xb8;
	[tilespmem:$0x9900] =	vst v63  }
0x40: {  	_ =	swait.ge [sflag:s14], $0x4000  }
0x41: {  	[sflag:s14] =	ssyncset.done $0x0  }
0x42: {  	[sflag:s14] =	ssyncadd.s32 $0xFFFFC000  }
0x43: {  	[spmem:s1] =	stream.indirect.scatter.add.f32 [tilespmem:s16], [sflag:$0x1], $0x80, s17, s18, $0xb8;
	[tilespmem:$0x9900] =	vst v63  }
0x44: {  	_ =	swait.ge [sflag:s14], $0x4000  }
0x45: {  	s21 =	simm.s32 @!p2 $0x1;
	[sflag:s14] =	ssyncset.done $0x0  }
0x46: {  	s22 =	simm.s32 @!p2 $0x0;
	s23 =	simm.s32 @!p2 $0x4880;
	[sflag:s14] =	ssyncadd.s32 $0xFFFFC000  }
0x47: {  	[tilespmem:s23], [sflag:$0x1] =	stream.linear.gather @!p2 [hbm4b:s12+s22], $0x10, $0x38;
	[tilespmem:$0x9900] =	vst v63  }
0x48: {  	_ =	swait.ge @!p2 [sflag:s21], $0x10  }
0x49: {  	[sflag:s21] =	ssyncset.done @!p2 $0x0  }
0x4a: {  	s8 =	simm.s32 @!p2 $0x4080;
	[sflag:s21] =	ssyncadd.s32 @!p2 $0xFFFFFFF0  }
0x4b: {  	[tilespmem:s8], [sflag:$0x1] =	stream.linear.gather @!p2 [hbm4b:s11+s22], $0x800, $0x38;
	[tilespmem:$0x9900] =	vst v63  }
0x4c: {  	_ =	swait.ge @!p2 [sflag:s21], $0x800  }
0x4d: {  	[sflag:s21] =	ssyncset.done @!p2 $0x0  }
0x4e: {  	s25 =	simm.s32 @!p2 $0x10;
	[sflag:s21] =	ssyncadd.s32 @!p2 $0xFFFFF800  }
0x4f: {  	[spmem:s2] =	stream.indirect.scatter.add.f32 @!p2 [tilespmem:s8], [sflag:$0x1], $0x80, s23, s25, $0xb8;
	[tilespmem:$0x9900] =	vst v63  }
0x50: {  	_ =	swait.ge @!p2 [sflag:s21], $0x800  }
0x51: {  	[sflag:s21] =	ssyncset.done @!p2 $0x0  }
0x52: {  	s26 =	simm.s32 @!p2 $0x8D00;
	[sflag:s21] =	ssyncadd.s32 @!p2 $0xFFFFF800  }
0x53: {  	[tilespmem:s26], [sflag:$0x1] =	stream.linear.gather @!p2 [hbm4b:s5+s22], $0x800, $0x38;
	[tilespmem:$0x9900] =	vst v63  }
0x54: {  	_ =	swait.ge @!p2 [sflag:s21], $0x800  }
0x55: {  	[sflag:s21] =	ssyncset.done @!p2 $0x0  }
0x56: {  	[sflag:s21] =	ssyncadd.s32 @!p2 $0xFFFFF800  }
0x57: {  	[spmem:s1] =	stream.indirect.scatter.add.f32 @!p2 [tilespmem:s26], [sflag:$0x1], $0x80, s23, s25, $0xb8;
	[tilespmem:$0x9900] =	vst v63  }
0x58: {  	_ =	swait.ge @!p2 [sflag:s21], $0x800  }
0x59: {  	s28 =	simm.s32 @!p1 $0x1;
	[sflag:s21] =	ssyncset.done @!p2 $0x0  }
0x5a: {  	s29 =	simm.s32 @!p1 $0x0;
	s30 =	simm.s32 @!p1 $0x4000;
	[sflag:s21] =	ssyncadd.s32 @!p2 $0xFFFFF800  }
0x5b: {  	[tilespmem:s30], [sflag:$0x1] =	stream.linear.gather @!p1 [hbm4b:s31+s29], $0x80, $0x38;
	[tilespmem:$0x9900] =	vst v63  }
0x5c: {  	_ =	swait.ge @!p1 [sflag:s28], $0x80  }
0x5d: {  	[sflag:s28] =	ssyncset.done @!p1 $0x0  }
0x5e: {  	[sflag:s28] =	ssyncadd.s32 @!p1 $0xFFFFFF80  }
0x5f: {  	[tilespmem:s29], [sflag:$0x1] =	stream.linear.gather @!p1 [hbm4b:s9+s29], $0x4000, $0x38;
	[tilespmem:$0x9900] =	vst v63  }
0x60: {  	s8 =	smov.u32 s13;
	_ =	swait.ge @!p1 [sflag:s28], $0x4000  }
0x61: {  	s13 =	smov.u32 s12;
	s12 =	smov.u32 s11;
	[sflag:s28] =	ssyncset.done @!p1 $0x0  }
0x62: {  	s11 =	smov.u32 s31;
	s31 =	simm.s32 @!p1 $0x80;
	[sflag:s28] =	ssyncadd.s32 @!p1 $0xFFFFC000  }
0x63: {  	[spmem:s2] =	stream.indirect.scatter.add.f32 @!p1 [tilespmem:s29], [sflag:$0x1], $0x80, s30, s31, $0xb8;
	[tilespmem:$0x9900] =	vst v63  }
0x64: {  	_ =	swait.ge @!p1 [sflag:s28], $0x4000  }
0x65: {  	[sflag:s28] =	ssyncset.done @!p1 $0x0  }
0x66: {  	s0 =	smov.u32 s24;
	s24 =	simm.s32 @!p1 $0x4D00;
	[sflag:s28] =	ssyncadd.s32 @!p1 $0xFFFFC000  }
0x67: {  	[spmem:s1] =	stream.indirect.scatter.add.f32 @!p1 [tilespmem:s24], [sflag:$0x1], $0x80, s30, s31, $0xb8;
	[tilespmem:$0x9900] =	vst v63  }
0x68: {  	_ =	swait.ge @!p1 [sflag:s28], $0x4000  }
0x69: {  	[sflag:s28] =	ssyncset.done @!p1 $0x0  }
0x6a: {  	[sflag:s28] =	ssyncadd.s32 @!p1 $0xFFFFC000  }
0x6b: {  	s3 =	sadd.s32 $0xFFFFFFFF, s3;
	[bflag:$0x0] =	sbarrier.arrive $0xFFFF  }
0x6c: {  	[hbm:s4], [sflag:s20] =	dma.local @!p0 [spmem:s7], $0x800  }
0x6d: {  	p4 =	sne.s32 s3, $0x0;
	_ =	swait.ge @!p0 [sflag:s19], $0x800  }
.Ltmp1:
0x6e: {  	[sflag:s19] =	ssyncset.done @!p0 $0x0;
	(pc) =	sbr.rel @!p4 .LBB2_2-.Ltmp1, $4  }
0x6f: {  	[sflag:s19] =	ssyncadd.s32 @!p0 $0xFFFFF800  }
0x70: {  	[hbm:s0], [sflag:s20] =	dma.local @!p0 [spmem:s6], $0x800  }
0x71: {  	_ =	swait.ge @!p0 [sflag:s19], $0x800  }
0x72: {  	p3 =	por $0x1, $0x1;
	s24 =	smov.u32 s0;
	[sflag:s19] =	ssyncset.done @!p0 $0x0  }
.LBB2_3:
0x73: {  	[sflag:s19] =	ssyncadd.s32 @!p0 $0xFFFFF800  }
0x74: {  	[spmem:s7], [sflag:s20] =	dma.local @!p0 [hbm:s15], $0x800  }
0x75: {  	_ =	swait.ge @!p0 [sflag:s19], $0x800  }
0x76: {  	[sflag:s19] =	ssyncset.done @!p0 $0x0  }
0x77: {  	[sflag:s19] =	ssyncadd.s32 @!p0 $0xFFFFF800  }
0x78: {  	[spmem:s6], [sflag:s20] =	dma.local @!p0 [hbm:s15], $0x800  }
0x79: {  	_ =	swait.ge @!p0 [sflag:s19], $0x800  }
0x7a: {  	[sflag:s19] =	ssyncset.done @!p0 $0x0  }
0x7b: {  	[sflag:s19] =	ssyncadd.s32 @!p0 $0xFFFFF800  }
0x7c: {  	[tilespmem:s16], [sflag:$0x1] =	stream.linear.gather [hbm4b:s5+s10], $0x4000, $0x38;
	[tilespmem:$0x9900] =	vst v63  }
0x7d: {  	_ =	swait.ge [sflag:s14], $0x4000  }
0x7e: {  	[sflag:s14] =	ssyncset.done $0x0  }
0x7f: {  	[sflag:s14] =	ssyncadd.s32 $0xFFFFC000  }
0x80: {  	[bflag:$0x0] =	sbarrier.arrive $0xFFFF  }
0x81: {  	s0 =	smov.u32 s4;
	s4 =	rddreg [dreg:$0x5]  }
0x82: {  	[tilespmem:s17], [sflag:$0x1] =	stream.linear.gather [hbm4b:s4+s10], $0x80, $0x38;
	[tilespmem:$0x9900] =	vst v63  }
0x83: {  	_ =	swait.ge [sflag:s14], $0x80  }
0x84: {  	[sflag:s14] =	ssyncset.done $0x0  }
0x85: {  	s4 =	rddreg [dreg:$0x6];
	[sflag:s14] =	ssyncadd.s32 $0xFFFFFF80  }
0x86: {  	[tilespmem:s10], [sflag:$0x1] =	stream.linear.gather [hbm4b:s4+s10], $0x4000, $0x38;
	[tilespmem:$0x9900] =	vst v63  }
0x87: {  	_ =	swait.ge [sflag:s14], $0x4000  }
0x88: {  	[sflag:s14] =	ssyncset.done $0x0  }
0x89: {  	[sflag:s14] =	ssyncadd.s32 $0xFFFFC000  }
0x8a: {  	[spmem:s2] =	stream.indirect.scatter.add.f32 [tilespmem:s10], [sflag:$0x1], $0x80, s17, s18, $0xb8;
	[tilespmem:$0x9900] =	vst v63  }
0x8b: {  	_ =	swait.ge [sflag:s14], $0x4000  }
0x8c: {  	[sflag:s14] =	ssyncset.done $0x0  }
0x8d: {  	[sflag:s14] =	ssyncadd.s32 $0xFFFFC000  }
0x8e: {  	[spmem:s1] =	stream.indirect.scatter.add.f32 [tilespmem:s16], [sflag:$0x1], $0x80, s17, s18, $0xb8;
	[tilespmem:$0x9900] =	vst v63  }
0x8f: {  	_ =	swait.ge [sflag:s14], $0x4000  }
0x90: {  	[sflag:s14] =	ssyncset.done $0x0  }
0x91: {  	s4 =	rddreg [dreg:$0x7];
	[sflag:s14] =	ssyncadd.s32 $0xFFFFC000  }
0x92: {  	[tilespmem:s17], [sflag:$0x1] =	stream.linear.gather [hbm4b:s4+s10], $0x80, $0x38;
	[tilespmem:$0x9900] =	vst v63  }
0x93: {  	_ =	swait.ge [sflag:s14], $0x80  }
0x94: {  	[sflag:s14] =	ssyncset.done $0x0  }
0x95: {  	[sflag:s14] =	ssyncadd.s32 $0xFFFFFF80  }
0x96: {  	[tilespmem:s10], [sflag:$0x1] =	stream.linear.gather [hbm4b:s8+s10], $0x4000, $0x38;
	[tilespmem:$0x9900] =	vst v63  }
0x97: {  	_ =	swait.ge [sflag:s14], $0x4000  }
0x98: {  	[sflag:s14] =	ssyncset.done $0x0  }
0x99: {  	[sflag:s14] =	ssyncadd.s32 $0xFFFFC000  }
0x9a: {  	[spmem:s2] =	stream.indirect.scatter.add.f32 [tilespmem:s10], [sflag:$0x1], $0x80, s17, s18, $0xb8;
	[tilespmem:$0x9900] =	vst v63  }
0x9b: {  	_ =	swait.ge [sflag:s14], $0x4000  }
0x9c: {  	[sflag:s14] =	ssyncset.done $0x0  }
0x9d: {  	[sflag:s14] =	ssyncadd.s32 $0xFFFFC000  }
0x9e: {  	[spmem:s1] =	stream.indirect.scatter.add.f32 [tilespmem:s16], [sflag:$0x1], $0x80, s17, s18, $0xb8;
	[tilespmem:$0x9900] =	vst v63  }
0x9f: {  	_ =	swait.ge [sflag:s14], $0x4000  }
0xa0: {  	[sflag:s14] =	ssyncset.done $0x0  }
0xa1: {  	[sflag:s14] =	ssyncadd.s32 $0xFFFFC000  }
0xa2: {  	[tilespmem:s23], [sflag:$0x1] =	stream.linear.gather @!p2 [hbm4b:s13+s22], $0x10, $0x38;
	[tilespmem:$0x9900] =	vst v63  }
0xa3: {  	_ =	swait.ge @!p2 [sflag:s21], $0x10  }
0xa4: {  	[sflag:s21] =	ssyncset.done @!p2 $0x0  }
0xa5: {  	s4 =	smov.u32 s0;
	s0 =	simm.s32 @!p2 $0x4080;
	[sflag:s21] =	ssyncadd.s32 @!p2 $0xFFFFFFF0  }
0xa6: {  	[tilespmem:s0], [sflag:$0x1] =	stream.linear.gather @!p2 [hbm4b:s12+s22], $0x800, $0x38;
	[tilespmem:$0x9900] =	vst v63  }
0xa7: {  	_ =	swait.ge @!p2 [sflag:s21], $0x800  }
0xa8: {  	[sflag:s21] =	ssyncset.done @!p2 $0x0  }
0xa9: {  	[sflag:s21] =	ssyncadd.s32 @!p2 $0xFFFFF800  }
0xaa: {  	[spmem:s2] =	stream.indirect.scatter.add.f32 @!p2 [tilespmem:s0], [sflag:$0x1], $0x80, s23, s25, $0xb8;
	[tilespmem:$0x9900] =	vst v63  }
0xab: {  	_ =	swait.ge @!p2 [sflag:s21], $0x800  }
0xac: {  	[sflag:s21] =	ssyncset.done @!p2 $0x0  }
0xad: {  	[sflag:s21] =	ssyncadd.s32 @!p2 $0xFFFFF800  }
0xae: {  	[tilespmem:s26], [sflag:$0x1] =	stream.linear.gather @!p2 [hbm4b:s5+s22], $0x800, $0x38;
	[tilespmem:$0x9900] =	vst v63  }
0xaf: {  	_ =	swait.ge @!p2 [sflag:s21], $0x800  }
0xb0: {  	[sflag:s21] =	ssyncset.done @!p2 $0x0  }
0xb1: {  	[sflag:s21] =	ssyncadd.s32 @!p2 $0xFFFFF800  }
0xb2: {  	[spmem:s1] =	stream.indirect.scatter.add.f32 @!p2 [tilespmem:s26], [sflag:$0x1], $0x80, s23, s25, $0xb8;
	[tilespmem:$0x9900] =	vst v63  }
0xb3: {  	_ =	swait.ge @!p2 [sflag:s21], $0x800  }
0xb4: {  	[sflag:s21] =	ssyncset.done @!p2 $0x0  }
0xb5: {  	[sflag:s21] =	ssyncadd.s32 @!p2 $0xFFFFF800  }
0xb6: {  	[tilespmem:s30], [sflag:$0x1] =	stream.linear.gather @!p1 [hbm4b:s11+s29], $0x80, $0x38;
	[tilespmem:$0x9900] =	vst v63  }
0xb7: {  	_ =	swait.ge @!p1 [sflag:s28], $0x80  }
0xb8: {  	[sflag:s28] =	ssyncset.done @!p1 $0x0  }
0xb9: {  	[sflag:s28] =	ssyncadd.s32 @!p1 $0xFFFFFF80  }
0xba: {  	[tilespmem:s29], [sflag:$0x1] =	stream.linear.gather @!p1 [hbm4b:s9+s29], $0x4000, $0x38;
	[tilespmem:$0x9900] =	vst v63  }
0xbb: {  	_ =	swait.ge @!p1 [sflag:s28], $0x4000  }
0xbc: {  	[sflag:s28] =	ssyncset.done @!p1 $0x0  }
0xbd: {  	[sflag:s28] =	ssyncadd.s32 @!p1 $0xFFFFC000  }
0xbe: {  	[spmem:s2] =	stream.indirect.scatter.add.f32 @!p1 [tilespmem:s29], [sflag:$0x1], $0x80, s30, s31, $0xb8;
	[tilespmem:$0x9900] =	vst v63  }
0xbf: {  	_ =	swait.ge @!p1 [sflag:s28], $0x4000  }
0xc0: {  	[sflag:s28] =	ssyncset.done @!p1 $0x0  }
0xc1: {  	s0 =	simm.s32 @!p1 $0x4D00;
	[sflag:s28] =	ssyncadd.s32 @!p1 $0xFFFFC000  }
0xc2: {  	[spmem:s1] =	stream.indirect.scatter.add.f32 @!p1 [tilespmem:s0], [sflag:$0x1], $0x80, s30, s31, $0xb8;
	[tilespmem:$0x9900] =	vst v63  }
0xc3: {  	_ =	swait.ge @!p1 [sflag:s28], $0x4000  }
0xc4: {  	[sflag:s28] =	ssyncset.done @!p1 $0x0  }
0xc5: {  	[sflag:s28] =	ssyncadd.s32 @!p1 $0xFFFFC000  }
0xc6: {  	s3 =	sadd.s32 $0xFFFFFFFF, s3;
	[bflag:$0x0] =	sbarrier.arrive $0xFFFF  }
0xc7: {  	[hbm:s4], [sflag:s20] =	dma.local @!p0 [spmem:s7], $0x800  }
0xc8: {  	p4 =	sne.s32 s3, $0x0;
	_ =	swait.ge @!p0 [sflag:s19], $0x800  }
.Ltmp2:
0xc9: {  	[sflag:s19] =	ssyncset.done @!p0 $0x0;
	(pc) =	sbr.rel @p4 .LBB2_3-.Ltmp2, $4  }
0xca: {  	[sflag:s19] =	ssyncadd.s32 @!p0 $0xFFFFF800  }
0xcb: {  	[hbm:s24], [sflag:s20] =	dma.local @!p0 [spmem:s6], $0x800  }
0xcc: {  	_ =	swait.ge @!p0 [sflag:s19], $0x800  }
0xcd: {  	[sflag:s19] =	ssyncset.done @!p0 $0x0  }
0xce: {  	s21 =	rddreg [dreg:$0x4];
	s31 =	smov.u32 s11  }
0xcf: {  	s11 =	smov.u32 s12;
	s12 =	smov.u32 s13;
	s13 =	smov.u32 s8  }
.LBB2_5:
0xd0: {  	p3 =	por p0, !p3  }
0xd1: {  	s3 =	simm.s32 @!p0 $0x1C01;
	s0 =	simm.s32 @!p0 $0x1;
	[sflag:s19] =	ssyncadd.s32 @!p3 $0xFFFFF800  }
0xd2: {  	[spmem:s7], [sflag:s3] =	dma.local @!p0 [hbm:s15], $0x800  }
0xd3: {  	_ =	swait.ge @!p0 [sflag:s0], $0x800  }
0xd4: {  	[sflag:s0] =	ssyncset.done @!p0 $0x0  }
0xd5: {  	[sflag:s0] =	ssyncadd.s32 @!p0 $0xFFFFF800  }
0xd6: {  	[spmem:s6], [sflag:s3] =	dma.local @!p0 [hbm:s15], $0x800  }
0xd7: {  	_ =	swait.ge @!p0 [sflag:s0], $0x800  }
0xd8: {  	[sflag:s0] =	ssyncset.done @!p0 $0x0  }
0xd9: {  	[sflag:s0] =	ssyncadd.s32 @!p0 $0xFFFFF800  }
0xda: {  	[tilespmem:s16], [sflag:$0x1] =	stream.linear.gather [hbm4b:s5+s10], $0x4000, $0x38;
	[tilespmem:$0x9900] =	vst v63  }
0xdb: {  	_ =	swait.ge [sflag:s14], $0x4000  }
0xdc: {  	[sflag:s14] =	ssyncset.done $0x0  }
0xdd: {  	[sflag:s14] =	ssyncadd.s32 $0xFFFFC000  }
0xde: {  	[bflag:$0x0] =	sbarrier.arrive $0xFFFF  }
0xdf: {  	s28 =	rddreg [dreg:$0x5]  }
0xe0: {  	[tilespmem:s17], [sflag:$0x1] =	stream.linear.gather [hbm4b:s28+s10], $0x80, $0x38;
	[tilespmem:$0x9900] =	vst v63  }
0xe1: {  	_ =	swait.ge [sflag:s14], $0x80  }
0xe2: {  	[sflag:s14] =	ssyncset.done $0x0  }
0xe3: {  	s29 =	rddreg [dreg:$0x6];
	[sflag:s14] =	ssyncadd.s32 $0xFFFFFF80  }
0xe4: {  	[tilespmem:s10], [sflag:$0x1] =	stream.linear.gather [hbm4b:s29+s10], $0x4000, $0x38;
	[tilespmem:$0x9900] =	vst v63  }
0xe5: {  	_ =	swait.ge [sflag:s14], $0x4000  }
0xe6: {  	[sflag:s14] =	ssyncset.done $0x0  }
0xe7: {  	[sflag:s14] =	ssyncadd.s32 $0xFFFFC000  }
0xe8: {  	[spmem:s2] =	stream.indirect.scatter.add.f32 [tilespmem:s10], [sflag:$0x1], $0x80, s17, s18, $0xb8;
	[tilespmem:$0x9900] =	vst v63  }
0xe9: {  	_ =	swait.ge [sflag:s14], $0x4000  }
0xea: {  	[sflag:s14] =	ssyncset.done $0x0  }
0xeb: {  	[sflag:s14] =	ssyncadd.s32 $0xFFFFC000  }
0xec: {  	[spmem:s1] =	stream.indirect.scatter.add.f32 [tilespmem:s16], [sflag:$0x1], $0x80, s17, s18, $0xb8;
	[tilespmem:$0x9900] =	vst v63  }
0xed: {  	_ =	swait.ge [sflag:s14], $0x4000  }
0xee: {  	[sflag:s14] =	ssyncset.done $0x0  }
0xef: {  	s30 =	rddreg [dreg:$0x7];
	[sflag:s14] =	ssyncadd.s32 $0xFFFFC000  }
0xf0: {  	[tilespmem:s17], [sflag:$0x1] =	stream.linear.gather [hbm4b:s30+s10], $0x80, $0x38;
	[tilespmem:$0x9900] =	vst v63  }
0xf1: {  	_ =	swait.ge [sflag:s14], $0x80  }
0xf2: {  	[sflag:s14] =	ssyncset.done $0x0  }
0xf3: {  	[sflag:s14] =	ssyncadd.s32 $0xFFFFFF80  }
0xf4: {  	[tilespmem:s10], [sflag:$0x1] =	stream.linear.gather [hbm4b:s13+s10], $0x4000, $0x38;
	[tilespmem:$0x9900] =	vst v63  }
0xf5: {  	_ =	swait.ge [sflag:s14], $0x4000  }
0xf6: {  	[sflag:s14] =	ssyncset.done $0x0  }
0xf7: {  	[sflag:s14] =	ssyncadd.s32 $0xFFFFC000  }
0xf8: {  	[spmem:s2] =	stream.indirect.scatter.add.f32 [tilespmem:s10], [sflag:$0x1], $0x80, s17, s18, $0xb8;
	[tilespmem:$0x9900] =	vst v63  }
0xf9: {  	_ =	swait.ge [sflag:s14], $0x4000  }
0xfa: {  	[sflag:s14] =	ssyncset.done $0x0  }
0xfb: {  	[sflag:s14] =	ssyncadd.s32 $0xFFFFC000  }
0xfc: {  	[spmem:s1] =	stream.indirect.scatter.add.f32 [tilespmem:s16], [sflag:$0x1], $0x80, s17, s18, $0xb8;
	[tilespmem:$0x9900] =	vst v63  }
0xfd: {  	_ =	swait.ge [sflag:s14], $0x4000  }
0xfe: {  	s15 =	smov.u32 s4;
	s4 =	simm.s32 @!p2 $0x1;
	[sflag:s14] =	ssyncset.done $0x0  }
0xff: {  	s13 =	simm.s32 @!p2 $0x4880;
	s10 =	simm.s32 @!p2 $0x0;
	[sflag:s14] =	ssyncadd.s32 $0xFFFFC000  }
0x100: {  	[tilespmem:s13], [sflag:$0x1] =	stream.linear.gather @!p2 [hbm4b:s12+s10], $0x10, $0x38;
	[tilespmem:$0x9900] =	vst v63  }
0x101: {  	_ =	swait.ge @!p2 [sflag:s4], $0x10  }
0x102: {  	[sflag:s4] =	ssyncset.done @!p2 $0x0  }
0x103: {  	s12 =	simm.s32 @!p2 $0x4080;
	[sflag:s4] =	ssyncadd.s32 @!p2 $0xFFFFFFF0  }
0x104: {  	[tilespmem:s12], [sflag:$0x1] =	stream.linear.gather @!p2 [hbm4b:s11+s10], $0x800, $0x38;
	[tilespmem:$0x9900] =	vst v63  }
0x105: {  	_ =	swait.ge @!p2 [sflag:s4], $0x800  }
0x106: {  	[sflag:s4] =	ssyncset.done @!p2 $0x0  }
0x107: {  	s11 =	simm.s32 @!p2 $0x10;
	[sflag:s4] =	ssyncadd.s32 @!p2 $0xFFFFF800  }
0x108: {  	[spmem:s2] =	stream.indirect.scatter.add.f32 @!p2 [tilespmem:s12], [sflag:$0x1], $0x80, s13, s11, $0xb8;
	[tilespmem:$0x9900] =	vst v63  }
0x109: {  	_ =	swait.ge @!p2 [sflag:s4], $0x800  }
0x10a: {  	[sflag:s4] =	ssyncset.done @!p2 $0x0  }
0x10b: {  	s12 =	simm.s32 @!p2 $0x8D00;
	[sflag:s4] =	ssyncadd.s32 @!p2 $0xFFFFF800  }
0x10c: {  	[tilespmem:s12], [sflag:$0x1] =	stream.linear.gather @!p2 [hbm4b:s5+s10], $0x800, $0x38;
	[tilespmem:$0x9900] =	vst v63  }
0x10d: {  	_ =	swait.ge @!p2 [sflag:s4], $0x800  }
0x10e: {  	[sflag:s4] =	ssyncset.done @!p2 $0x0  }
0x10f: {  	[sflag:s4] =	ssyncadd.s32 @!p2 $0xFFFFF800  }
0x110: {  	[spmem:s1] =	stream.indirect.scatter.add.f32 @!p2 [tilespmem:s12], [sflag:$0x1], $0x80, s13, s11, $0xb8;
	[tilespmem:$0x9900] =	vst v63  }
0x111: {  	_ =	swait.ge @!p2 [sflag:s4], $0x800  }
0x112: {  	s5 =	simm.s32 @!p1 $0x1;
	[sflag:s4] =	ssyncset.done @!p2 $0x0  }
0x113: {  	s10 =	simm.s32 @!p1 $0x4000;
	[sflag:s4] =	ssyncadd.s32 @!p2 $0xFFFFF800;
	s4 =	simm.s32 @!p1 $0x0  }
0x114: {  	[tilespmem:s10], [sflag:$0x1] =	stream.linear.gather @!p1 [hbm4b:s31+s4], $0x80, $0x38;
	[tilespmem:$0x9900] =	vst v63  }
0x115: {  	_ =	swait.ge @!p1 [sflag:s5], $0x80  }
0x116: {  	[sflag:s5] =	ssyncset.done @!p1 $0x0  }
0x117: {  	[sflag:s5] =	ssyncadd.s32 @!p1 $0xFFFFFF80  }
0x118: {  	[tilespmem:s4], [sflag:$0x1] =	stream.linear.gather @!p1 [hbm4b:s9+s4], $0x4000, $0x38;
	[tilespmem:$0x9900] =	vst v63  }
0x119: {  	_ =	swait.ge @!p1 [sflag:s5], $0x4000  }
0x11a: {  	[sflag:s5] =	ssyncset.done @!p1 $0x0  }
0x11b: {  	s8 =	simm.s32 @!p1 $0x80;
	[sflag:s5] =	ssyncadd.s32 @!p1 $0xFFFFC000  }
0x11c: {  	[spmem:s2] =	stream.indirect.scatter.add.f32 @!p1 [tilespmem:s4], [sflag:$0x1], $0x80, s10, s8, $0xb8;
	[tilespmem:$0x9900] =	vst v63  }
0x11d: {  	_ =	swait.ge @!p1 [sflag:s5], $0x4000  }
0x11e: {  	[sflag:s5] =	ssyncset.done @!p1 $0x0  }
0x11f: {  	s2 =	simm.s32 @!p1 $0x4D00;
	[sflag:s5] =	ssyncadd.s32 @!p1 $0xFFFFC000  }
0x120: {  	[spmem:s1] =	stream.indirect.scatter.add.f32 @!p1 [tilespmem:s2], [sflag:$0x1], $0x80, s10, s8, $0xb8;
	[tilespmem:$0x9900] =	vst v63  }
0x121: {  	_ =	swait.ge @!p1 [sflag:s5], $0x4000  }
0x122: {  	[sflag:s5] =	ssyncset.done @!p1 $0x0  }
0x123: {  	[sflag:s5] =	ssyncadd.s32 @!p1 $0xFFFFC000  }
0x124: {  	[bflag:$0x0] =	sbarrier.arrive $0xFFFF  }
0x125: {  	[hbm:s15], [sflag:s3] =	dma.local @!p0 [spmem:s7], $0x800  }
0x126: {  	_ =	swait.ge @!p0 [sflag:s0], $0x800  }
0x127: {  	[sflag:s0] =	ssyncset.done @!p0 $0x0  }
0x128: {  	[sflag:s0] =	ssyncadd.s32 @!p0 $0xFFFFF800  }
0x129: {  	[hbm:s24], [sflag:s3] =	dma.local @!p0 [spmem:s6], $0x800  }
0x12a: {  	_ =	swait.ge @!p0 [sflag:s0], $0x800  }
0x12b: {  	[sflag:s0] =	ssyncset.done @!p0 $0x0  }
0x12c: {  	[sflag:s0] =	ssyncadd.s32 @!p0 $0xFFFFF800  }
0x12d: {  	_ =	sfence.sel $0x180000  }
0x12e: {  	[bflag:$0x0] =	sbarrier.arrive $0xFFFF  }
0x12f: {  	_ =	strace $0x90000047  }
0x130: {  	s0 =	sadd.s32 @!p0 $0x100000, s21;
	[bflag:$0x2] =	sbarrier.arrive $0xFFFF  }
0x131: {  	[sflag:s0] =	ssyncadd.tile.s32 @!p0 $0x1;
	_ =	shalt  }
.LBB2_2:
.Ltmp3:
0x132: {  	(pc) =	sbr.rel .LBB2_5-.Ltmp3, $3  }
0x133: {  	_ =	sdelay $0x1  }
0x134: {  	s21 =	rddreg [dreg:$0x4];
	s31 =	smov.u32 s11  }
0x135: {  	s11 =	smov.u32 s12;
	s12 =	smov.u32 s13;
	s13 =	smov.u32 s8  }
.Lfunc_end2:
_tile_overlayer_lowered:
.L_overlay_start_2:
0x136: {  	(tag) =	ssettag $0x2  }
0x137: {  	s0 =	rddreg [dreg:$0x0];
	s2 =	stileid.u32  }
0x138: {  	s1 =	rddreg [dreg:$0x1];
	p0 =	sne.s32 s2, $0x0  }
0x139: {  	s3 =	rddreg [dreg:$0x2];
	[bflag:$0x3] =	sbarrier.arrive $0xFFFF;
	s2 =	simm.s32 @!p0 $0x1C01  }
0x13a: {  	[timem:s3], [sflag:s2] =	dma.local @!p0 [hbm:s0], s1  }
0x13b: {  	s0 =	simm.s32 @!p0 $0x1  }
0x13c: {  	_ =	swait.ge @!p0 [sflag:s0], s1  }
0x13d: {  	s1 =	ssub.s32 @!p0 $0x0, s1;
	[sflag:s0] =	ssyncset.done @!p0 $0x0  }
0x13e: {  	[sflag:s0] =	ssyncadd.s32 @!p0 s1  }
0x13f: {  	[bflag:$0x3] =	sbarrier.arrive $0xFFFF  }
0x140: {  	_ =	shalt  }

</sc_bundles>
